<compile_context>
chip_gen: v7x
topology: tpu7x:2x2x1
jax: 0.10.2.dev20260603
libtpu: 0.0.44.dev20260713+nightly
codegen_flags: <defaults>
</compile_context>

<pallas_src>
import functools

import jax
import jax.numpy as jnp
from jax import lax
from jax.experimental import pallas as pl
from jax.experimental.pallas import tpu as pltpu
from jax.experimental.pallas import tpu_sc as plsc

NQ = 4096
NK = 100000
ND = 128
KNN = 32
KPAD = 102400
SEGW = 32
NSEG = KPAD // SEGW
QB = 256
KB = 4096
NCAND = KNN * SEGW
GROW = 128
NROW = KPAD // GROW
BIG = 1 << 30
NEG_INF = float("-inf")


def _scores_body(q_ref, k_ref, ksq_ref, qsq_ref, ksqt_ref, qsqt_ref,
                 s_ref, mt_ref):
    q = q_ref[...]
    kk = k_ref[...]
    dots = lax.dot_general(q, kk, (((1,), (1,)), ((), ())),
                           preferred_element_type=jnp.float32)
    neg = -(qsq_ref[...] - 2.0 * dots + ksq_ref[...])
    s_ref[...] = neg.reshape(QB, KB // GROW, GROW)
    dots_t = lax.dot_general(kk, q, (((1,), (1,)), ((), ())),
                             preferred_element_type=jnp.float32)
    neg_t = -(qsqt_ref[...] - 2.0 * dots_t + ksqt_ref[...])
    mt_ref[...] = jnp.max(neg_t.reshape(KB // SEGW, SEGW, QB), axis=1)


def _scores(queries, keys_p, ksq, qsq):
    grid = (NQ // QB, KPAD // KB)
    return pl.pallas_call(
        _scores_body,
        grid=grid,
        compiler_params=pltpu.CompilerParams(
            dimension_semantics=("parallel", "parallel")),
        in_specs=[
            pl.BlockSpec((QB, ND), lambda qi, ki: (qi, 0)),
            pl.BlockSpec((KB, ND), lambda qi, ki: (ki, 0)),
            pl.BlockSpec((1, KB), lambda qi, ki: (0, ki)),
            pl.BlockSpec((QB, 1), lambda qi, ki: (qi, 0)),
            pl.BlockSpec((KB, 1), lambda qi, ki: (ki, 0)),
            pl.BlockSpec((1, QB), lambda qi, ki: (0, qi)),
        ],
        out_specs=[
            pl.BlockSpec((QB, KB // GROW, GROW), lambda qi, ki: (qi, ki, 0)),
            pl.BlockSpec((KB // SEGW, QB), lambda qi, ki: (ki, qi)),
        ],
        out_shape=[
            jax.ShapeDtypeStruct((NQ, NROW, GROW), jnp.float32),
            jax.ShapeDtypeStruct((NSEG, NQ), jnp.float32),
        ],
    )(queries, keys_p, ksq.reshape(1, KPAD), qsq.reshape(NQ, 1),
      ksq.reshape(KPAD, 1), qsq.reshape(1, NQ))


def _segtop_body(mt_ref, seg_ref, flat_ref):
    x = mt_ref[...].T
    qi = pl.program_id(0)
    lane = lax.broadcasted_iota(jnp.int32, (QB, NSEG), 1)
    col = lax.broadcasted_iota(jnp.int32, (QB, KNN), 1)
    seg = jnp.zeros((QB, KNN), jnp.int32)
    for it in range(KNN):
        m = jnp.max(x, axis=1, keepdims=True)
        p = jnp.min(jnp.where(x == m, lane, BIG), axis=1)
        seg = jnp.where(col == it, p[:, None], seg)
        x = jnp.where(lane == p[:, None], NEG_INF, x)
    rows = lax.broadcasted_iota(jnp.int32, (QB, KNN), 0) + qi * QB
    seg_ref[...] = seg
    flat_ref[...] = rows * NROW + (seg >> 2)


def _segtop(mt):
    return pl.pallas_call(
        _segtop_body,
        grid=(NQ // QB,),
        in_specs=[pl.BlockSpec((NSEG, QB), lambda qi: (0, qi))],
        out_specs=[
            pl.BlockSpec((QB, KNN), lambda qi: (qi, 0)),
            pl.BlockSpec((QB, KNN), lambda qi: (qi, 0)),
        ],
        out_shape=[
            jax.ShapeDtypeStruct((NQ, KNN), jnp.int32),
            jax.ShapeDtypeStruct((NQ, KNN), jnp.int32),
        ],
    )(mt)


def _final_body(c_ref, seg_ref, val_ref, idx_ref):
    c = c_ref[...]
    seg = seg_ref[...]
    w = (seg & 3)[:, :, None]
    x = jnp.where(w == 0, c[:, :, 0:SEGW],
        jnp.where(w == 1, c[:, :, SEGW:2 * SEGW],
        jnp.where(w == 2, c[:, :, 2 * SEGW:3 * SEGW], c[:, :, 3 * SEGW:])))
    x = x.reshape(QB, NCAND)
    lane = lax.broadcasted_iota(jnp.int32, (QB, NCAND), 1)
    col = lax.broadcasted_iota(jnp.int32, (QB, KNN), 1)
    accv = jnp.zeros((QB, KNN), jnp.float32)
    acci = jnp.zeros((QB, KNN), jnp.int32)
    for it in range(KNN):
        m = jnp.max(x, axis=1, keepdims=True)
        p = jnp.min(jnp.where(x == m, lane, BIG), axis=1)[:, None]
        sl = p >> 5
        sg = jnp.max(jnp.where(col == sl, seg, -1), axis=1, keepdims=True)
        accv = jnp.where(col == it, m, accv)
        acci = jnp.where(col == it, sg * SEGW + (p & 31), acci)
        x = jnp.where(lane == p, NEG_INF, x)
    val_ref[...] = -accv
    idx_ref[...] = acci


def _final(cand, seg_ids):
    return pl.pallas_call(
        _final_body,
        grid=(NQ // QB,),
        in_specs=[
            pl.BlockSpec((QB, KNN, GROW), lambda qi: (qi, 0, 0)),
            pl.BlockSpec((QB, KNN), lambda qi: (qi, 0)),
        ],
        out_specs=[
            pl.BlockSpec((QB, KNN), lambda qi: (qi, 0)),
            pl.BlockSpec((QB, KNN), lambda qi: (qi, 0)),
        ],
        out_shape=[
            jax.ShapeDtypeStruct((NQ, KNN), jnp.float32),
            jax.ShapeDtypeStruct((NQ, KNN), jnp.int32),
        ],
    )(cand, seg_ids)


NC = 2
NS = 16
NGATHER = NQ * KNN
CHUNK = 128


def _make_sc_gather():
    nw = NC * NS
    per_w = NGATHER // nw
    nchunk = per_w // CHUNK
    mesh = plsc.VectorSubcoreMesh(
        core_axis_name="c", subcore_axis_name="s", num_cores=NC, num_subcores=NS)

    @functools.partial(
        pl.kernel,
        mesh=mesh,
        out_type=jax.ShapeDtypeStruct((NGATHER, GROW), jnp.float32),
        scratch_types=[
            pltpu.VMEM((nchunk, CHUNK), jnp.int32),
            pltpu.VMEM((CHUNK, GROW), jnp.float32),
            pltpu.VMEM((CHUNK, GROW), jnp.float32),
            pltpu.SemaphoreType.DMA,
            pltpu.SemaphoreType.DMA,
            pltpu.SemaphoreType.DMA,
            pltpu.SemaphoreType.DMA,
        ],
    )
    def gather_k(s_hbm, idx_hbm, out_hbm, idx_v, rows_a, rows_b,
                 gsem_a, gsem_b, osem_a, osem_b):
        wid = lax.axis_index("s") * NC + lax.axis_index("c")
        pltpu.sync_copy(idx_hbm.at[pl.ds(wid * nchunk, nchunk)], idx_v)
        base = wid * per_w

        pltpu.async_copy(s_hbm.at[idx_v.at[0]], rows_a, gsem_a)

        def body(jj, carry):
            j0 = jj * 2
            pltpu.make_async_copy(s_hbm.at[idx_v.at[j0]], rows_a, gsem_a).wait()
            pl.when(jj > 0)(lambda: pltpu.make_async_copy(
                rows_b, out_hbm.at[pl.ds(base + (j0 - 1) * CHUNK, CHUNK)],
                osem_b).wait())
            pltpu.async_copy(s_hbm.at[idx_v.at[j0 + 1]], rows_b, gsem_b)
            pltpu.async_copy(
                rows_a, out_hbm.at[pl.ds(base + j0 * CHUNK, CHUNK)], osem_a)
            pltpu.make_async_copy(s_hbm.at[idx_v.at[j0 + 1]], rows_b,
                                  gsem_b).wait()
            pltpu.make_async_copy(
                rows_a, out_hbm.at[pl.ds(base + j0 * CHUNK, CHUNK)],
                osem_a).wait()
            def _next_gather():
                pltpu.async_copy(s_hbm.at[idx_v.at[j0 + 2]], rows_a, gsem_a)

            pl.when(jj + 1 < nchunk // 2)(_next_gather)
            pltpu.async_copy(
                rows_b, out_hbm.at[pl.ds(base + (j0 + 1) * CHUNK, CHUNK)],
                osem_b)
            return carry

        lax.fori_loop(0, nchunk // 2, body, 0)
        pltpu.make_async_copy(
            rows_b, out_hbm.at[pl.ds(base + (nchunk - 1) * CHUNK, CHUNK)],
            osem_b).wait()

    return gather_k


def kernel(queries, keys, k):
    del k
    keys_p = jnp.pad(keys, ((0, KPAD - NK), (0, 0)), constant_values=1000.0)
    ksq = jnp.sum(keys_p * keys_p, axis=1)
    qsq = jnp.sum(queries * queries, axis=1)
    s, mt = _scores(queries, keys_p, ksq, qsq)
    seg_ids, flat_idx = _segtop(mt)
    s_rows = s.reshape(NQ * NROW, GROW)
    cand = _make_sc_gather()(
        s_rows, flat_idx.reshape(NGATHER // CHUNK, CHUNK)).reshape(NQ, KNN, GROW)
    vals, idxs = _final(cand, seg_ids)
    return vals, idxs

# --- scband reference (transcript-rebuilt; emitter-appended) ---
"""Pipeline reference for scband-neural-points-42958262895392 (READ-ONLY COPY).

The authoritative reference and input builder live on the scoring server;
editing this copy changes nothing except your own understanding.
"""

import jax, jax.numpy as jnp
import numpy as np


def setup_inputs(seed: int = 0) -> dict:
    key = jax.random.key(seed)
    kq, kk = jax.random.split(key)
    queries = jax.random.normal(kq, (4096, 128), dtype=jnp.float32)
    keys = jax.random.normal(kk, (100000, 128), dtype=jnp.float32)
    return {"queries": queries, "keys": keys, "k": 32}


def reference(queries, keys, k):
    # K-NN retrieval of neural points for each query (shading point):
    # squared euclidean distance via the ||q||^2 - 2 q.k + ||k||^2 expansion
    q_sq = jnp.sum(queries * queries, axis=1, keepdims=True)  # [Q, 1]
    k_sq = jnp.sum(keys * keys, axis=1)                       # [K]
    dots = jnp.matmul(queries, keys.T)                        # [Q, K]
    neg_dist2 = -(q_sq - 2.0 * dots + k_sq[None, :])          # [Q, K]
    neg_dist2 = neg_dist2 + (k - k)
    k_static = 32
    topk_neg_dist, topk_idx = jax.lax.top_k(neg_dist2, k_static)  # [Q, k], [Q, k]
    topk_dist2 = -topk_neg_dist
    return topk_dist2, topk_idx

if __name__ == "__main__":
    import jax
    _d = setup_inputs()
    print(jax.jit(kernel)(*tuple(_d.values())))

</pallas_src>

<mosaic_0001>
#map = affine_map<(d0, d1) -> (0, 0)>
module attributes {stable_mosaic.version = 14 : i64} {
  func.func @gather_k(%arg0: i32, %arg1: i32, %arg2: memref<3276800x128xf32, #tpu.memory_space<hbm>>, %arg3: memref<1024x128xi32, #tpu.memory_space<hbm>>, %arg4: memref<131072x128xf32, #tpu.memory_space<hbm>>, %arg5: memref<32x128xi32, #tpu.memory_space<vmem>>, %arg6: memref<128x128xf32, #tpu.memory_space<vmem>>, %arg7: memref<128x128xf32, #tpu.memory_space<vmem>>, %arg8: memref<!tpu.dma_semaphore, #tpu.memory_space<semaphore_mem>>, %arg9: memref<!tpu.dma_semaphore, #tpu.memory_space<semaphore_mem>>, %arg10: memref<!tpu.dma_semaphore, #tpu.memory_space<semaphore_mem>>, %arg11: memref<!tpu.dma_semaphore, #tpu.memory_space<semaphore_mem>>) attributes {dimension_semantics = [#tpu.dimension_semantics<core_parallel>, #tpu.dimension_semantics<subcore_parallel>], iteration_bounds = array<i64: 2, 16>, scalar_prefetch = 0 : i64, scratch_operands = 7 : i64, tpu.core_type = #tpu.core_type<sc_vector_subcore>, window_params = [{transform_indices = #map}, {transform_indices = #map}, {transform_indices = #map}]} {
    %mul3A = arith.constant 2 : i32
    %mul3A_0 = arith.muli %arg1, %mul3A : i32
    %add3A = arith.addi %mul3A_0, %arg0 : i32
    %mul3A_1 = arith.constant 32 : i32
    %mul3A_2 = arith.muli %add3A, %mul3A_1 : i32
    "tpu.region"() ({
      %run_scoped3A = tpu.sem_alloc : memref<!tpu.dma_semaphore, #tpu.memory_space<semaphore_mem>>
      %dma_start3A_21 = arith.constant 0 : i32
      %dma_start3A_22 = tpu.memref_slice %arg3[%mul3A_2, %dma_start3A_21] : memref<1024x128xi32, #tpu.memory_space<hbm>> -> memref<32x128xi32, #tpu.memory_space<hbm>>
      %dma_start3A_23 = arith.constant 0 : i32
      %dma_start3A_24 = tpu.memref_slice %arg3[%mul3A_2, %dma_start3A_23] : memref<1024x128xi32, #tpu.memory_space<hbm>> -> memref<32x128xi32, #tpu.memory_space<hbm>>
      tpu.enqueue_dma source(%dma_start3A_24 : memref<32x128xi32, #tpu.memory_space<hbm>>) target(%arg5 : memref<32x128xi32, #tpu.memory_space<vmem>>) target_semaphore(%run_scoped3A : memref<!tpu.dma_semaphore, #tpu.memory_space<semaphore_mem>>)
      %dma_wait3A_25 = arith.constant 0 : i32
      %dma_wait3A_26 = tpu.memref_slice %arg3[%mul3A_2, %dma_wait3A_25] : memref<1024x128xi32, #tpu.memory_space<hbm>> -> memref<32x128xi32, #tpu.memory_space<hbm>>
      %dma_wait3A_27 = arith.constant 0 : i32
      %dma_wait3A_28 = tpu.memref_slice %arg3[%mul3A_2, %dma_wait3A_27] : memref<1024x128xi32, #tpu.memory_space<hbm>> -> memref<32x128xi32, #tpu.memory_space<hbm>>
      tpu.wait_dma2 semaphore(%run_scoped3A : memref<!tpu.dma_semaphore, #tpu.memory_space<semaphore_mem>>) src(%dma_wait3A_28 : memref<32x128xi32, #tpu.memory_space<hbm>>) dst(%arg5 : memref<32x128xi32, #tpu.memory_space<vmem>>)
      tpu.yield
    }) : () -> ()
    %mul3A_3 = arith.constant 4096 : i32
    %mul3A_4 = arith.muli %add3A, %mul3A_3 : i32
    %dma_start3A = arith.constant 0 : i32
    %dma_start3A_5 = arith.constant 0 : i32
    %dma_start3A_6 = tpu.memref_slice %arg5[%dma_start3A, %dma_start3A_5] : memref<32x128xi32, #tpu.memory_space<vmem>> -> memref<1x128xi32, #tpu.memory_space<vmem>>
    %dma_start3A_7 = tpu.memref_squeeze %dma_start3A_6 : memref<1x128xi32, #tpu.memory_space<vmem>> -> memref<128xi32, #tpu.memory_space<vmem>>
    %dma_start3A_8 = arith.constant 0 : i32
    %dma_start3A_9 = arith.constant 0 : i32
    %dma_start3A_10 = tpu.memref_slice %arg2[%dma_start3A_8, %dma_start3A_9] : memref<3276800x128xf32, #tpu.memory_space<hbm>> -> memref<3276800x128xf32, #tpu.memory_space<hbm>>
    tpu.enqueue_indirect_dma source(%dma_start3A_10 : memref<3276800x128xf32, #tpu.memory_space<hbm>>) target(%arg6 : memref<128x128xf32, #tpu.memory_space<vmem>>) offsets(%dma_start3A_7 : memref<128xi32, #tpu.memory_space<vmem>>) semaphore(%arg8 : memref<!tpu.dma_semaphore, #tpu.memory_space<semaphore_mem>>)
    %scan3A = arith.constant 0 : i32
    %scan3A_11 = arith.constant 0 : i32
    %scan3A_12 = arith.constant 16 : i32
    %scan3A_13 = arith.addi %scan3A_11, %scan3A_12 : i32
    %scan3A_14 = arith.constant 1 : i32
    scf.for %scan3A_21 = %scan3A_11 to %scan3A_13 step %scan3A_14  : i32 {
      %mul3A_22 = arith.constant 2 : i32
      %mul3A_23 = arith.muli %scan3A_21, %mul3A_22 : i32
      %dma_wait3A_24 = arith.constant 0 : i32
      %dma_wait3A_25 = tpu.memref_slice %arg5[%mul3A_23, %dma_wait3A_24] : memref<32x128xi32, #tpu.memory_space<vmem>> -> memref<1x128xi32, #tpu.memory_space<vmem>>
      %dma_wait3A_26 = tpu.memref_squeeze %dma_wait3A_25 : memref<1x128xi32, #tpu.memory_space<vmem>> -> memref<128xi32, #tpu.memory_space<vmem>>
      %dma_wait3A_27 = arith.constant 0 : i32
      %dma_wait3A_28 = arith.constant 0 : i32
      %dma_wait3A_29 = tpu.memref_slice %arg2[%dma_wait3A_27, %dma_wait3A_28] : memref<3276800x128xf32, #tpu.memory_space<hbm>> -> memref<3276800x128xf32, #tpu.memory_space<hbm>>
      tpu.wait_indirect_dma semaphore(%arg8 : memref<!tpu.dma_semaphore, #tpu.memory_space<semaphore_mem>>) src(%dma_wait3A_29 : memref<3276800x128xf32, #tpu.memory_space<hbm>>) dst(%arg6 : memref<128x128xf32, #tpu.memory_space<vmem>>)
      %gt3A = arith.constant 0 : i32
      %gt3A_30 = arith.cmpi sgt, %scan3A_21, %gt3A : i32
      %convert_element_type3A = arith.extui %gt3A_30 : i1 to i32
      %cond3A = arith.constant 0 : i32
      %cond3A_31 = arith.cmpi ne, %convert_element_type3A, %cond3A : i32
      scf.if %cond3A_31 {
        %sub3A = arith.constant 1 : i32
        %sub3A_77 = arith.subi %mul3A_23, %sub3A : i32
        %mul3A_78 = arith.constant 128 : i32
        %mul3A_79 = arith.muli %sub3A_77, %mul3A_78 : i32
        %add3A_80 = arith.addi %mul3A_4, %mul3A_79 : i32
        %dma_wait3A_81 = arith.constant 0 : i32
        %dma_wait3A_82 = tpu.memref_slice %arg4[%add3A_80, %dma_wait3A_81] : memref<131072x128xf32, #tpu.memory_space<hbm>> -> memref<128x128xf32, #tpu.memory_space<hbm>>
        %dma_wait3A_83 = arith.constant 0 : i32
        %dma_wait3A_84 = tpu.memref_slice %arg4[%add3A_80, %dma_wait3A_83] : memref<131072x128xf32, #tpu.memory_space<hbm>> -> memref<128x128xf32, #tpu.memory_space<hbm>>
        tpu.wait_dma2 semaphore(%arg11 : memref<!tpu.dma_semaphore, #tpu.memory_space<semaphore_mem>>) src(%arg7 : memref<128x128xf32, #tpu.memory_space<vmem>>) dst(%dma_wait3A_84 : memref<128x128xf32, #tpu.memory_space<hbm>>)
      } else {
      }
      %add3A_32 = arith.constant 1 : i32
      %add3A_33 = arith.addi %mul3A_23, %add3A_32 : i32
      %dma_start3A_34 = arith.constant 0 : i32
      %dma_start3A_35 = tpu.memref_slice %arg5[%add3A_33, %dma_start3A_34] : memref<32x128xi32, #tpu.memory_space<vmem>> -> memref<1x128xi32, #tpu.memory_space<vmem>>
      %dma_start3A_36 = tpu.memref_squeeze %dma_start3A_35 : memref<1x128xi32, #tpu.memory_space<vmem>> -> memref<128xi32, #tpu.memory_space<vmem>>
      %dma_start3A_37 = arith.constant 0 : i32
      %dma_start3A_38 = arith.constant 0 : i32
      %dma_start3A_39 = tpu.memref_slice %arg2[%dma_start3A_37, %dma_start3A_38] : memref<3276800x128xf32, #tpu.memory_space<hbm>> -> memref<3276800x128xf32, #tpu.memory_space<hbm>>
      tpu.enqueue_indirect_dma source(%dma_start3A_39 : memref<3276800x128xf32, #tpu.memory_space<hbm>>) target(%arg7 : memref<128x128xf32, #tpu.memory_space<vmem>>) offsets(%dma_start3A_36 : memref<128xi32, #tpu.memory_space<vmem>>) semaphore(%arg9 : memref<!tpu.dma_semaphore, #tpu.memory_space<semaphore_mem>>)
      %mul3A_40 = arith.constant 128 : i32
      %mul3A_41 = arith.muli %mul3A_23, %mul3A_40 : i32
      %add3A_42 = arith.addi %mul3A_4, %mul3A_41 : i32
      %dma_start3A_43 = arith.constant 0 : i32
      %dma_start3A_44 = tpu.memref_slice %arg4[%add3A_42, %dma_start3A_43] : memref<131072x128xf32, #tpu.memory_space<hbm>> -> memref<128x128xf32, #tpu.memory_space<hbm>>
      %dma_start3A_45 = arith.constant 0 : i32
      %dma_start3A_46 = tpu.memref_slice %arg4[%add3A_42, %dma_start3A_45] : memref<131072x128xf32, #tpu.memory_space<hbm>> -> memref<128x128xf32, #tpu.memory_space<hbm>>
      tpu.enqueue_dma source(%arg6 : memref<128x128xf32, #tpu.memory_space<vmem>>) target(%dma_start3A_46 : memref<128x128xf32, #tpu.memory_space<hbm>>) target_semaphore(%arg10 : memref<!tpu.dma_semaphore, #tpu.memory_space<semaphore_mem>>)
      %add3A_47 = arith.constant 1 : i32
      %add3A_48 = arith.addi %mul3A_23, %add3A_47 : i32
      %dma_wait3A_49 = arith.constant 0 : i32
      %dma_wait3A_50 = tpu.memref_slice %arg5[%add3A_48, %dma_wait3A_49] : memref<32x128xi32, #tpu.memory_space<vmem>> -> memref<1x128xi32, #tpu.memory_space<vmem>>
      %dma_wait3A_51 = tpu.memref_squeeze %dma_wait3A_50 : memref<1x128xi32, #tpu.memory_space<vmem>> -> memref<128xi32, #tpu.memory_space<vmem>>
      %dma_wait3A_52 = arith.constant 0 : i32
      %dma_wait3A_53 = arith.constant 0 : i32
      %dma_wait3A_54 = tpu.memref_slice %arg2[%dma_wait3A_52, %dma_wait3A_53] : memref<3276800x128xf32, #tpu.memory_space<hbm>> -> memref<3276800x128xf32, #tpu.memory_space<hbm>>
      tpu.wait_indirect_dma semaphore(%arg9 : memref<!tpu.dma_semaphore, #tpu.memory_space<semaphore_mem>>) src(%dma_wait3A_54 : memref<3276800x128xf32, #tpu.memory_space<hbm>>) dst(%arg7 : memref<128x128xf32, #tpu.memory_space<vmem>>)
      %mul3A_55 = arith.constant 128 : i32
      %mul3A_56 = arith.muli %mul3A_23, %mul3A_55 : i32
      %add3A_57 = arith.addi %mul3A_4, %mul3A_56 : i32
      %dma_wait3A_58 = arith.constant 0 : i32
      %dma_wait3A_59 = tpu.memref_slice %arg4[%add3A_57, %dma_wait3A_58] : memref<131072x128xf32, #tpu.memory_space<hbm>> -> memref<128x128xf32, #tpu.memory_space<hbm>>
      %dma_wait3A_60 = arith.constant 0 : i32
      %dma_wait3A_61 = tpu.memref_slice %arg4[%add3A_57, %dma_wait3A_60] : memref<131072x128xf32, #tpu.memory_space<hbm>> -> memref<128x128xf32, #tpu.memory_space<hbm>>
      tpu.wait_dma2 semaphore(%arg10 : memref<!tpu.dma_semaphore, #tpu.memory_space<semaphore_mem>>) src(%arg6 : memref<128x128xf32, #tpu.memory_space<vmem>>) dst(%dma_wait3A_61 : memref<128x128xf32, #tpu.memory_space<hbm>>)
      %add3A_62 = arith.constant 1 : i32
      %add3A_63 = arith.addi %scan3A_21, %add3A_62 : i32
      %lt3A = arith.constant 16 : i32
      %lt3A_64 = arith.cmpi slt, %add3A_63, %lt3A : i32
      %convert_element_type3A_65 = arith.extui %lt3A_64 : i1 to i32
      %cond3A_66 = arith.constant 0 : i32
      %cond3A_67 = arith.cmpi ne, %convert_element_type3A_65, %cond3A_66 : i32
      scf.if %cond3A_67 {
        %add3A_77 = arith.constant 2 : i32
        %add3A_78 = arith.addi %mul3A_23, %add3A_77 : i32
        %dma_start3A_79 = arith.constant 0 : i32
        %dma_start3A_80 = tpu.memref_slice %arg5[%add3A_78, %dma_start3A_79] : memref<32x128xi32, #tpu.memory_space<vmem>> -> memref<1x128xi32, #tpu.memory_space<vmem>>
        %dma_start3A_81 = tpu.memref_squeeze %dma_start3A_80 : memref<1x128xi32, #tpu.memory_space<vmem>> -> memref<128xi32, #tpu.memory_space<vmem>>
        %dma_start3A_82 = arith.constant 0 : i32
        %dma_start3A_83 = arith.constant 0 : i32
        %dma_start3A_84 = tpu.memref_slice %arg2[%dma_start3A_82, %dma_start3A_83] : memref<3276800x128xf32, #tpu.memory_space<hbm>> -> memref<3276800x128xf32, #tpu.memory_space<hbm>>
        tpu.enqueue_indirect_dma source(%dma_start3A_84 : memref<3276800x128xf32, #tpu.memory_space<hbm>>) target(%arg6 : memref<128x128xf32, #tpu.memory_space<vmem>>) offsets(%dma_start3A_81 : memref<128xi32, #tpu.memory_space<vmem>>) semaphore(%arg8 : memref<!tpu.dma_semaphore, #tpu.memory_space<semaphore_mem>>)
      } else {
      }
      %add3A_68 = arith.constant 1 : i32
      %add3A_69 = arith.addi %mul3A_23, %add3A_68 : i32
      %mul3A_70 = arith.constant 128 : i32
      %mul3A_71 = arith.muli %add3A_69, %mul3A_70 : i32
      %add3A_72 = arith.addi %mul3A_4, %mul3A_71 : i32
      %dma_start3A_73 = arith.constant 0 : i32
      %dma_start3A_74 = tpu.memref_slice %arg4[%add3A_72, %dma_start3A_73] : memref<131072x128xf32, #tpu.memory_space<hbm>> -> memref<128x128xf32, #tpu.memory_space<hbm>>
      %dma_start3A_75 = arith.constant 0 : i32
      %dma_start3A_76 = tpu.memref_slice %arg4[%add3A_72, %dma_start3A_75] : memref<131072x128xf32, #tpu.memory_space<hbm>> -> memref<128x128xf32, #tpu.memory_space<hbm>>
      tpu.enqueue_dma source(%arg7 : memref<128x128xf32, #tpu.memory_space<vmem>>) target(%dma_start3A_76 : memref<128x128xf32, #tpu.memory_space<hbm>>) target_semaphore(%arg11 : memref<!tpu.dma_semaphore, #tpu.memory_space<semaphore_mem>>)
    }
    %scan3A_15 = arith.constant 16 : i32
    %add3A_16 = arith.constant 3968 : i32
    %add3A_17 = arith.addi %mul3A_4, %add3A_16 : i32
    %dma_wait3A = arith.constant 0 : i32
    %dma_wait3A_18 = tpu.memref_slice %arg4[%add3A_17, %dma_wait3A] : memref<131072x128xf32, #tpu.memory_space<hbm>> -> memref<128x128xf32, #tpu.memory_space<hbm>>
    %dma_wait3A_19 = arith.constant 0 : i32
    %dma_wait3A_20 = tpu.memref_slice %arg4[%add3A_17, %dma_wait3A_19] : memref<131072x128xf32, #tpu.memory_space<hbm>> -> memref<128x128xf32, #tpu.memory_space<hbm>>
    tpu.wait_dma2 semaphore(%arg11 : memref<!tpu.dma_semaphore, #tpu.memory_space<semaphore_mem>>) src(%arg7 : memref<128x128xf32, #tpu.memory_space<vmem>>) dst(%dma_wait3A_20 : memref<128x128xf32, #tpu.memory_space<hbm>>)
    return
  }
}

module attributes {stable_mosaic.version = 14 : i64} {
  func.func @_scores_body(%arg0: i32, %arg1: i32, %arg2: memref<256x128xf32, #tpu.memory_space<vmem>>, %arg3: memref<4096x128xf32, #tpu.memory_space<vmem>>, %arg4: memref<1x4096xf32, #tpu.memory_space<vmem>>, %arg5: memref<256x1xf32, #tpu.memory_space<vmem>>, %arg6: memref<4096x1xf32, #tpu.memory_space<vmem>>, %arg7: memref<1x256xf32, #tpu.memory_space<vmem>>, %arg8: memref<256x32x128xf32, #tpu.memory_space<vmem>>, %arg9: memref<128x256xf32, #tpu.memory_space<vmem>>) attributes {dimension_semantics = [#tpu.dimension_semantics<parallel>, #tpu.dimension_semantics<parallel>], iteration_bounds = array<i64: 16, 25>, scalar_prefetch = 0 : i64, scratch_operands = 0 : i64, tpu.core_type = #tpu.core_type<tc>, window_params = [{transform_indices = @transform_0, window_bounds = array<i64: 256, 128>}, {transform_indices = @transform_1, window_bounds = array<i64: 4096, 128>}, {transform_indices = @transform_2, window_bounds = array<i64: 1, 4096>}, {transform_indices = @transform_3, window_bounds = array<i64: 256, 1>}, {transform_indices = @transform_4, window_bounds = array<i64: 4096, 1>}, {transform_indices = @transform_5, window_bounds = array<i64: 1, 256>}, {transform_indices = @transform_6, window_bounds = array<i64: 256, 32, 128>}, {transform_indices = @transform_7, window_bounds = array<i64: 128, 256>}]} {
    %get3A = arith.constant 0 : index
    %get3A_0 = arith.constant 0 : index
    %get3A_1 = vector.load %arg2[%get3A, %get3A_0] : memref<256x128xf32, #tpu.memory_space<vmem>>, vector<256x128xf32>
    %get3A_2 = arith.constant 0 : index
    %get3A_3 = arith.constant 0 : index
    %get3A_4 = vector.load %arg3[%get3A_2, %get3A_3] : memref<4096x128xf32, #tpu.memory_space<vmem>>, vector<4096x128xf32>
    %dot_general3A = arith.constant dense<0.000000e+00> : vector<256x4096xf32>
    %dot_general3A_5 = tpu.matmul %get3A_1, %get3A_4, %dot_general3A {dimension_numbers = #tpu.dot_dimension_numbers<[1], [1], [0], [0], [0, 0, 1, 0], [], []>, transpose_lhs_hint = false} : vector<256x128xf32>, vector<4096x128xf32>, vector<256x4096xf32> -> vector<256x4096xf32>
    %get3A_6 = arith.constant 0 : index
    %get3A_7 = arith.constant 0 : index
    %get3A_8 = vector.load %arg5[%get3A_6, %get3A_7] : memref<256x1xf32, #tpu.memory_space<vmem>>, vector<256x1xf32>
    %mul3A = arith.constant 2.000000e+00 : f32
    %mul3A_9 = vector.broadcast %mul3A : f32 to vector<256x4096xf32>
    %mul3A_10 = arith.mulf %mul3A_9, %dot_general3A_5 : vector<256x4096xf32>
    %sub3A = vector.broadcast %get3A_8 : vector<256x1xf32> to vector<256x4096xf32>
    %sub3A_11 = arith.subf %sub3A, %mul3A_10 : vector<256x4096xf32>
    %get3A_12 = arith.constant 0 : index
    %get3A_13 = arith.constant 0 : index
    %get3A_14 = vector.load %arg4[%get3A_12, %get3A_13] : memref<1x4096xf32, #tpu.memory_space<vmem>>, vector<1x4096xf32>
    %add3A = vector.broadcast %get3A_14 : vector<1x4096xf32> to vector<256x4096xf32>
    %add3A_15 = arith.addf %sub3A_11, %add3A : vector<256x4096xf32>
    %neg3A = arith.constant 0.000000e+00 : f32
    %neg3A_16 = vector.broadcast %neg3A : f32 to vector<256x4096xf32>
    %neg3A_17 = arith.subf %neg3A_16, %add3A_15 : vector<256x4096xf32>
    %reshape3A = vector.shape_cast %neg3A_17 : vector<256x4096xf32> to vector<256x32x128xf32>
    %swap3A = arith.constant 0 : index
    %swap3A_18 = arith.constant 0 : index
    %swap3A_19 = arith.constant 0 : index
    %swap3A_20 = vector.load %arg8[%swap3A, %swap3A_18, %swap3A_19] : memref<256x32x128xf32, #tpu.memory_space<vmem>>, vector<256x32x128xf32>
    tpu.vector_store %arg8[%swap3A, %swap3A_18, %swap3A_19], %reshape3A {strides = array<i32>} : memref<256x32x128xf32, #tpu.memory_space<vmem>>, vector<256x32x128xf32>,
    %dot_general3A_21 = arith.constant dense<0.000000e+00> : vector<4096x256xf32>
    %dot_general3A_22 = tpu.matmul %get3A_4, %get3A_1, %dot_general3A_21 {dimension_numbers = #tpu.dot_dimension_numbers<[1], [1], [0], [0], [0, 0, 1, 0], [], []>, transpose_lhs_hint = false} : vector<4096x128xf32>, vector<256x128xf32>, vector<4096x256xf32> -> vector<4096x256xf32>
    %get3A_23 = arith.constant 0 : index
    %get3A_24 = arith.constant 0 : index
    %get3A_25 = vector.load %arg7[%get3A_23, %get3A_24] : memref<1x256xf32, #tpu.memory_space<vmem>>, vector<1x256xf32>
    %mul3A_26 = arith.constant 2.000000e+00 : f32
    %mul3A_27 = vector.broadcast %mul3A_26 : f32 to vector<4096x256xf32>
    %mul3A_28 = arith.mulf %mul3A_27, %dot_general3A_22 : vector<4096x256xf32>
    %sub3A_29 = vector.broadcast %get3A_25 : vector<1x256xf32> to vector<4096x256xf32>
    %sub3A_30 = arith.subf %sub3A_29, %mul3A_28 : vector<4096x256xf32>
    %get3A_31 = arith.constant 0 : index
    %get3A_32 = arith.constant 0 : index
    %get3A_33 = vector.load %arg6[%get3A_31, %get3A_32] : memref<4096x1xf32, #tpu.memory_space<vmem>>, vector<4096x1xf32>
    %add3A_34 = vector.broadcast %get3A_33 : vector<4096x1xf32> to vector<4096x256xf32>
    %add3A_35 = arith.addf %sub3A_30, %add3A_34 : vector<4096x256xf32>
    %neg3A_36 = arith.constant 0.000000e+00 : f32
    %neg3A_37 = vector.broadcast %neg3A_36 : f32 to vector<4096x256xf32>
    %neg3A_38 = arith.subf %neg3A_37, %add3A_35 : vector<4096x256xf32>
    %reshape3A_39 = vector.shape_cast %neg3A_38 : vector<4096x256xf32> to vector<128x32x256xf32>
    %reduce_max3A = arith.constant dense<0xFF800000> : vector<128x256xf32>
    %reduce_max3A_40 = vector.multi_reduction <maximumf>, %reshape3A_39, %reduce_max3A [1] : vector<128x32x256xf32> to vector<128x256xf32>
    %swap3A_41 = arith.constant 0 : index
    %swap3A_42 = arith.constant 0 : index
    %swap3A_43 = vector.load %arg9[%swap3A_41, %swap3A_42] : memref<128x256xf32, #tpu.memory_space<vmem>>, vector<128x256xf32>
    tpu.vector_store %arg9[%swap3A_41, %swap3A_42], %reduce_max3A_40 {strides = array<i32>} : memref<128x256xf32, #tpu.memory_space<vmem>>, vector<128x256xf32>,
    return
  }
  func.func @transform_0(%arg0: i32, %arg1: i32) -> (i32, i32) {
    %c0_i32 = arith.constant 0 : i32
    %c0_i32_0 = arith.constant 0 : i32
    return %arg0, %c0_i32 : i32, i32
  }
  func.func @transform_1(%arg0: i32, %arg1: i32) -> (i32, i32) {
    %c0_i32 = arith.constant 0 : i32
    %c0_i32_0 = arith.constant 0 : i32
    return %arg1, %c0_i32 : i32, i32
  }
  func.func @transform_2(%arg0: i32, %arg1: i32) -> (i32, i32) {
    %c0_i32 = arith.constant 0 : i32
    %c0_i32_0 = arith.constant 0 : i32
    return %c0_i32, %arg1 : i32, i32
  }
  func.func @transform_3(%arg0: i32, %arg1: i32) -> (i32, i32) {
    %c0_i32 = arith.constant 0 : i32
    %c0_i32_0 = arith.constant 0 : i32
    return %arg0, %c0_i32 : i32, i32
  }
  func.func @transform_4(%arg0: i32, %arg1: i32) -> (i32, i32) {
    %c0_i32 = arith.constant 0 : i32
    %c0_i32_0 = arith.constant 0 : i32
    return %arg1, %c0_i32 : i32, i32
  }
  func.func @transform_5(%arg0: i32, %arg1: i32) -> (i32, i32) {
    %c0_i32 = arith.constant 0 : i32
    %c0_i32_0 = arith.constant 0 : i32
    return %c0_i32, %arg0 : i32, i32
  }
  func.func @transform_6(%arg0: i32, %arg1: i32) -> (i32, i32, i32) {
    %c0_i32 = arith.constant 0 : i32
    %c0_i32_0 = arith.constant 0 : i32
    return %arg0, %arg1, %c0_i32 : i32, i32, i32
  }
  func.func @transform_7(%arg0: i32, %arg1: i32) -> (i32, i32) {
    %c0_i32 = arith.constant 0 : i32
    return %arg1, %arg0 : i32, i32
  }
}

module attributes {stable_mosaic.version = 14 : i64} {
  func.func @_segtop_body(%arg0: i32, %arg1: memref<3200x256xf32, #tpu.memory_space<vmem>>, %arg2: memref<256x32xi32, #tpu.memory_space<vmem>>, %arg3: memref<256x32xi32, #tpu.memory_space<vmem>>) attributes {dimension_semantics = [#tpu.dimension_semantics<arbitrary>], iteration_bounds = array<i64: 16>, scalar_prefetch = 0 : i64, scratch_operands = 0 : i64, tpu.core_type = #tpu.core_type<tc>, window_params = [{transform_indices = @transform_0, window_bounds = array<i64: 3200, 256>}, {transform_indices = @transform_1, window_bounds = array<i64: 256, 32>}, {transform_indices = @transform_2, window_bounds = array<i64: 256, 32>}]} {
    %get3A = arith.constant 0 : index
    %get3A_0 = arith.constant 0 : index
    %get3A_1 = vector.load %arg1[%get3A, %get3A_0] : memref<3200x256xf32, #tpu.memory_space<vmem>>, vector<3200x256xf32>
    %transpose3A = tpu.transpose %get3A_1, [1, 0] : vector<3200x256xf32> -> vector<256x3200xf32>
    %iota3A = tpu.iota {dimensions = array<i32: 1>} : vector<256x3200xi32>
    %iota3A_2 = tpu.iota {dimensions = array<i32: 1>} : vector<256x32xi32>
    %broadcast_in_dim3A = arith.constant 0 : i32
    %broadcast_in_dim3A_3 = vector.broadcast %broadcast_in_dim3A : i32 to vector<256x32xi32>
    %reduce_max3A = arith.constant dense<0xFF800000> : vector<256xf32>
    %reduce_max3A_4 = vector.multi_reduction <maximumf>, %transpose3A, %reduce_max3A [1] : vector<256x3200xf32> to vector<256xf32>
    %broadcast_in_dim3A_5 = vector.shape_cast %reduce_max3A_4 : vector<256xf32> to vector<256x1xf32>
    %eq3A = vector.broadcast %broadcast_in_dim3A_5 : vector<256x1xf32> to vector<256x3200xf32>
    %eq3A_6 = arith.cmpf oeq, %transpose3A, %eq3A : vector<256x3200xf32>
    %jit3A = arith.constant 1073741824 : i32
    %broadcast_in_dim3A_7 = vector.broadcast %jit3A : i32 to vector<256x3200xi32>
    %select_n3A = arith.select %eq3A_6, %iota3A, %broadcast_in_dim3A_7 : vector<256x3200xi1>, vector<256x3200xi32>
    %reduce_min3A = arith.constant dense<2147483647> : vector<256xi32>
    %reduce_min3A_8 = vector.multi_reduction <minsi>, %select_n3A, %reduce_min3A [1] : vector<256x3200xi32> to vector<256xi32>
    %eq3A_9 = arith.constant 0 : i32
    %eq3A_10 = vector.broadcast %eq3A_9 : i32 to vector<256x32xi32>
    %eq3A_11 = arith.cmpi eq, %iota3A_2, %eq3A_10 : vector<256x32xi32>
    %broadcast_in_dim3A_12 = vector.shape_cast %reduce_min3A_8 : vector<256xi32> to vector<256x1xi32>
    %broadcast_in_dim3A_13 = vector.shape_cast %broadcast_in_dim3A_12 : vector<256x1xi32> to vector<256x1xi32>
    %broadcast_in_dim3A_14 = vector.broadcast %broadcast_in_dim3A_13 : vector<256x1xi32> to vector<256x32xi32>
    %select_n3A_15 = arith.select %eq3A_11, %broadcast_in_dim3A_14, %broadcast_in_dim3A_3 : vector<256x32xi1>, vector<256x32xi32>
    %broadcast_in_dim3A_16 = vector.shape_cast %reduce_min3A_8 : vector<256xi32> to vector<256x1xi32>
    %eq3A_17 = vector.broadcast %broadcast_in_dim3A_16 : vector<256x1xi32> to vector<256x3200xi32>
    %eq3A_18 = arith.cmpi eq, %iota3A, %eq3A_17 : vector<256x3200xi32>
    %jit3A_19 = arith.constant 0xFF800000 : f32
    %broadcast_in_dim3A_20 = vector.broadcast %jit3A_19 : f32 to vector<256x3200xf32>
    %select_n3A_21 = arith.select %eq3A_18, %broadcast_in_dim3A_20, %transpose3A : vector<256x3200xi1>, vector<256x3200xf32>
    %reduce_max3A_22 = arith.constant dense<0xFF800000> : vector<256xf32>
    %reduce_max3A_23 = vector.multi_reduction <maximumf>, %select_n3A_21, %reduce_max3A_22 [1] : vector<256x3200xf32> to vector<256xf32>
    %broadcast_in_dim3A_24 = vector.shape_cast %reduce_max3A_23 : vector<256xf32> to vector<256x1xf32>
    %eq3A_25 = vector.broadcast %broadcast_in_dim3A_24 : vector<256x1xf32> to vector<256x3200xf32>
    %eq3A_26 = arith.cmpf oeq, %select_n3A_21, %eq3A_25 : vector<256x3200xf32>
    %jit3A_27 = arith.constant 1073741824 : i32
    %broadcast_in_dim3A_28 = vector.broadcast %jit3A_27 : i32 to vector<256x3200xi32>
    %select_n3A_29 = arith.select %eq3A_26, %iota3A, %broadcast_in_dim3A_28 : vector<256x3200xi1>, vector<256x3200xi32>
    %reduce_min3A_30 = arith.constant dense<2147483647> : vector<256xi32>
    %reduce_min3A_31 = vector.multi_reduction <minsi>, %select_n3A_29, %reduce_min3A_30 [1] : vector<256x3200xi32> to vector<256xi32>
    %eq3A_32 = arith.constant 1 : i32
    %eq3A_33 = vector.broadcast %eq3A_32 : i32 to vector<256x32xi32>
    %eq3A_34 = arith.cmpi eq, %iota3A_2, %eq3A_33 : vector<256x32xi32>
    %broadcast_in_dim3A_35 = vector.shape_cast %reduce_min3A_31 : vector<256xi32> to vector<256x1xi32>
    %broadcast_in_dim3A_36 = vector.shape_cast %broadcast_in_dim3A_35 : vector<256x1xi32> to vector<256x1xi32>
    %broadcast_in_dim3A_37 = vector.broadcast %broadcast_in_dim3A_36 : vector<256x1xi32> to vector<256x32xi32>
    %select_n3A_38 = arith.select %eq3A_34, %broadcast_in_dim3A_37, %select_n3A_15 : vector<256x32xi1>, vector<256x32xi32>
    %broadcast_in_dim3A_39 = vector.shape_cast %reduce_min3A_31 : vector<256xi32> to vector<256x1xi32>
    %eq3A_40 = vector.broadcast %broadcast_in_dim3A_39 : vector<256x1xi32> to vector<256x3200xi32>
    %eq3A_41 = arith.cmpi eq, %iota3A, %eq3A_40 : vector<256x3200xi32>
    %jit3A_42 = arith.constant 0xFF800000 : f32
    %broadcast_in_dim3A_43 = vector.broadcast %jit3A_42 : f32 to vector<256x3200xf32>
    %select_n3A_44 = arith.select %eq3A_41, %broadcast_in_dim3A_43, %select_n3A_21 : vector<256x3200xi1>, vector<256x3200xf32>
    %reduce_max3A_45 = arith.constant dense<0xFF800000> : vector<256xf32>
    %reduce_max3A_46 = vector.multi_reduction <maximumf>, %select_n3A_44, %reduce_max3A_45 [1] : vector<256x3200xf32> to vector<256xf32>
    %broadcast_in_dim3A_47 = vector.shape_cast %reduce_max3A_46 : vector<256xf32> to vector<256x1xf32>
    %eq3A_48 = vector.broadcast %broadcast_in_dim3A_47 : vector<256x1xf32> to vector<256x3200xf32>
    %eq3A_49 = arith.cmpf oeq, %select_n3A_44, %eq3A_48 : vector<256x3200xf32>
    %jit3A_50 = arith.constant 1073741824 : i32
    %broadcast_in_dim3A_51 = vector.broadcast %jit3A_50 : i32 to vector<256x3200xi32>
    %select_n3A_52 = arith.select %eq3A_49, %iota3A, %broadcast_in_dim3A_51 : vector<256x3200xi1>, vector<256x3200xi32>
    %reduce_min3A_53 = arith.constant dense<2147483647> : vector<256xi32>
    %reduce_min3A_54 = vector.multi_reduction <minsi>, %select_n3A_52, %reduce_min3A_53 [1] : vector<256x3200xi32> to vector<256xi32>
    %eq3A_55 = arith.constant 2 : i32
    %eq3A_56 = vector.broadcast %eq3A_55 : i32 to vector<256x32xi32>
    %eq3A_57 = arith.cmpi eq, %iota3A_2, %eq3A_56 : vector<256x32xi32>
    %broadcast_in_dim3A_58 = vector.shape_cast %reduce_min3A_54 : vector<256xi32> to vector<256x1xi32>
    %broadcast_in_dim3A_59 = vector.shape_cast %broadcast_in_dim3A_58 : vector<256x1xi32> to vector<256x1xi32>
    %broadcast_in_dim3A_60 = vector.broadcast %broadcast_in_dim3A_59 : vector<256x1xi32> to vector<256x32xi32>
    %select_n3A_61 = arith.select %eq3A_57, %broadcast_in_dim3A_60, %select_n3A_38 : vector<256x32xi1>, vector<256x32xi32>
    %broadcast_in_dim3A_62 = vector.shape_cast %reduce_min3A_54 : vector<256xi32> to vector<256x1xi32>
    %eq3A_63 = vector.broadcast %broadcast_in_dim3A_62 : vector<256x1xi32> to vector<256x3200xi32>
    %eq3A_64 = arith.cmpi eq, %iota3A, %eq3A_63 : vector<256x3200xi32>
    %jit3A_65 = arith.constant 0xFF800000 : f32
    %broadcast_in_dim3A_66 = vector.broadcast %jit3A_65 : f32 to vector<256x3200xf32>
    %select_n3A_67 = arith.select %eq3A_64, %broadcast_in_dim3A_66, %select_n3A_44 : vector<256x3200xi1>, vector<256x3200xf32>
    %reduce_max3A_68 = arith.constant dense<0xFF800000> : vector<256xf32>
    %reduce_max3A_69 = vector.multi_reduction <maximumf>, %select_n3A_67, %reduce_max3A_68 [1] : vector<256x3200xf32> to vector<256xf32>
    %broadcast_in_dim3A_70 = vector.shape_cast %reduce_max3A_69 : vector<256xf32> to vector<256x1xf32>
    %eq3A_71 = vector.broadcast %broadcast_in_dim3A_70 : vector<256x1xf32> to vector<256x3200xf32>
    %eq3A_72 = arith.cmpf oeq, %select_n3A_67, %eq3A_71 : vector<256x3200xf32>
    %jit3A_73 = arith.constant 1073741824 : i32
    %broadcast_in_dim3A_74 = vector.broadcast %jit3A_73 : i32 to vector<256x3200xi32>
    %select_n3A_75 = arith.select %eq3A_72, %iota3A, %broadcast_in_dim3A_74 : vector<256x3200xi1>, vector<256x3200xi32>
    %reduce_min3A_76 = arith.constant dense<2147483647> : vector<256xi32>
    %reduce_min3A_77 = vector.multi_reduction <minsi>, %select_n3A_75, %reduce_min3A_76 [1] : vector<256x3200xi32> to vector<256xi32>
    %eq3A_78 = arith.constant 3 : i32
    %eq3A_79 = vector.broadcast %eq3A_78 : i32 to vector<256x32xi32>
    %eq3A_80 = arith.cmpi eq, %iota3A_2, %eq3A_79 : vector<256x32xi32>
    %broadcast_in_dim3A_81 = vector.shape_cast %reduce_min3A_77 : vector<256xi32> to vector<256x1xi32>
    %broadcast_in_dim3A_82 = vector.shape_cast %broadcast_in_dim3A_81 : vector<256x1xi32> to vector<256x1xi32>
    %broadcast_in_dim3A_83 = vector.broadcast %broadcast_in_dim3A_82 : vector<256x1xi32> to vector<256x32xi32>
    %select_n3A_84 = arith.select %eq3A_80, %broadcast_in_dim3A_83, %select_n3A_61 : vector<256x32xi1>, vector<256x32xi32>
    %broadcast_in_dim3A_85 = vector.shape_cast %reduce_min3A_77 : vector<256xi32> to vector<256x1xi32>
    %eq3A_86 = vector.broadcast %broadcast_in_dim3A_85 : vector<256x1xi32> to vector<256x3200xi32>
    %eq3A_87 = arith.cmpi eq, %iota3A, %eq3A_86 : vector<256x3200xi32>
    %jit3A_88 = arith.constant 0xFF800000 : f32
    %broadcast_in_dim3A_89 = vector.broadcast %jit3A_88 : f32 to vector<256x3200xf32>
    %select_n3A_90 = arith.select %eq3A_87, %broadcast_in_dim3A_89, %select_n3A_67 : vector<256x3200xi1>, vector<256x3200xf32>
    %reduce_max3A_91 = arith.constant dense<0xFF800000> : vector<256xf32>
    %reduce_max3A_92 = vector.multi_reduction <maximumf>, %select_n3A_90, %reduce_max3A_91 [1] : vector<256x3200xf32> to vector<256xf32>
    %broadcast_in_dim3A_93 = vector.shape_cast %reduce_max3A_92 : vector<256xf32> to vector<256x1xf32>
    %eq3A_94 = vector.broadcast %broadcast_in_dim3A_93 : vector<256x1xf32> to vector<256x3200xf32>
    %eq3A_95 = arith.cmpf oeq, %select_n3A_90, %eq3A_94 : vector<256x3200xf32>
    %jit3A_96 = arith.constant 1073741824 : i32
    %broadcast_in_dim3A_97 = vector.broadcast %jit3A_96 : i32 to vector<256x3200xi32>
    %select_n3A_98 = arith.select %eq3A_95, %iota3A, %broadcast_in_dim3A_97 : vector<256x3200xi1>, vector<256x3200xi32>
    %reduce_min3A_99 = arith.constant dense<2147483647> : vector<256xi32>
    %reduce_min3A_100 = vector.multi_reduction <minsi>, %select_n3A_98, %reduce_min3A_99 [1] : vector<256x3200xi32> to vector<256xi32>
    %eq3A_101 = arith.constant 4 : i32
    %eq3A_102 = vector.broadcast %eq3A_101 : i32 to vector<256x32xi32>
    %eq3A_103 = arith.cmpi eq, %iota3A_2, %eq3A_102 : vector<256x32xi32>
    %broadcast_in_dim3A_104 = vector.shape_cast %reduce_min3A_100 : vector<256xi32> to vector<256x1xi32>
    %broadcast_in_dim3A_105 = vector.shape_cast %broadcast_in_dim3A_104 : vector<256x1xi32> to vector<256x1xi32>
    %broadcast_in_dim3A_106 = vector.broadcast %broadcast_in_dim3A_105 : vector<256x1xi32> to vector<256x32xi32>
    %select_n3A_107 = arith.select %eq3A_103, %broadcast_in_dim3A_106, %select_n3A_84 : vector<256x32xi1>, vector<256x32xi32>
    %broadcast_in_dim3A_108 = vector.shape_cast %reduce_min3A_100 : vector<256xi32> to vector<256x1xi32>
    %eq3A_109 = vector.broadcast %broadcast_in_dim3A_108 : vector<256x1xi32> to vector<256x3200xi32>
    %eq3A_110 = arith.cmpi eq, %iota3A, %eq3A_109 : vector<256x3200xi32>
    %jit3A_111 = arith.constant 0xFF800000 : f32
    %broadcast_in_dim3A_112 = vector.broadcast %jit3A_111 : f32 to vector<256x3200xf32>
    %select_n3A_113 = arith.select %eq3A_110, %broadcast_in_dim3A_112, %select_n3A_90 : vector<256x3200xi1>, vector<256x3200xf32>
    %reduce_max3A_114 = arith.constant dense<0xFF800000> : vector<256xf32>
    %reduce_max3A_115 = vector.multi_reduction <maximumf>, %select_n3A_113, %reduce_max3A_114 [1] : vector<256x3200xf32> to vector<256xf32>
    %broadcast_in_dim3A_116 = vector.shape_cast %reduce_max3A_115 : vector<256xf32> to vector<256x1xf32>
    %eq3A_117 = vector.broadcast %broadcast_in_dim3A_116 : vector<256x1xf32> to vector<256x3200xf32>
    %eq3A_118 = arith.cmpf oeq, %select_n3A_113, %eq3A_117 : vector<256x3200xf32>
    %jit3A_119 = arith.constant 1073741824 : i32
    %broadcast_in_dim3A_120 = vector.broadcast %jit3A_119 : i32 to vector<256x3200xi32>
    %select_n3A_121 = arith.select %eq3A_118, %iota3A, %broadcast_in_dim3A_120 : vector<256x3200xi1>, vector<256x3200xi32>
    %reduce_min3A_122 = arith.constant dense<2147483647> : vector<256xi32>
    %reduce_min3A_123 = vector.multi_reduction <minsi>, %select_n3A_121, %reduce_min3A_122 [1] : vector<256x3200xi32> to vector<256xi32>
    %eq3A_124 = arith.constant 5 : i32
    %eq3A_125 = vector.broadcast %eq3A_124 : i32 to vector<256x32xi32>
    %eq3A_126 = arith.cmpi eq, %iota3A_2, %eq3A_125 : vector<256x32xi32>
    %broadcast_in_dim3A_127 = vector.shape_cast %reduce_min3A_123 : vector<256xi32> to vector<256x1xi32>
    %broadcast_in_dim3A_128 = vector.shape_cast %broadcast_in_dim3A_127 : vector<256x1xi32> to vector<256x1xi32>
    %broadcast_in_dim3A_129 = vector.broadcast %broadcast_in_dim3A_128 : vector<256x1xi32> to vector<256x32xi32>
    %select_n3A_130 = arith.select %eq3A_126, %broadcast_in_dim3A_129, %select_n3A_107 : vector<256x32xi1>, vector<256x32xi32>
    %broadcast_in_dim3A_131 = vector.shape_cast %reduce_min3A_123 : vector<256xi32> to vector<256x1xi32>
    %eq3A_132 = vector.broadcast %broadcast_in_dim3A_131 : vector<256x1xi32> to vector<256x3200xi32>
    %eq3A_133 = arith.cmpi eq, %iota3A, %eq3A_132 : vector<256x3200xi32>
    %jit3A_134 = arith.constant 0xFF800000 : f32
    %broadcast_in_dim3A_135 = vector.broadcast %jit3A_134 : f32 to vector<256x3200xf32>
    %select_n3A_136 = arith.select %eq3A_133, %broadcast_in_dim3A_135, %select_n3A_113 : vector<256x3200xi1>, vector<256x3200xf32>
    %reduce_max3A_137 = arith.constant dense<0xFF800000> : vector<256xf32>
    %reduce_max3A_138 = vector.multi_reduction <maximumf>, %select_n3A_136, %reduce_max3A_137 [1] : vector<256x3200xf32> to vector<256xf32>
    %broadcast_in_dim3A_139 = vector.shape_cast %reduce_max3A_138 : vector<256xf32> to vector<256x1xf32>
    %eq3A_140 = vector.broadcast %broadcast_in_dim3A_139 : vector<256x1xf32> to vector<256x3200xf32>
    %eq3A_141 = arith.cmpf oeq, %select_n3A_136, %eq3A_140 : vector<256x3200xf32>
    %jit3A_142 = arith.constant 1073741824 : i32
    %broadcast_in_dim3A_143 = vector.broadcast %jit3A_142 : i32 to vector<256x3200xi32>
    %select_n3A_144 = arith.select %eq3A_141, %iota3A, %broadcast_in_dim3A_143 : vector<256x3200xi1>, vector<256x3200xi32>
    %reduce_min3A_145 = arith.constant dense<2147483647> : vector<256xi32>
    %reduce_min3A_146 = vector.multi_reduction <minsi>, %select_n3A_144, %reduce_min3A_145 [1] : vector<256x3200xi32> to vector<256xi32>
    %eq3A_147 = arith.constant 6 : i32
    %eq3A_148 = vector.broadcast %eq3A_147 : i32 to vector<256x32xi32>
    %eq3A_149 = arith.cmpi eq, %iota3A_2, %eq3A_148 : vector<256x32xi32>
    %broadcast_in_dim3A_150 = vector.shape_cast %reduce_min3A_146 : vector<256xi32> to vector<256x1xi32>
    %broadcast_in_dim3A_151 = vector.shape_cast %broadcast_in_dim3A_150 : vector<256x1xi32> to vector<256x1xi32>
    %broadcast_in_dim3A_152 = vector.broadcast %broadcast_in_dim3A_151 : vector<256x1xi32> to vector<256x32xi32>
    %select_n3A_153 = arith.select %eq3A_149, %broadcast_in_dim3A_152, %select_n3A_130 : vector<256x32xi1>, vector<256x32xi32>
    %broadcast_in_dim3A_154 = vector.shape_cast %reduce_min3A_146 : vector<256xi32> to vector<256x1xi32>
    %eq3A_155 = vector.broadcast %broadcast_in_dim3A_154 : vector<256x1xi32> to vector<256x3200xi32>
    %eq3A_156 = arith.cmpi eq, %iota3A, %eq3A_155 : vector<256x3200xi32>
    %jit3A_157 = arith.constant 0xFF800000 : f32
    %broadcast_in_dim3A_158 = vector.broadcast %jit3A_157 : f32 to vector<256x3200xf32>
    %select_n3A_159 = arith.select %eq3A_156, %broadcast_in_dim3A_158, %select_n3A_136 : vector<256x3200xi1>, vector<256x3200xf32>
    %reduce_max3A_160 = arith.constant dense<0xFF800000> : vector<256xf32>
    %reduce_max3A_161 = vector.multi_reduction <maximumf>, %select_n3A_159, %reduce_max3A_160 [1] : vector<256x3200xf32> to vector<256xf32>
    %broadcast_in_dim3A_162 = vector.shape_cast %reduce_max3A_161 : vector<256xf32> to vector<256x1xf32>
    %eq3A_163 = vector.broadcast %broadcast_in_dim3A_162 : vector<256x1xf32> to vector<256x3200xf32>
    %eq3A_164 = arith.cmpf oeq, %select_n3A_159, %eq3A_163 : vector<256x3200xf32>
    %jit3A_165 = arith.constant 1073741824 : i32
    %broadcast_in_dim3A_166 = vector.broadcast %jit3A_165 : i32 to vector<256x3200xi32>
    %select_n3A_167 = arith.select %eq3A_164, %iota3A, %broadcast_in_dim3A_166 : vector<256x3200xi1>, vector<256x3200xi32>
    %reduce_min3A_168 = arith.constant dense<2147483647> : vector<256xi32>
    %reduce_min3A_169 = vector.multi_reduction <minsi>, %select_n3A_167, %reduce_min3A_168 [1] : vector<256x3200xi32> to vector<256xi32>
    %eq3A_170 = arith.constant 7 : i32
    %eq3A_171 = vector.broadcast %eq3A_170 : i32 to vector<256x32xi32>
    %eq3A_172 = arith.cmpi eq, %iota3A_2, %eq3A_171 : vector<256x32xi32>
    %broadcast_in_dim3A_173 = vector.shape_cast %reduce_min3A_169 : vector<256xi32> to vector<256x1xi32>
    %broadcast_in_dim3A_174 = vector.shape_cast %broadcast_in_dim3A_173 : vector<256x1xi32> to vector<256x1xi32>
    %broadcast_in_dim3A_175 = vector.broadcast %broadcast_in_dim3A_174 : vector<256x1xi32> to vector<256x32xi32>
    %select_n3A_176 = arith.select %eq3A_172, %broadcast_in_dim3A_175, %select_n3A_153 : vector<256x32xi1>, vector<256x32xi32>
    %broadcast_in_dim3A_177 = vector.shape_cast %reduce_min3A_169 : vector<256xi32> to vector<256x1xi32>
    %eq3A_178 = vector.broadcast %broadcast_in_dim3A_177 : vector<256x1xi32> to vector<256x3200xi32>
    %eq3A_179 = arith.cmpi eq, %iota3A, %eq3A_178 : vector<256x3200xi32>
    %jit3A_180 = arith.constant 0xFF800000 : f32
    %broadcast_in_dim3A_181 = vector.broadcast %jit3A_180 : f32 to vector<256x3200xf32>
    %select_n3A_182 = arith.select %eq3A_179, %broadcast_in_dim3A_181, %select_n3A_159 : vector<256x3200xi1>, vector<256x3200xf32>
    %reduce_max3A_183 = arith.constant dense<0xFF800000> : vector<256xf32>
    %reduce_max3A_184 = vector.multi_reduction <maximumf>, %select_n3A_182, %reduce_max3A_183 [1] : vector<256x3200xf32> to vector<256xf32>
    %broadcast_in_dim3A_185 = vector.shape_cast %reduce_max3A_184 : vector<256xf32> to vector<256x1xf32>
    %eq3A_186 = vector.broadcast %broadcast_in_dim3A_185 : vector<256x1xf32> to vector<256x3200xf32>
    %eq3A_187 = arith.cmpf oeq, %select_n3A_182, %eq3A_186 : vector<256x3200xf32>
    %jit3A_188 = arith.constant 1073741824 : i32
    %broadcast_in_dim3A_189 = vector.broadcast %jit3A_188 : i32 to vector<256x3200xi32>
    %select_n3A_190 = arith.select %eq3A_187, %iota3A, %broadcast_in_dim3A_189 : vector<256x3200xi1>, vector<256x3200xi32>
    %reduce_min3A_191 = arith.constant dense<2147483647> : vector<256xi32>
    %reduce_min3A_192 = vector.multi_reduction <minsi>, %select_n3A_190, %reduce_min3A_191 [1] : vector<256x3200xi32> to vector<256xi32>
    %eq3A_193 = arith.constant 8 : i32
    %eq3A_194 = vector.broadcast %eq3A_193 : i32 to vector<256x32xi32>
    %eq3A_195 = arith.cmpi eq, %iota3A_2, %eq3A_194 : vector<256x32xi32>
    %broadcast_in_dim3A_196 = vector.shape_cast %reduce_min3A_192 : vector<256xi32> to vector<256x1xi32>
    %broadcast_in_dim3A_197 = vector.shape_cast %broadcast_in_dim3A_196 : vector<256x1xi32> to vector<256x1xi32>
    %broadcast_in_dim3A_198 = vector.broadcast %broadcast_in_dim3A_197 : vector<256x1xi32> to vector<256x32xi32>
    %select_n3A_199 = arith.select %eq3A_195, %broadcast_in_dim3A_198, %select_n3A_176 : vector<256x32xi1>, vector<256x32xi32>
    %broadcast_in_dim3A_200 = vector.shape_cast %reduce_min3A_192 : vector<256xi32> to vector<256x1xi32>
    %eq3A_201 = vector.broadcast %broadcast_in_dim3A_200 : vector<256x1xi32> to vector<256x3200xi32>
    %eq3A_202 = arith.cmpi eq, %iota3A, %eq3A_201 : vector<256x3200xi32>
    %jit3A_203 = arith.constant 0xFF800000 : f32
    %broadcast_in_dim3A_204 = vector.broadcast %jit3A_203 : f32 to vector<256x3200xf32>
    %select_n3A_205 = arith.select %eq3A_202, %broadcast_in_dim3A_204, %select_n3A_182 : vector<256x3200xi1>, vector<256x3200xf32>
    %reduce_max3A_206 = arith.constant dense<0xFF800000> : vector<256xf32>
    %reduce_max3A_207 = vector.multi_reduction <maximumf>, %select_n3A_205, %reduce_max3A_206 [1] : vector<256x3200xf32> to vector<256xf32>
    %broadcast_in_dim3A_208 = vector.shape_cast %reduce_max3A_207 : vector<256xf32> to vector<256x1xf32>
    %eq3A_209 = vector.broadcast %broadcast_in_dim3A_208 : vector<256x1xf32> to vector<256x3200xf32>
    %eq3A_210 = arith.cmpf oeq, %select_n3A_205, %eq3A_209 : vector<256x3200xf32>
    %jit3A_211 = arith.constant 1073741824 : i32
    %broadcast_in_dim3A_212 = vector.broadcast %jit3A_211 : i32 to vector<256x3200xi32>
    %select_n3A_213 = arith.select %eq3A_210, %iota3A, %broadcast_in_dim3A_212 : vector<256x3200xi1>, vector<256x3200xi32>
    %reduce_min3A_214 = arith.constant dense<2147483647> : vector<256xi32>
    %reduce_min3A_215 = vector.multi_reduction <minsi>, %select_n3A_213, %reduce_min3A_214 [1] : vector<256x3200xi32> to vector<256xi32>
    %eq3A_216 = arith.constant 9 : i32
    %eq3A_217 = vector.broadcast %eq3A_216 : i32 to vector<256x32xi32>
    %eq3A_218 = arith.cmpi eq, %iota3A_2, %eq3A_217 : vector<256x32xi32>
    %broadcast_in_dim3A_219 = vector.shape_cast %reduce_min3A_215 : vector<256xi32> to vector<256x1xi32>
    %broadcast_in_dim3A_220 = vector.shape_cast %broadcast_in_dim3A_219 : vector<256x1xi32> to vector<256x1xi32>
    %broadcast_in_dim3A_221 = vector.broadcast %broadcast_in_dim3A_220 : vector<256x1xi32> to vector<256x32xi32>
    %select_n3A_222 = arith.select %eq3A_218, %broadcast_in_dim3A_221, %select_n3A_199 : vector<256x32xi1>, vector<256x32xi32>
    %broadcast_in_dim3A_223 = vector.shape_cast %reduce_min3A_215 : vector<256xi32> to vector<256x1xi32>
    %eq3A_224 = vector.broadcast %broadcast_in_dim3A_223 : vector<256x1xi32> to vector<256x3200xi32>
    %eq3A_225 = arith.cmpi eq, %iota3A, %eq3A_224 : vector<256x3200xi32>
    %jit3A_226 = arith.constant 0xFF800000 : f32
    %broadcast_in_dim3A_227 = vector.broadcast %jit3A_226 : f32 to vector<256x3200xf32>
    %select_n3A_228 = arith.select %eq3A_225, %broadcast_in_dim3A_227, %select_n3A_205 : vector<256x3200xi1>, vector<256x3200xf32>
    %reduce_max3A_229 = arith.constant dense<0xFF800000> : vector<256xf32>
    %reduce_max3A_230 = vector.multi_reduction <maximumf>, %select_n3A_228, %reduce_max3A_229 [1] : vector<256x3200xf32> to vector<256xf32>
    %broadcast_in_dim3A_231 = vector.shape_cast %reduce_max3A_230 : vector<256xf32> to vector<256x1xf32>
    %eq3A_232 = vector.broadcast %broadcast_in_dim3A_231 : vector<256x1xf32> to vector<256x3200xf32>
    %eq3A_233 = arith.cmpf oeq, %select_n3A_228, %eq3A_232 : vector<256x3200xf32>
    %jit3A_234 = arith.constant 1073741824 : i32
    %broadcast_in_dim3A_235 = vector.broadcast %jit3A_234 : i32 to vector<256x3200xi32>
    %select_n3A_236 = arith.select %eq3A_233, %iota3A, %broadcast_in_dim3A_235 : vector<256x3200xi1>, vector<256x3200xi32>
    %reduce_min3A_237 = arith.constant dense<2147483647> : vector<256xi32>
    %reduce_min3A_238 = vector.multi_reduction <minsi>, %select_n3A_236, %reduce_min3A_237 [1] : vector<256x3200xi32> to vector<256xi32>
    %eq3A_239 = arith.constant 10 : i32
    %eq3A_240 = vector.broadcast %eq3A_239 : i32 to vector<256x32xi32>
    %eq3A_241 = arith.cmpi eq, %iota3A_2, %eq3A_240 : vector<256x32xi32>
    %broadcast_in_dim3A_242 = vector.shape_cast %reduce_min3A_238 : vector<256xi32> to vector<256x1xi32>
    %broadcast_in_dim3A_243 = vector.shape_cast %broadcast_in_dim3A_242 : vector<256x1xi32> to vector<256x1xi32>
    %broadcast_in_dim3A_244 = vector.broadcast %broadcast_in_dim3A_243 : vector<256x1xi32> to vector<256x32xi32>
    %select_n3A_245 = arith.select %eq3A_241, %broadcast_in_dim3A_244, %select_n3A_222 : vector<256x32xi1>, vector<256x32xi32>
    %broadcast_in_dim3A_246 = vector.shape_cast %reduce_min3A_238 : vector<256xi32> to vector<256x1xi32>
    %eq3A_247 = vector.broadcast %broadcast_in_dim3A_246 : vector<256x1xi32> to vector<256x3200xi32>
    %eq3A_248 = arith.cmpi eq, %iota3A, %eq3A_247 : vector<256x3200xi32>
    %jit3A_249 = arith.constant 0xFF800000 : f32
    %broadcast_in_dim3A_250 = vector.broadcast %jit3A_249 : f32 to vector<256x3200xf32>
    %select_n3A_251 = arith.select %eq3A_248, %broadcast_in_dim3A_250, %select_n3A_228 : vector<256x3200xi1>, vector<256x3200xf32>
    %reduce_max3A_252 = arith.constant dense<0xFF800000> : vector<256xf32>
    %reduce_max3A_253 = vector.multi_reduction <maximumf>, %select_n3A_251, %reduce_max3A_252 [1] : vector<256x3200xf32> to vector<256xf32>
    %broadcast_in_dim3A_254 = vector.shape_cast %reduce_max3A_253 : vector<256xf32> to vector<256x1xf32>
    %eq3A_255 = vector.broadcast %broadcast_in_dim3A_254 : vector<256x1xf32> to vector<256x3200xf32>
    %eq3A_256 = arith.cmpf oeq, %select_n3A_251, %eq3A_255 : vector<256x3200xf32>
    %jit3A_257 = arith.constant 1073741824 : i32
    %broadcast_in_dim3A_258 = vector.broadcast %jit3A_257 : i32 to vector<256x3200xi32>
    %select_n3A_259 = arith.select %eq3A_256, %iota3A, %broadcast_in_dim3A_258 : vector<256x3200xi1>, vector<256x3200xi32>
    %reduce_min3A_260 = arith.constant dense<2147483647> : vector<256xi32>
    %reduce_min3A_261 = vector.multi_reduction <minsi>, %select_n3A_259, %reduce_min3A_260 [1] : vector<256x3200xi32> to vector<256xi32>
    %eq3A_262 = arith.constant 11 : i32
    %eq3A_263 = vector.broadcast %eq3A_262 : i32 to vector<256x32xi32>
    %eq3A_264 = arith.cmpi eq, %iota3A_2, %eq3A_263 : vector<256x32xi32>
    %broadcast_in_dim3A_265 = vector.shape_cast %reduce_min3A_261 : vector<256xi32> to vector<256x1xi32>
    %broadcast_in_dim3A_266 = vector.shape_cast %broadcast_in_dim3A_265 : vector<256x1xi32> to vector<256x1xi32>
    %broadcast_in_dim3A_267 = vector.broadcast %broadcast_in_dim3A_266 : vector<256x1xi32> to vector<256x32xi32>
    %select_n3A_268 = arith.select %eq3A_264, %broadcast_in_dim3A_267, %select_n3A_245 : vector<256x32xi1>, vector<256x32xi32>
    %broadcast_in_dim3A_269 = vector.shape_cast %reduce_min3A_261 : vector<256xi32> to vector<256x1xi32>
    %eq3A_270 = vector.broadcast %broadcast_in_dim3A_269 : vector<256x1xi32> to vector<256x3200xi32>
    %eq3A_271 = arith.cmpi eq, %iota3A, %eq3A_270 : vector<256x3200xi32>
    %jit3A_272 = arith.constant 0xFF800000 : f32
    %broadcast_in_dim3A_273 = vector.broadcast %jit3A_272 : f32 to vector<256x3200xf32>
    %select_n3A_274 = arith.select %eq3A_271, %broadcast_in_dim3A_273, %select_n3A_251 : vector<256x3200xi1>, vector<256x3200xf32>
    %reduce_max3A_275 = arith.constant dense<0xFF800000> : vector<256xf32>
    %reduce_max3A_276 = vector.multi_reduction <maximumf>, %select_n3A_274, %reduce_max3A_275 [1] : vector<256x3200xf32> to vector<256xf32>
    %broadcast_in_dim3A_277 = vector.shape_cast %reduce_max3A_276 : vector<256xf32> to vector<256x1xf32>
    %eq3A_278 = vector.broadcast %broadcast_in_dim3A_277 : vector<256x1xf32> to vector<256x3200xf32>
    %eq3A_279 = arith.cmpf oeq, %select_n3A_274, %eq3A_278 : vector<256x3200xf32>
    %jit3A_280 = arith.constant 1073741824 : i32
    %broadcast_in_dim3A_281 = vector.broadcast %jit3A_280 : i32 to vector<256x3200xi32>
    %select_n3A_282 = arith.select %eq3A_279, %iota3A, %broadcast_in_dim3A_281 : vector<256x3200xi1>, vector<256x3200xi32>
    %reduce_min3A_283 = arith.constant dense<2147483647> : vector<256xi32>
    %reduce_min3A_284 = vector.multi_reduction <minsi>, %select_n3A_282, %reduce_min3A_283 [1] : vector<256x3200xi32> to vector<256xi32>
    %eq3A_285 = arith.constant 12 : i32
    %eq3A_286 = vector.broadcast %eq3A_285 : i32 to vector<256x32xi32>
    %eq3A_287 = arith.cmpi eq, %iota3A_2, %eq3A_286 : vector<256x32xi32>
    %broadcast_in_dim3A_288 = vector.shape_cast %reduce_min3A_284 : vector<256xi32> to vector<256x1xi32>
    %broadcast_in_dim3A_289 = vector.shape_cast %broadcast_in_dim3A_288 : vector<256x1xi32> to vector<256x1xi32>
    %broadcast_in_dim3A_290 = vector.broadcast %broadcast_in_dim3A_289 : vector<256x1xi32> to vector<256x32xi32>
    %select_n3A_291 = arith.select %eq3A_287, %broadcast_in_dim3A_290, %select_n3A_268 : vector<256x32xi1>, vector<256x32xi32>
    %broadcast_in_dim3A_292 = vector.shape_cast %reduce_min3A_284 : vector<256xi32> to vector<256x1xi32>
    %eq3A_293 = vector.broadcast %broadcast_in_dim3A_292 : vector<256x1xi32> to vector<256x3200xi32>
    %eq3A_294 = arith.cmpi eq, %iota3A, %eq3A_293 : vector<256x3200xi32>
    %jit3A_295 = arith.constant 0xFF800000 : f32
    %broadcast_in_dim3A_296 = vector.broadcast %jit3A_295 : f32 to vector<256x3200xf32>
    %select_n3A_297 = arith.select %eq3A_294, %broadcast_in_dim3A_296, %select_n3A_274 : vector<256x3200xi1>, vector<256x3200xf32>
    %reduce_max3A_298 = arith.constant dense<0xFF800000> : vector<256xf32>
    %reduce_max3A_299 = vector.multi_reduction <maximumf>, %select_n3A_297, %reduce_max3A_298 [1] : vector<256x3200xf32> to vector<256xf32>
    %broadcast_in_dim3A_300 = vector.shape_cast %reduce_max3A_299 : vector<256xf32> to vector<256x1xf32>
    %eq3A_301 = vector.broadcast %broadcast_in_dim3A_300 : vector<256x1xf32> to vector<256x3200xf32>
    %eq3A_302 = arith.cmpf oeq, %select_n3A_297, %eq3A_301 : vector<256x3200xf32>
    %jit3A_303 = arith.constant 1073741824 : i32
    %broadcast_in_dim3A_304 = vector.broadcast %jit3A_303 : i32 to vector<256x3200xi32>
    %select_n3A_305 = arith.select %eq3A_302, %iota3A, %broadcast_in_dim3A_304 : vector<256x3200xi1>, vector<256x3200xi32>
    %reduce_min3A_306 = arith.constant dense<2147483647> : vector<256xi32>
    %reduce_min3A_307 = vector.multi_reduction <minsi>, %select_n3A_305, %reduce_min3A_306 [1] : vector<256x3200xi32> to vector<256xi32>
    %eq3A_308 = arith.constant 13 : i32
    %eq3A_309 = vector.broadcast %eq3A_308 : i32 to vector<256x32xi32>
    %eq3A_310 = arith.cmpi eq, %iota3A_2, %eq3A_309 : vector<256x32xi32>
    %broadcast_in_dim3A_311 = vector.shape_cast %reduce_min3A_307 : vector<256xi32> to vector<256x1xi32>
    %broadcast_in_dim3A_312 = vector.shape_cast %broadcast_in_dim3A_311 : vector<256x1xi32> to vector<256x1xi32>
    %broadcast_in_dim3A_313 = vector.broadcast %broadcast_in_dim3A_312 : vector<256x1xi32> to vector<256x32xi32>
    %select_n3A_314 = arith.select %eq3A_310, %broadcast_in_dim3A_313, %select_n3A_291 : vector<256x32xi1>, vector<256x32xi32>
    %broadcast_in_dim3A_315 = vector.shape_cast %reduce_min3A_307 : vector<256xi32> to vector<256x1xi32>
    %eq3A_316 = vector.broadcast %broadcast_in_dim3A_315 : vector<256x1xi32> to vector<256x3200xi32>
    %eq3A_317 = arith.cmpi eq, %iota3A, %eq3A_316 : vector<256x3200xi32>
    %jit3A_318 = arith.constant 0xFF800000 : f32
    %broadcast_in_dim3A_319 = vector.broadcast %jit3A_318 : f32 to vector<256x3200xf32>
    %select_n3A_320 = arith.select %eq3A_317, %broadcast_in_dim3A_319, %select_n3A_297 : vector<256x3200xi1>, vector<256x3200xf32>
    %reduce_max3A_321 = arith.constant dense<0xFF800000> : vector<256xf32>
    %reduce_max3A_322 = vector.multi_reduction <maximumf>, %select_n3A_320, %reduce_max3A_321 [1] : vector<256x3200xf32> to vector<256xf32>
    %broadcast_in_dim3A_323 = vector.shape_cast %reduce_max3A_322 : vector<256xf32> to vector<256x1xf32>
    %eq3A_324 = vector.broadcast %broadcast_in_dim3A_323 : vector<256x1xf32> to vector<256x3200xf32>
    %eq3A_325 = arith.cmpf oeq, %select_n3A_320, %eq3A_324 : vector<256x3200xf32>
    %jit3A_326 = arith.constant 1073741824 : i32
    %broadcast_in_dim3A_327 = vector.broadcast %jit3A_326 : i32 to vector<256x3200xi32>
    %select_n3A_328 = arith.select %eq3A_325, %iota3A, %broadcast_in_dim3A_327 : vector<256x3200xi1>, vector<256x3200xi32>
    %reduce_min3A_329 = arith.constant dense<2147483647> : vector<256xi32>
    %reduce_min3A_330 = vector.multi_reduction <minsi>, %select_n3A_328, %reduce_min3A_329 [1] : vector<256x3200xi32> to vector<256xi32>
    %eq3A_331 = arith.constant 14 : i32
    %eq3A_332 = vector.broadcast %eq3A_331 : i32 to vector<256x32xi32>
    %eq3A_333 = arith.cmpi eq, %iota3A_2, %eq3A_332 : vector<256x32xi32>
    %broadcast_in_dim3A_334 = vector.shape_cast %reduce_min3A_330 : vector<256xi32> to vector<256x1xi32>
    %broadcast_in_dim3A_335 = vector.shape_cast %broadcast_in_dim3A_334 : vector<256x1xi32> to vector<256x1xi32>
    %broadcast_in_dim3A_336 = vector.broadcast %broadcast_in_dim3A_335 : vector<256x1xi32> to vector<256x32xi32>
    %select_n3A_337 = arith.select %eq3A_333, %broadcast_in_dim3A_336, %select_n3A_314 : vector<256x32xi1>, vector<256x32xi32>
    %broadcast_in_dim3A_338 = vector.shape_cast %reduce_min3A_330 : vector<256xi32> to vector<256x1xi32>
    %eq3A_339 = vector.broadcast %broadcast_in_dim3A_338 : vector<256x1xi32> to vector<256x3200xi32>
    %eq3A_340 = arith.cmpi eq, %iota3A, %eq3A_339 : vector<256x3200xi32>
    %jit3A_341 = arith.constant 0xFF800000 : f32
    %broadcast_in_dim3A_342 = vector.broadcast %jit3A_341 : f32 to vector<256x3200xf32>
    %select_n3A_343 = arith.select %eq3A_340, %broadcast_in_dim3A_342, %select_n3A_320 : vector<256x3200xi1>, vector<256x3200xf32>
    %reduce_max3A_344 = arith.constant dense<0xFF800000> : vector<256xf32>
    %reduce_max3A_345 = vector.multi_reduction <maximumf>, %select_n3A_343, %reduce_max3A_344 [1] : vector<256x3200xf32> to vector<256xf32>
    %broadcast_in_dim3A_346 = vector.shape_cast %reduce_max3A_345 : vector<256xf32> to vector<256x1xf32>
    %eq3A_347 = vector.broadcast %broadcast_in_dim3A_346 : vector<256x1xf32> to vector<256x3200xf32>
    %eq3A_348 = arith.cmpf oeq, %select_n3A_343, %eq3A_347 : vector<256x3200xf32>
    %jit3A_349 = arith.constant 1073741824 : i32
    %broadcast_in_dim3A_350 = vector.broadcast %jit3A_349 : i32 to vector<256x3200xi32>
    %select_n3A_351 = arith.select %eq3A_348, %iota3A, %broadcast_in_dim3A_350 : vector<256x3200xi1>, vector<256x3200xi32>
    %reduce_min3A_352 = arith.constant dense<2147483647> : vector<256xi32>
    %reduce_min3A_353 = vector.multi_reduction <minsi>, %select_n3A_351, %reduce_min3A_352 [1] : vector<256x3200xi32> to vector<256xi32>
    %eq3A_354 = arith.constant 15 : i32
    %eq3A_355 = vector.broadcast %eq3A_354 : i32 to vector<256x32xi32>
    %eq3A_356 = arith.cmpi eq, %iota3A_2, %eq3A_355 : vector<256x32xi32>
    %broadcast_in_dim3A_357 = vector.shape_cast %reduce_min3A_353 : vector<256xi32> to vector<256x1xi32>
    %broadcast_in_dim3A_358 = vector.shape_cast %broadcast_in_dim3A_357 : vector<256x1xi32> to vector<256x1xi32>
    %broadcast_in_dim3A_359 = vector.broadcast %broadcast_in_dim3A_358 : vector<256x1xi32> to vector<256x32xi32>
    %select_n3A_360 = arith.select %eq3A_356, %broadcast_in_dim3A_359, %select_n3A_337 : vector<256x32xi1>, vector<256x32xi32>
    %broadcast_in_dim3A_361 = vector.shape_cast %reduce_min3A_353 : vector<256xi32> to vector<256x1xi32>
    %eq3A_362 = vector.broadcast %broadcast_in_dim3A_361 : vector<256x1xi32> to vector<256x3200xi32>
    %eq3A_363 = arith.cmpi eq, %iota3A, %eq3A_362 : vector<256x3200xi32>
    %jit3A_364 = arith.constant 0xFF800000 : f32
    %broadcast_in_dim3A_365 = vector.broadcast %jit3A_364 : f32 to vector<256x3200xf32>
    %select_n3A_366 = arith.select %eq3A_363, %broadcast_in_dim3A_365, %select_n3A_343 : vector<256x3200xi1>, vector<256x3200xf32>
    %reduce_max3A_367 = arith.constant dense<0xFF800000> : vector<256xf32>
    %reduce_max3A_368 = vector.multi_reduction <maximumf>, %select_n3A_366, %reduce_max3A_367 [1] : vector<256x3200xf32> to vector<256xf32>
    %broadcast_in_dim3A_369 = vector.shape_cast %reduce_max3A_368 : vector<256xf32> to vector<256x1xf32>
    %eq3A_370 = vector.broadcast %broadcast_in_dim3A_369 : vector<256x1xf32> to vector<256x3200xf32>
    %eq3A_371 = arith.cmpf oeq, %select_n3A_366, %eq3A_370 : vector<256x3200xf32>
    %jit3A_372 = arith.constant 1073741824 : i32
    %broadcast_in_dim3A_373 = vector.broadcast %jit3A_372 : i32 to vector<256x3200xi32>
    %select_n3A_374 = arith.select %eq3A_371, %iota3A, %broadcast_in_dim3A_373 : vector<256x3200xi1>, vector<256x3200xi32>
    %reduce_min3A_375 = arith.constant dense<2147483647> : vector<256xi32>
    %reduce_min3A_376 = vector.multi_reduction <minsi>, %select_n3A_374, %reduce_min3A_375 [1] : vector<256x3200xi32> to vector<256xi32>
    %eq3A_377 = arith.constant 16 : i32
    %eq3A_378 = vector.broadcast %eq3A_377 : i32 to vector<256x32xi32>
    %eq3A_379 = arith.cmpi eq, %iota3A_2, %eq3A_378 : vector<256x32xi32>
    %broadcast_in_dim3A_380 = vector.shape_cast %reduce_min3A_376 : vector<256xi32> to vector<256x1xi32>
    %broadcast_in_dim3A_381 = vector.shape_cast %broadcast_in_dim3A_380 : vector<256x1xi32> to vector<256x1xi32>
    %broadcast_in_dim3A_382 = vector.broadcast %broadcast_in_dim3A_381 : vector<256x1xi32> to vector<256x32xi32>
    %select_n3A_383 = arith.select %eq3A_379, %broadcast_in_dim3A_382, %select_n3A_360 : vector<256x32xi1>, vector<256x32xi32>
    %broadcast_in_dim3A_384 = vector.shape_cast %reduce_min3A_376 : vector<256xi32> to vector<256x1xi32>
    %eq3A_385 = vector.broadcast %broadcast_in_dim3A_384 : vector<256x1xi32> to vector<256x3200xi32>
    %eq3A_386 = arith.cmpi eq, %iota3A, %eq3A_385 : vector<256x3200xi32>
    %jit3A_387 = arith.constant 0xFF800000 : f32
    %broadcast_in_dim3A_388 = vector.broadcast %jit3A_387 : f32 to vector<256x3200xf32>
    %select_n3A_389 = arith.select %eq3A_386, %broadcast_in_dim3A_388, %select_n3A_366 : vector<256x3200xi1>, vector<256x3200xf32>
    %reduce_max3A_390 = arith.constant dense<0xFF800000> : vector<256xf32>
    %reduce_max3A_391 = vector.multi_reduction <maximumf>, %select_n3A_389, %reduce_max3A_390 [1] : vector<256x3200xf32> to vector<256xf32>
    %broadcast_in_dim3A_392 = vector.shape_cast %reduce_max3A_391 : vector<256xf32> to vector<256x1xf32>
    %eq3A_393 = vector.broadcast %broadcast_in_dim3A_392 : vector<256x1xf32> to vector<256x3200xf32>
    %eq3A_394 = arith.cmpf oeq, %select_n3A_389, %eq3A_393 : vector<256x3200xf32>
    %jit3A_395 = arith.constant 1073741824 : i32
    %broadcast_in_dim3A_396 = vector.broadcast %jit3A_395 : i32 to vector<256x3200xi32>
    %select_n3A_397 = arith.select %eq3A_394, %iota3A, %broadcast_in_dim3A_396 : vector<256x3200xi1>, vector<256x3200xi32>
    %reduce_min3A_398 = arith.constant dense<2147483647> : vector<256xi32>
    %reduce_min3A_399 = vector.multi_reduction <minsi>, %select_n3A_397, %reduce_min3A_398 [1] : vector<256x3200xi32> to vector<256xi32>
    %eq3A_400 = arith.constant 17 : i32
    %eq3A_401 = vector.broadcast %eq3A_400 : i32 to vector<256x32xi32>
    %eq3A_402 = arith.cmpi eq, %iota3A_2, %eq3A_401 : vector<256x32xi32>
    %broadcast_in_dim3A_403 = vector.shape_cast %reduce_min3A_399 : vector<256xi32> to vector<256x1xi32>
    %broadcast_in_dim3A_404 = vector.shape_cast %broadcast_in_dim3A_403 : vector<256x1xi32> to vector<256x1xi32>
    %broadcast_in_dim3A_405 = vector.broadcast %broadcast_in_dim3A_404 : vector<256x1xi32> to vector<256x32xi32>
    %select_n3A_406 = arith.select %eq3A_402, %broadcast_in_dim3A_405, %select_n3A_383 : vector<256x32xi1>, vector<256x32xi32>
    %broadcast_in_dim3A_407 = vector.shape_cast %reduce_min3A_399 : vector<256xi32> to vector<256x1xi32>
    %eq3A_408 = vector.broadcast %broadcast_in_dim3A_407 : vector<256x1xi32> to vector<256x3200xi32>
    %eq3A_409 = arith.cmpi eq, %iota3A, %eq3A_408 : vector<256x3200xi32>
    %jit3A_410 = arith.constant 0xFF800000 : f32
    %broadcast_in_dim3A_411 = vector.broadcast %jit3A_410 : f32 to vector<256x3200xf32>
    %select_n3A_412 = arith.select %eq3A_409, %broadcast_in_dim3A_411, %select_n3A_389 : vector<256x3200xi1>, vector<256x3200xf32>
    %reduce_max3A_413 = arith.constant dense<0xFF800000> : vector<256xf32>
    %reduce_max3A_414 = vector.multi_reduction <maximumf>, %select_n3A_412, %reduce_max3A_413 [1] : vector<256x3200xf32> to vector<256xf32>
    %broadcast_in_dim3A_415 = vector.shape_cast %reduce_max3A_414 : vector<256xf32> to vector<256x1xf32>
    %eq3A_416 = vector.broadcast %broadcast_in_dim3A_415 : vector<256x1xf32> to vector<256x3200xf32>
    %eq3A_417 = arith.cmpf oeq, %select_n3A_412, %eq3A_416 : vector<256x3200xf32>
    %jit3A_418 = arith.constant 1073741824 : i32
    %broadcast_in_dim3A_419 = vector.broadcast %jit3A_418 : i32 to vector<256x3200xi32>
    %select_n3A_420 = arith.select %eq3A_417, %iota3A, %broadcast_in_dim3A_419 : vector<256x3200xi1>, vector<256x3200xi32>
    %reduce_min3A_421 = arith.constant dense<2147483647> : vector<256xi32>
    %reduce_min3A_422 = vector.multi_reduction <minsi>, %select_n3A_420, %reduce_min3A_421 [1] : vector<256x3200xi32> to vector<256xi32>
    %eq3A_423 = arith.constant 18 : i32
    %eq3A_424 = vector.broadcast %eq3A_423 : i32 to vector<256x32xi32>
    %eq3A_425 = arith.cmpi eq, %iota3A_2, %eq3A_424 : vector<256x32xi32>
    %broadcast_in_dim3A_426 = vector.shape_cast %reduce_min3A_422 : vector<256xi32> to vector<256x1xi32>
    %broadcast_in_dim3A_427 = vector.shape_cast %broadcast_in_dim3A_426 : vector<256x1xi32> to vector<256x1xi32>
    %broadcast_in_dim3A_428 = vector.broadcast %broadcast_in_dim3A_427 : vector<256x1xi32> to vector<256x32xi32>
    %select_n3A_429 = arith.select %eq3A_425, %broadcast_in_dim3A_428, %select_n3A_406 : vector<256x32xi1>, vector<256x32xi32>
    %broadcast_in_dim3A_430 = vector.shape_cast %reduce_min3A_422 : vector<256xi32> to vector<256x1xi32>
    %eq3A_431 = vector.broadcast %broadcast_in_dim3A_430 : vector<256x1xi32> to vector<256x3200xi32>
    %eq3A_432 = arith.cmpi eq, %iota3A, %eq3A_431 : vector<256x3200xi32>
    %jit3A_433 = arith.constant 0xFF800000 : f32
    %broadcast_in_dim3A_434 = vector.broadcast %jit3A_433 : f32 to vector<256x3200xf32>
    %select_n3A_435 = arith.select %eq3A_432, %broadcast_in_dim3A_434, %select_n3A_412 : vector<256x3200xi1>, vector<256x3200xf32>
    %reduce_max3A_436 = arith.constant dense<0xFF800000> : vector<256xf32>
    %reduce_max3A_437 = vector.multi_reduction <maximumf>, %select_n3A_435, %reduce_max3A_436 [1] : vector<256x3200xf32> to vector<256xf32>
    %broadcast_in_dim3A_438 = vector.shape_cast %reduce_max3A_437 : vector<256xf32> to vector<256x1xf32>
    %eq3A_439 = vector.broadcast %broadcast_in_dim3A_438 : vector<256x1xf32> to vector<256x3200xf32>
    %eq3A_440 = arith.cmpf oeq, %select_n3A_435, %eq3A_439 : vector<256x3200xf32>
    %jit3A_441 = arith.constant 1073741824 : i32
    %broadcast_in_dim3A_442 = vector.broadcast %jit3A_441 : i32 to vector<256x3200xi32>
    %select_n3A_443 = arith.select %eq3A_440, %iota3A, %broadcast_in_dim3A_442 : vector<256x3200xi1>, vector<256x3200xi32>
    %reduce_min3A_444 = arith.constant dense<2147483647> : vector<256xi32>
    %reduce_min3A_445 = vector.multi_reduction <minsi>, %select_n3A_443, %reduce_min3A_444 [1] : vector<256x3200xi32> to vector<256xi32>
    %eq3A_446 = arith.constant 19 : i32
    %eq3A_447 = vector.broadcast %eq3A_446 : i32 to vector<256x32xi32>
    %eq3A_448 = arith.cmpi eq, %iota3A_2, %eq3A_447 : vector<256x32xi32>
    %broadcast_in_dim3A_449 = vector.shape_cast %reduce_min3A_445 : vector<256xi32> to vector<256x1xi32>
    %broadcast_in_dim3A_450 = vector.shape_cast %broadcast_in_dim3A_449 : vector<256x1xi32> to vector<256x1xi32>
    %broadcast_in_dim3A_451 = vector.broadcast %broadcast_in_dim3A_450 : vector<256x1xi32> to vector<256x32xi32>
    %select_n3A_452 = arith.select %eq3A_448, %broadcast_in_dim3A_451, %select_n3A_429 : vector<256x32xi1>, vector<256x32xi32>
    %broadcast_in_dim3A_453 = vector.shape_cast %reduce_min3A_445 : vector<256xi32> to vector<256x1xi32>
    %eq3A_454 = vector.broadcast %broadcast_in_dim3A_453 : vector<256x1xi32> to vector<256x3200xi32>
    %eq3A_455 = arith.cmpi eq, %iota3A, %eq3A_454 : vector<256x3200xi32>
    %jit3A_456 = arith.constant 0xFF800000 : f32
    %broadcast_in_dim3A_457 = vector.broadcast %jit3A_456 : f32 to vector<256x3200xf32>
    %select_n3A_458 = arith.select %eq3A_455, %broadcast_in_dim3A_457, %select_n3A_435 : vector<256x3200xi1>, vector<256x3200xf32>
    %reduce_max3A_459 = arith.constant dense<0xFF800000> : vector<256xf32>
    %reduce_max3A_460 = vector.multi_reduction <maximumf>, %select_n3A_458, %reduce_max3A_459 [1] : vector<256x3200xf32> to vector<256xf32>
    %broadcast_in_dim3A_461 = vector.shape_cast %reduce_max3A_460 : vector<256xf32> to vector<256x1xf32>
    %eq3A_462 = vector.broadcast %broadcast_in_dim3A_461 : vector<256x1xf32> to vector<256x3200xf32>
    %eq3A_463 = arith.cmpf oeq, %select_n3A_458, %eq3A_462 : vector<256x3200xf32>
    %jit3A_464 = arith.constant 1073741824 : i32
    %broadcast_in_dim3A_465 = vector.broadcast %jit3A_464 : i32 to vector<256x3200xi32>
    %select_n3A_466 = arith.select %eq3A_463, %iota3A, %broadcast_in_dim3A_465 : vector<256x3200xi1>, vector<256x3200xi32>
    %reduce_min3A_467 = arith.constant dense<2147483647> : vector<256xi32>
    %reduce_min3A_468 = vector.multi_reduction <minsi>, %select_n3A_466, %reduce_min3A_467 [1] : vector<256x3200xi32> to vector<256xi32>
    %eq3A_469 = arith.constant 20 : i32
    %eq3A_470 = vector.broadcast %eq3A_469 : i32 to vector<256x32xi32>
    %eq3A_471 = arith.cmpi eq, %iota3A_2, %eq3A_470 : vector<256x32xi32>
    %broadcast_in_dim3A_472 = vector.shape_cast %reduce_min3A_468 : vector<256xi32> to vector<256x1xi32>
    %broadcast_in_dim3A_473 = vector.shape_cast %broadcast_in_dim3A_472 : vector<256x1xi32> to vector<256x1xi32>
    %broadcast_in_dim3A_474 = vector.broadcast %broadcast_in_dim3A_473 : vector<256x1xi32> to vector<256x32xi32>
    %select_n3A_475 = arith.select %eq3A_471, %broadcast_in_dim3A_474, %select_n3A_452 : vector<256x32xi1>, vector<256x32xi32>
    %broadcast_in_dim3A_476 = vector.shape_cast %reduce_min3A_468 : vector<256xi32> to vector<256x1xi32>
    %eq3A_477 = vector.broadcast %broadcast_in_dim3A_476 : vector<256x1xi32> to vector<256x3200xi32>
    %eq3A_478 = arith.cmpi eq, %iota3A, %eq3A_477 : vector<256x3200xi32>
    %jit3A_479 = arith.constant 0xFF800000 : f32
    %broadcast_in_dim3A_480 = vector.broadcast %jit3A_479 : f32 to vector<256x3200xf32>
    %select_n3A_481 = arith.select %eq3A_478, %broadcast_in_dim3A_480, %select_n3A_458 : vector<256x3200xi1>, vector<256x3200xf32>
    %reduce_max3A_482 = arith.constant dense<0xFF800000> : vector<256xf32>
    %reduce_max3A_483 = vector.multi_reduction <maximumf>, %select_n3A_481, %reduce_max3A_482 [1] : vector<256x3200xf32> to vector<256xf32>
    %broadcast_in_dim3A_484 = vector.shape_cast %reduce_max3A_483 : vector<256xf32> to vector<256x1xf32>
    %eq3A_485 = vector.broadcast %broadcast_in_dim3A_484 : vector<256x1xf32> to vector<256x3200xf32>
    %eq3A_486 = arith.cmpf oeq, %select_n3A_481, %eq3A_485 : vector<256x3200xf32>
    %jit3A_487 = arith.constant 1073741824 : i32
    %broadcast_in_dim3A_488 = vector.broadcast %jit3A_487 : i32 to vector<256x3200xi32>
    %select_n3A_489 = arith.select %eq3A_486, %iota3A, %broadcast_in_dim3A_488 : vector<256x3200xi1>, vector<256x3200xi32>
    %reduce_min3A_490 = arith.constant dense<2147483647> : vector<256xi32>
    %reduce_min3A_491 = vector.multi_reduction <minsi>, %select_n3A_489, %reduce_min3A_490 [1] : vector<256x3200xi32> to vector<256xi32>
    %eq3A_492 = arith.constant 21 : i32
    %eq3A_493 = vector.broadcast %eq3A_492 : i32 to vector<256x32xi32>
    %eq3A_494 = arith.cmpi eq, %iota3A_2, %eq3A_493 : vector<256x32xi32>
    %broadcast_in_dim3A_495 = vector.shape_cast %reduce_min3A_491 : vector<256xi32> to vector<256x1xi32>
    %broadcast_in_dim3A_496 = vector.shape_cast %broadcast_in_dim3A_495 : vector<256x1xi32> to vector<256x1xi32>
    %broadcast_in_dim3A_497 = vector.broadcast %broadcast_in_dim3A_496 : vector<256x1xi32> to vector<256x32xi32>
    %select_n3A_498 = arith.select %eq3A_494, %broadcast_in_dim3A_497, %select_n3A_475 : vector<256x32xi1>, vector<256x32xi32>
    %broadcast_in_dim3A_499 = vector.shape_cast %reduce_min3A_491 : vector<256xi32> to vector<256x1xi32>
    %eq3A_500 = vector.broadcast %broadcast_in_dim3A_499 : vector<256x1xi32> to vector<256x3200xi32>
    %eq3A_501 = arith.cmpi eq, %iota3A, %eq3A_500 : vector<256x3200xi32>
    %jit3A_502 = arith.constant 0xFF800000 : f32
    %broadcast_in_dim3A_503 = vector.broadcast %jit3A_502 : f32 to vector<256x3200xf32>
    %select_n3A_504 = arith.select %eq3A_501, %broadcast_in_dim3A_503, %select_n3A_481 : vector<256x3200xi1>, vector<256x3200xf32>
    %reduce_max3A_505 = arith.constant dense<0xFF800000> : vector<256xf32>
    %reduce_max3A_506 = vector.multi_reduction <maximumf>, %select_n3A_504, %reduce_max3A_505 [1] : vector<256x3200xf32> to vector<256xf32>
    %broadcast_in_dim3A_507 = vector.shape_cast %reduce_max3A_506 : vector<256xf32> to vector<256x1xf32>
    %eq3A_508 = vector.broadcast %broadcast_in_dim3A_507 : vector<256x1xf32> to vector<256x3200xf32>
    %eq3A_509 = arith.cmpf oeq, %select_n3A_504, %eq3A_508 : vector<256x3200xf32>
    %jit3A_510 = arith.constant 1073741824 : i32
    %broadcast_in_dim3A_511 = vector.broadcast %jit3A_510 : i32 to vector<256x3200xi32>
    %select_n3A_512 = arith.select %eq3A_509, %iota3A, %broadcast_in_dim3A_511 : vector<256x3200xi1>, vector<256x3200xi32>
    %reduce_min3A_513 = arith.constant dense<2147483647> : vector<256xi32>
    %reduce_min3A_514 = vector.multi_reduction <minsi>, %select_n3A_512, %reduce_min3A_513 [1] : vector<256x3200xi32> to vector<256xi32>
    %eq3A_515 = arith.constant 22 : i32
    %eq3A_516 = vector.broadcast %eq3A_515 : i32 to vector<256x32xi32>
    %eq3A_517 = arith.cmpi eq, %iota3A_2, %eq3A_516 : vector<256x32xi32>
    %broadcast_in_dim3A_518 = vector.shape_cast %reduce_min3A_514 : vector<256xi32> to vector<256x1xi32>
    %broadcast_in_dim3A_519 = vector.shape_cast %broadcast_in_dim3A_518 : vector<256x1xi32> to vector<256x1xi32>
    %broadcast_in_dim3A_520 = vector.broadcast %broadcast_in_dim3A_519 : vector<256x1xi32> to vector<256x32xi32>
    %select_n3A_521 = arith.select %eq3A_517, %broadcast_in_dim3A_520, %select_n3A_498 : vector<256x32xi1>, vector<256x32xi32>
    %broadcast_in_dim3A_522 = vector.shape_cast %reduce_min3A_514 : vector<256xi32> to vector<256x1xi32>
    %eq3A_523 = vector.broadcast %broadcast_in_dim3A_522 : vector<256x1xi32> to vector<256x3200xi32>
    %eq3A_524 = arith.cmpi eq, %iota3A, %eq3A_523 : vector<256x3200xi32>
    %jit3A_525 = arith.constant 0xFF800000 : f32
    %broadcast_in_dim3A_526 = vector.broadcast %jit3A_525 : f32 to vector<256x3200xf32>
    %select_n3A_527 = arith.select %eq3A_524, %broadcast_in_dim3A_526, %select_n3A_504 : vector<256x3200xi1>, vector<256x3200xf32>
    %reduce_max3A_528 = arith.constant dense<0xFF800000> : vector<256xf32>
    %reduce_max3A_529 = vector.multi_reduction <maximumf>, %select_n3A_527, %reduce_max3A_528 [1] : vector<256x3200xf32> to vector<256xf32>
    %broadcast_in_dim3A_530 = vector.shape_cast %reduce_max3A_529 : vector<256xf32> to vector<256x1xf32>
    %eq3A_531 = vector.broadcast %broadcast_in_dim3A_530 : vector<256x1xf32> to vector<256x3200xf32>
    %eq3A_532 = arith.cmpf oeq, %select_n3A_527, %eq3A_531 : vector<256x3200xf32>
    %jit3A_533 = arith.constant 1073741824 : i32
    %broadcast_in_dim3A_534 = vector.broadcast %jit3A_533 : i32 to vector<256x3200xi32>
    %select_n3A_535 = arith.select %eq3A_532, %iota3A, %broadcast_in_dim3A_534 : vector<256x3200xi1>, vector<256x3200xi32>
    %reduce_min3A_536 = arith.constant dense<2147483647> : vector<256xi32>
    %reduce_min3A_537 = vector.multi_reduction <minsi>, %select_n3A_535, %reduce_min3A_536 [1] : vector<256x3200xi32> to vector<256xi32>
    %eq3A_538 = arith.constant 23 : i32
    %eq3A_539 = vector.broadcast %eq3A_538 : i32 to vector<256x32xi32>
    %eq3A_540 = arith.cmpi eq, %iota3A_2, %eq3A_539 : vector<256x32xi32>
    %broadcast_in_dim3A_541 = vector.shape_cast %reduce_min3A_537 : vector<256xi32> to vector<256x1xi32>
    %broadcast_in_dim3A_542 = vector.shape_cast %broadcast_in_dim3A_541 : vector<256x1xi32> to vector<256x1xi32>
    %broadcast_in_dim3A_543 = vector.broadcast %broadcast_in_dim3A_542 : vector<256x1xi32> to vector<256x32xi32>
    %select_n3A_544 = arith.select %eq3A_540, %broadcast_in_dim3A_543, %select_n3A_521 : vector<256x32xi1>, vector<256x32xi32>
    %broadcast_in_dim3A_545 = vector.shape_cast %reduce_min3A_537 : vector<256xi32> to vector<256x1xi32>
    %eq3A_546 = vector.broadcast %broadcast_in_dim3A_545 : vector<256x1xi32> to vector<256x3200xi32>
    %eq3A_547 = arith.cmpi eq, %iota3A, %eq3A_546 : vector<256x3200xi32>
    %jit3A_548 = arith.constant 0xFF800000 : f32
    %broadcast_in_dim3A_549 = vector.broadcast %jit3A_548 : f32 to vector<256x3200xf32>
    %select_n3A_550 = arith.select %eq3A_547, %broadcast_in_dim3A_549, %select_n3A_527 : vector<256x3200xi1>, vector<256x3200xf32>
    %reduce_max3A_551 = arith.constant dense<0xFF800000> : vector<256xf32>
    %reduce_max3A_552 = vector.multi_reduction <maximumf>, %select_n3A_550, %reduce_max3A_551 [1] : vector<256x3200xf32> to vector<256xf32>
    %broadcast_in_dim3A_553 = vector.shape_cast %reduce_max3A_552 : vector<256xf32> to vector<256x1xf32>
    %eq3A_554 = vector.broadcast %broadcast_in_dim3A_553 : vector<256x1xf32> to vector<256x3200xf32>
    %eq3A_555 = arith.cmpf oeq, %select_n3A_550, %eq3A_554 : vector<256x3200xf32>
    %jit3A_556 = arith.constant 1073741824 : i32
    %broadcast_in_dim3A_557 = vector.broadcast %jit3A_556 : i32 to vector<256x3200xi32>
    %select_n3A_558 = arith.select %eq3A_555, %iota3A, %broadcast_in_dim3A_557 : vector<256x3200xi1>, vector<256x3200xi32>
    %reduce_min3A_559 = arith.constant dense<2147483647> : vector<256xi32>
    %reduce_min3A_560 = vector.multi_reduction <minsi>, %select_n3A_558, %reduce_min3A_559 [1] : vector<256x3200xi32> to vector<256xi32>
    %eq3A_561 = arith.constant 24 : i32
    %eq3A_562 = vector.broadcast %eq3A_561 : i32 to vector<256x32xi32>
    %eq3A_563 = arith.cmpi eq, %iota3A_2, %eq3A_562 : vector<256x32xi32>
    %broadcast_in_dim3A_564 = vector.shape_cast %reduce_min3A_560 : vector<256xi32> to vector<256x1xi32>
    %broadcast_in_dim3A_565 = vector.shape_cast %broadcast_in_dim3A_564 : vector<256x1xi32> to vector<256x1xi32>
    %broadcast_in_dim3A_566 = vector.broadcast %broadcast_in_dim3A_565 : vector<256x1xi32> to vector<256x32xi32>
    %select_n3A_567 = arith.select %eq3A_563, %broadcast_in_dim3A_566, %select_n3A_544 : vector<256x32xi1>, vector<256x32xi32>
    %broadcast_in_dim3A_568 = vector.shape_cast %reduce_min3A_560 : vector<256xi32> to vector<256x1xi32>
    %eq3A_569 = vector.broadcast %broadcast_in_dim3A_568 : vector<256x1xi32> to vector<256x3200xi32>
    %eq3A_570 = arith.cmpi eq, %iota3A, %eq3A_569 : vector<256x3200xi32>
    %jit3A_571 = arith.constant 0xFF800000 : f32
    %broadcast_in_dim3A_572 = vector.broadcast %jit3A_571 : f32 to vector<256x3200xf32>
    %select_n3A_573 = arith.select %eq3A_570, %broadcast_in_dim3A_572, %select_n3A_550 : vector<256x3200xi1>, vector<256x3200xf32>
    %reduce_max3A_574 = arith.constant dense<0xFF800000> : vector<256xf32>
    %reduce_max3A_575 = vector.multi_reduction <maximumf>, %select_n3A_573, %reduce_max3A_574 [1] : vector<256x3200xf32> to vector<256xf32>
    %broadcast_in_dim3A_576 = vector.shape_cast %reduce_max3A_575 : vector<256xf32> to vector<256x1xf32>
    %eq3A_577 = vector.broadcast %broadcast_in_dim3A_576 : vector<256x1xf32> to vector<256x3200xf32>
    %eq3A_578 = arith.cmpf oeq, %select_n3A_573, %eq3A_577 : vector<256x3200xf32>
    %jit3A_579 = arith.constant 1073741824 : i32
    %broadcast_in_dim3A_580 = vector.broadcast %jit3A_579 : i32 to vector<256x3200xi32>
    %select_n3A_581 = arith.select %eq3A_578, %iota3A, %broadcast_in_dim3A_580 : vector<256x3200xi1>, vector<256x3200xi32>
    %reduce_min3A_582 = arith.constant dense<2147483647> : vector<256xi32>
    %reduce_min3A_583 = vector.multi_reduction <minsi>, %select_n3A_581, %reduce_min3A_582 [1] : vector<256x3200xi32> to vector<256xi32>
    %eq3A_584 = arith.constant 25 : i32
    %eq3A_585 = vector.broadcast %eq3A_584 : i32 to vector<256x32xi32>
    %eq3A_586 = arith.cmpi eq, %iota3A_2, %eq3A_585 : vector<256x32xi32>
    %broadcast_in_dim3A_587 = vector.shape_cast %reduce_min3A_583 : vector<256xi32> to vector<256x1xi32>
    %broadcast_in_dim3A_588 = vector.shape_cast %broadcast_in_dim3A_587 : vector<256x1xi32> to vector<256x1xi32>
    %broadcast_in_dim3A_589 = vector.broadcast %broadcast_in_dim3A_588 : vector<256x1xi32> to vector<256x32xi32>
    %select_n3A_590 = arith.select %eq3A_586, %broadcast_in_dim3A_589, %select_n3A_567 : vector<256x32xi1>, vector<256x32xi32>
    %broadcast_in_dim3A_591 = vector.shape_cast %reduce_min3A_583 : vector<256xi32> to vector<256x1xi32>
    %eq3A_592 = vector.broadcast %broadcast_in_dim3A_591 : vector<256x1xi32> to vector<256x3200xi32>
    %eq3A_593 = arith.cmpi eq, %iota3A, %eq3A_592 : vector<256x3200xi32>
    %jit3A_594 = arith.constant 0xFF800000 : f32
    %broadcast_in_dim3A_595 = vector.broadcast %jit3A_594 : f32 to vector<256x3200xf32>
    %select_n3A_596 = arith.select %eq3A_593, %broadcast_in_dim3A_595, %select_n3A_573 : vector<256x3200xi1>, vector<256x3200xf32>
    %reduce_max3A_597 = arith.constant dense<0xFF800000> : vector<256xf32>
    %reduce_max3A_598 = vector.multi_reduction <maximumf>, %select_n3A_596, %reduce_max3A_597 [1] : vector<256x3200xf32> to vector<256xf32>
    %broadcast_in_dim3A_599 = vector.shape_cast %reduce_max3A_598 : vector<256xf32> to vector<256x1xf32>
    %eq3A_600 = vector.broadcast %broadcast_in_dim3A_599 : vector<256x1xf32> to vector<256x3200xf32>
    %eq3A_601 = arith.cmpf oeq, %select_n3A_596, %eq3A_600 : vector<256x3200xf32>
    %jit3A_602 = arith.constant 1073741824 : i32
    %broadcast_in_dim3A_603 = vector.broadcast %jit3A_602 : i32 to vector<256x3200xi32>
    %select_n3A_604 = arith.select %eq3A_601, %iota3A, %broadcast_in_dim3A_603 : vector<256x3200xi1>, vector<256x3200xi32>
    %reduce_min3A_605 = arith.constant dense<2147483647> : vector<256xi32>
    %reduce_min3A_606 = vector.multi_reduction <minsi>, %select_n3A_604, %reduce_min3A_605 [1] : vector<256x3200xi32> to vector<256xi32>
    %eq3A_607 = arith.constant 26 : i32
    %eq3A_608 = vector.broadcast %eq3A_607 : i32 to vector<256x32xi32>
    %eq3A_609 = arith.cmpi eq, %iota3A_2, %eq3A_608 : vector<256x32xi32>
    %broadcast_in_dim3A_610 = vector.shape_cast %reduce_min3A_606 : vector<256xi32> to vector<256x1xi32>
    %broadcast_in_dim3A_611 = vector.shape_cast %broadcast_in_dim3A_610 : vector<256x1xi32> to vector<256x1xi32>
    %broadcast_in_dim3A_612 = vector.broadcast %broadcast_in_dim3A_611 : vector<256x1xi32> to vector<256x32xi32>
    %select_n3A_613 = arith.select %eq3A_609, %broadcast_in_dim3A_612, %select_n3A_590 : vector<256x32xi1>, vector<256x32xi32>
    %broadcast_in_dim3A_614 = vector.shape_cast %reduce_min3A_606 : vector<256xi32> to vector<256x1xi32>
    %eq3A_615 = vector.broadcast %broadcast_in_dim3A_614 : vector<256x1xi32> to vector<256x3200xi32>
    %eq3A_616 = arith.cmpi eq, %iota3A, %eq3A_615 : vector<256x3200xi32>
    %jit3A_617 = arith.constant 0xFF800000 : f32
    %broadcast_in_dim3A_618 = vector.broadcast %jit3A_617 : f32 to vector<256x3200xf32>
    %select_n3A_619 = arith.select %eq3A_616, %broadcast_in_dim3A_618, %select_n3A_596 : vector<256x3200xi1>, vector<256x3200xf32>
    %reduce_max3A_620 = arith.constant dense<0xFF800000> : vector<256xf32>
    %reduce_max3A_621 = vector.multi_reduction <maximumf>, %select_n3A_619, %reduce_max3A_620 [1] : vector<256x3200xf32> to vector<256xf32>
    %broadcast_in_dim3A_622 = vector.shape_cast %reduce_max3A_621 : vector<256xf32> to vector<256x1xf32>
    %eq3A_623 = vector.broadcast %broadcast_in_dim3A_622 : vector<256x1xf32> to vector<256x3200xf32>
    %eq3A_624 = arith.cmpf oeq, %select_n3A_619, %eq3A_623 : vector<256x3200xf32>
    %jit3A_625 = arith.constant 1073741824 : i32
    %broadcast_in_dim3A_626 = vector.broadcast %jit3A_625 : i32 to vector<256x3200xi32>
    %select_n3A_627 = arith.select %eq3A_624, %iota3A, %broadcast_in_dim3A_626 : vector<256x3200xi1>, vector<256x3200xi32>
    %reduce_min3A_628 = arith.constant dense<2147483647> : vector<256xi32>
    %reduce_min3A_629 = vector.multi_reduction <minsi>, %select_n3A_627, %reduce_min3A_628 [1] : vector<256x3200xi32> to vector<256xi32>
    %eq3A_630 = arith.constant 27 : i32
    %eq3A_631 = vector.broadcast %eq3A_630 : i32 to vector<256x32xi32>
    %eq3A_632 = arith.cmpi eq, %iota3A_2, %eq3A_631 : vector<256x32xi32>
    %broadcast_in_dim3A_633 = vector.shape_cast %reduce_min3A_629 : vector<256xi32> to vector<256x1xi32>
    %broadcast_in_dim3A_634 = vector.shape_cast %broadcast_in_dim3A_633 : vector<256x1xi32> to vector<256x1xi32>
    %broadcast_in_dim3A_635 = vector.broadcast %broadcast_in_dim3A_634 : vector<256x1xi32> to vector<256x32xi32>
    %select_n3A_636 = arith.select %eq3A_632, %broadcast_in_dim3A_635, %select_n3A_613 : vector<256x32xi1>, vector<256x32xi32>
    %broadcast_in_dim3A_637 = vector.shape_cast %reduce_min3A_629 : vector<256xi32> to vector<256x1xi32>
    %eq3A_638 = vector.broadcast %broadcast_in_dim3A_637 : vector<256x1xi32> to vector<256x3200xi32>
    %eq3A_639 = arith.cmpi eq, %iota3A, %eq3A_638 : vector<256x3200xi32>
    %jit3A_640 = arith.constant 0xFF800000 : f32
    %broadcast_in_dim3A_641 = vector.broadcast %jit3A_640 : f32 to vector<256x3200xf32>
    %select_n3A_642 = arith.select %eq3A_639, %broadcast_in_dim3A_641, %select_n3A_619 : vector<256x3200xi1>, vector<256x3200xf32>
    %reduce_max3A_643 = arith.constant dense<0xFF800000> : vector<256xf32>
    %reduce_max3A_644 = vector.multi_reduction <maximumf>, %select_n3A_642, %reduce_max3A_643 [1] : vector<256x3200xf32> to vector<256xf32>
    %broadcast_in_dim3A_645 = vector.shape_cast %reduce_max3A_644 : vector<256xf32> to vector<256x1xf32>
    %eq3A_646 = vector.broadcast %broadcast_in_dim3A_645 : vector<256x1xf32> to vector<256x3200xf32>
    %eq3A_647 = arith.cmpf oeq, %select_n3A_642, %eq3A_646 : vector<256x3200xf32>
    %jit3A_648 = arith.constant 1073741824 : i32
    %broadcast_in_dim3A_649 = vector.broadcast %jit3A_648 : i32 to vector<256x3200xi32>
    %select_n3A_650 = arith.select %eq3A_647, %iota3A, %broadcast_in_dim3A_649 : vector<256x3200xi1>, vector<256x3200xi32>
    %reduce_min3A_651 = arith.constant dense<2147483647> : vector<256xi32>
    %reduce_min3A_652 = vector.multi_reduction <minsi>, %select_n3A_650, %reduce_min3A_651 [1] : vector<256x3200xi32> to vector<256xi32>
    %eq3A_653 = arith.constant 28 : i32
    %eq3A_654 = vector.broadcast %eq3A_653 : i32 to vector<256x32xi32>
    %eq3A_655 = arith.cmpi eq, %iota3A_2, %eq3A_654 : vector<256x32xi32>
    %broadcast_in_dim3A_656 = vector.shape_cast %reduce_min3A_652 : vector<256xi32> to vector<256x1xi32>
    %broadcast_in_dim3A_657 = vector.shape_cast %broadcast_in_dim3A_656 : vector<256x1xi32> to vector<256x1xi32>
    %broadcast_in_dim3A_658 = vector.broadcast %broadcast_in_dim3A_657 : vector<256x1xi32> to vector<256x32xi32>
    %select_n3A_659 = arith.select %eq3A_655, %broadcast_in_dim3A_658, %select_n3A_636 : vector<256x32xi1>, vector<256x32xi32>
    %broadcast_in_dim3A_660 = vector.shape_cast %reduce_min3A_652 : vector<256xi32> to vector<256x1xi32>
    %eq3A_661 = vector.broadcast %broadcast_in_dim3A_660 : vector<256x1xi32> to vector<256x3200xi32>
    %eq3A_662 = arith.cmpi eq, %iota3A, %eq3A_661 : vector<256x3200xi32>
    %jit3A_663 = arith.constant 0xFF800000 : f32
    %broadcast_in_dim3A_664 = vector.broadcast %jit3A_663 : f32 to vector<256x3200xf32>
    %select_n3A_665 = arith.select %eq3A_662, %broadcast_in_dim3A_664, %select_n3A_642 : vector<256x3200xi1>, vector<256x3200xf32>
    %reduce_max3A_666 = arith.constant dense<0xFF800000> : vector<256xf32>
    %reduce_max3A_667 = vector.multi_reduction <maximumf>, %select_n3A_665, %reduce_max3A_666 [1] : vector<256x3200xf32> to vector<256xf32>
    %broadcast_in_dim3A_668 = vector.shape_cast %reduce_max3A_667 : vector<256xf32> to vector<256x1xf32>
    %eq3A_669 = vector.broadcast %broadcast_in_dim3A_668 : vector<256x1xf32> to vector<256x3200xf32>
    %eq3A_670 = arith.cmpf oeq, %select_n3A_665, %eq3A_669 : vector<256x3200xf32>
    %jit3A_671 = arith.constant 1073741824 : i32
    %broadcast_in_dim3A_672 = vector.broadcast %jit3A_671 : i32 to vector<256x3200xi32>
    %select_n3A_673 = arith.select %eq3A_670, %iota3A, %broadcast_in_dim3A_672 : vector<256x3200xi1>, vector<256x3200xi32>
    %reduce_min3A_674 = arith.constant dense<2147483647> : vector<256xi32>
    %reduce_min3A_675 = vector.multi_reduction <minsi>, %select_n3A_673, %reduce_min3A_674 [1] : vector<256x3200xi32> to vector<256xi32>
    %eq3A_676 = arith.constant 29 : i32
    %eq3A_677 = vector.broadcast %eq3A_676 : i32 to vector<256x32xi32>
    %eq3A_678 = arith.cmpi eq, %iota3A_2, %eq3A_677 : vector<256x32xi32>
    %broadcast_in_dim3A_679 = vector.shape_cast %reduce_min3A_675 : vector<256xi32> to vector<256x1xi32>
    %broadcast_in_dim3A_680 = vector.shape_cast %broadcast_in_dim3A_679 : vector<256x1xi32> to vector<256x1xi32>
    %broadcast_in_dim3A_681 = vector.broadcast %broadcast_in_dim3A_680 : vector<256x1xi32> to vector<256x32xi32>
    %select_n3A_682 = arith.select %eq3A_678, %broadcast_in_dim3A_681, %select_n3A_659 : vector<256x32xi1>, vector<256x32xi32>
    %broadcast_in_dim3A_683 = vector.shape_cast %reduce_min3A_675 : vector<256xi32> to vector<256x1xi32>
    %eq3A_684 = vector.broadcast %broadcast_in_dim3A_683 : vector<256x1xi32> to vector<256x3200xi32>
    %eq3A_685 = arith.cmpi eq, %iota3A, %eq3A_684 : vector<256x3200xi32>
    %jit3A_686 = arith.constant 0xFF800000 : f32
    %broadcast_in_dim3A_687 = vector.broadcast %jit3A_686 : f32 to vector<256x3200xf32>
    %select_n3A_688 = arith.select %eq3A_685, %broadcast_in_dim3A_687, %select_n3A_665 : vector<256x3200xi1>, vector<256x3200xf32>
    %reduce_max3A_689 = arith.constant dense<0xFF800000> : vector<256xf32>
    %reduce_max3A_690 = vector.multi_reduction <maximumf>, %select_n3A_688, %reduce_max3A_689 [1] : vector<256x3200xf32> to vector<256xf32>
    %broadcast_in_dim3A_691 = vector.shape_cast %reduce_max3A_690 : vector<256xf32> to vector<256x1xf32>
    %eq3A_692 = vector.broadcast %broadcast_in_dim3A_691 : vector<256x1xf32> to vector<256x3200xf32>
    %eq3A_693 = arith.cmpf oeq, %select_n3A_688, %eq3A_692 : vector<256x3200xf32>
    %jit3A_694 = arith.constant 1073741824 : i32
    %broadcast_in_dim3A_695 = vector.broadcast %jit3A_694 : i32 to vector<256x3200xi32>
    %select_n3A_696 = arith.select %eq3A_693, %iota3A, %broadcast_in_dim3A_695 : vector<256x3200xi1>, vector<256x3200xi32>
    %reduce_min3A_697 = arith.constant dense<2147483647> : vector<256xi32>
    %reduce_min3A_698 = vector.multi_reduction <minsi>, %select_n3A_696, %reduce_min3A_697 [1] : vector<256x3200xi32> to vector<256xi32>
    %eq3A_699 = arith.constant 30 : i32
    %eq3A_700 = vector.broadcast %eq3A_699 : i32 to vector<256x32xi32>
    %eq3A_701 = arith.cmpi eq, %iota3A_2, %eq3A_700 : vector<256x32xi32>
    %broadcast_in_dim3A_702 = vector.shape_cast %reduce_min3A_698 : vector<256xi32> to vector<256x1xi32>
    %broadcast_in_dim3A_703 = vector.shape_cast %broadcast_in_dim3A_702 : vector<256x1xi32> to vector<256x1xi32>
    %broadcast_in_dim3A_704 = vector.broadcast %broadcast_in_dim3A_703 : vector<256x1xi32> to vector<256x32xi32>
    %select_n3A_705 = arith.select %eq3A_701, %broadcast_in_dim3A_704, %select_n3A_682 : vector<256x32xi1>, vector<256x32xi32>
    %broadcast_in_dim3A_706 = vector.shape_cast %reduce_min3A_698 : vector<256xi32> to vector<256x1xi32>
    %eq3A_707 = vector.broadcast %broadcast_in_dim3A_706 : vector<256x1xi32> to vector<256x3200xi32>
    %eq3A_708 = arith.cmpi eq, %iota3A, %eq3A_707 : vector<256x3200xi32>
    %jit3A_709 = arith.constant 0xFF800000 : f32
    %broadcast_in_dim3A_710 = vector.broadcast %jit3A_709 : f32 to vector<256x3200xf32>
    %select_n3A_711 = arith.select %eq3A_708, %broadcast_in_dim3A_710, %select_n3A_688 : vector<256x3200xi1>, vector<256x3200xf32>
    %reduce_max3A_712 = arith.constant dense<0xFF800000> : vector<256xf32>
    %reduce_max3A_713 = vector.multi_reduction <maximumf>, %select_n3A_711, %reduce_max3A_712 [1] : vector<256x3200xf32> to vector<256xf32>
    %broadcast_in_dim3A_714 = vector.shape_cast %reduce_max3A_713 : vector<256xf32> to vector<256x1xf32>
    %eq3A_715 = vector.broadcast %broadcast_in_dim3A_714 : vector<256x1xf32> to vector<256x3200xf32>
    %eq3A_716 = arith.cmpf oeq, %select_n3A_711, %eq3A_715 : vector<256x3200xf32>
    %jit3A_717 = arith.constant 1073741824 : i32
    %broadcast_in_dim3A_718 = vector.broadcast %jit3A_717 : i32 to vector<256x3200xi32>
    %select_n3A_719 = arith.select %eq3A_716, %iota3A, %broadcast_in_dim3A_718 : vector<256x3200xi1>, vector<256x3200xi32>
    %reduce_min3A_720 = arith.constant dense<2147483647> : vector<256xi32>
    %reduce_min3A_721 = vector.multi_reduction <minsi>, %select_n3A_719, %reduce_min3A_720 [1] : vector<256x3200xi32> to vector<256xi32>
    %eq3A_722 = arith.constant 31 : i32
    %eq3A_723 = vector.broadcast %eq3A_722 : i32 to vector<256x32xi32>
    %eq3A_724 = arith.cmpi eq, %iota3A_2, %eq3A_723 : vector<256x32xi32>
    %broadcast_in_dim3A_725 = vector.shape_cast %reduce_min3A_721 : vector<256xi32> to vector<256x1xi32>
    %broadcast_in_dim3A_726 = vector.shape_cast %broadcast_in_dim3A_725 : vector<256x1xi32> to vector<256x1xi32>
    %broadcast_in_dim3A_727 = vector.broadcast %broadcast_in_dim3A_726 : vector<256x1xi32> to vector<256x32xi32>
    %select_n3A_728 = arith.select %eq3A_724, %broadcast_in_dim3A_727, %select_n3A_705 : vector<256x32xi1>, vector<256x32xi32>
    %iota3A_729 = tpu.iota {dimensions = array<i32: 0>} : vector<256x32xi32>
    %mul3A = arith.constant 256 : i32
    %mul3A_730 = arith.muli %arg0, %mul3A : i32
    %add3A = vector.broadcast %mul3A_730 : i32 to vector<256x32xi32>
    %add3A_731 = arith.addi %iota3A_729, %add3A : vector<256x32xi32>
    %swap3A = arith.constant 0 : index
    %swap3A_732 = arith.constant 0 : index
    %swap3A_733 = vector.load %arg2[%swap3A, %swap3A_732] : memref<256x32xi32, #tpu.memory_space<vmem>>, vector<256x32xi32>
    tpu.vector_store %arg2[%swap3A, %swap3A_732], %select_n3A_728 {strides = array<i32>} : memref<256x32xi32, #tpu.memory_space<vmem>>, vector<256x32xi32>,
    %mul3A_734 = arith.constant 800 : i32
    %mul3A_735 = vector.broadcast %mul3A_734 : i32 to vector<256x32xi32>
    %mul3A_736 = arith.muli %add3A_731, %mul3A_735 : vector<256x32xi32>
    %shift_right_arithmetic3A = arith.constant 2 : i32
    %shift_right_arithmetic3A_737 = vector.broadcast %shift_right_arithmetic3A : i32 to vector<256x32xi32>
    %shift_right_arithmetic3A_738 = arith.shrsi %select_n3A_728, %shift_right_arithmetic3A_737 : vector<256x32xi32>
    %add3A_739 = arith.addi %mul3A_736, %shift_right_arithmetic3A_738 : vector<256x32xi32>
    %swap3A_740 = arith.constant 0 : index
    %swap3A_741 = arith.constant 0 : index
    %swap3A_742 = vector.load %arg3[%swap3A_740, %swap3A_741] : memref<256x32xi32, #tpu.memory_space<vmem>>, vector<256x32xi32>
    tpu.vector_store %arg3[%swap3A_740, %swap3A_741], %add3A_739 {strides = array<i32>} : memref<256x32xi32, #tpu.memory_space<vmem>>, vector<256x32xi32>,
    return
  }
  func.func @transform_0(%arg0: i32) -> (i32, i32) {
    %c0_i32 = arith.constant 0 : i32
    %c0_i32_0 = arith.constant 0 : i32
    return %c0_i32, %arg0 : i32, i32
  }
  func.func @transform_1(%arg0: i32) -> (i32, i32) {
    %c0_i32 = arith.constant 0 : i32
    %c0_i32_0 = arith.constant 0 : i32
    return %arg0, %c0_i32 : i32, i32
  }
  func.func @transform_2(%arg0: i32) -> (i32, i32) {
    %c0_i32 = arith.constant 0 : i32
    %c0_i32_0 = arith.constant 0 : i32
    return %arg0, %c0_i32 : i32, i32
  }
}

module attributes {stable_mosaic.version = 14 : i64} {
  func.func @_final_body(%arg0: i32, %arg1: memref<256x32x128xf32, #tpu.memory_space<vmem>>, %arg2: memref<256x32xi32, #tpu.memory_space<vmem>>, %arg3: memref<256x32xf32, #tpu.memory_space<vmem>>, %arg4: memref<256x32xi32, #tpu.memory_space<vmem>>) attributes {dimension_semantics = [#tpu.dimension_semantics<arbitrary>], iteration_bounds = array<i64: 16>, scalar_prefetch = 0 : i64, scratch_operands = 0 : i64, tpu.core_type = #tpu.core_type<tc>, window_params = [{transform_indices = @transform_0, window_bounds = array<i64: 256, 32, 128>}, {transform_indices = @transform_1, window_bounds = array<i64: 256, 32>}, {transform_indices = @transform_2, window_bounds = array<i64: 256, 32>}, {transform_indices = @transform_3, window_bounds = array<i64: 256, 32>}]} {
    %get3A = arith.constant 0 : index
    %get3A_0 = arith.constant 0 : index
    %get3A_1 = arith.constant 0 : index
    %get3A_2 = vector.load %arg1[%get3A, %get3A_0, %get3A_1] : memref<256x32x128xf32, #tpu.memory_space<vmem>>, vector<256x32x128xf32>
    %get3A_3 = arith.constant 0 : index
    %get3A_4 = arith.constant 0 : index
    %get3A_5 = vector.load %arg2[%get3A_3, %get3A_4] : memref<256x32xi32, #tpu.memory_space<vmem>>, vector<256x32xi32>
    %and3A = arith.constant 3 : i32
    %and3A_6 = vector.broadcast %and3A : i32 to vector<256x32xi32>
    %and3A_7 = arith.andi %get3A_5, %and3A_6 : vector<256x32xi32>
    %broadcast_in_dim3A = vector.shape_cast %and3A_7 : vector<256x32xi32> to vector<256x32x1xi32>
    %eq3A = arith.constant 0 : i32
    %eq3A_8 = vector.broadcast %eq3A : i32 to vector<256x32x1xi32>
    %eq3A_9 = arith.cmpi eq, %broadcast_in_dim3A, %eq3A_8 : vector<256x32x1xi32>
    %slice3A = vector.extract_strided_slice %get3A_2 {offsets = [0, 0, 0], sizes = [256, 32, 32], strides = [1, 1, 1]} : vector<256x32x128xf32> to vector<256x32x32xf32>
    %eq3A_10 = arith.constant 1 : i32
    %eq3A_11 = vector.broadcast %eq3A_10 : i32 to vector<256x32x1xi32>
    %eq3A_12 = arith.cmpi eq, %broadcast_in_dim3A, %eq3A_11 : vector<256x32x1xi32>
    %slice3A_13 = vector.extract_strided_slice %get3A_2 {offsets = [0, 0, 32], sizes = [256, 32, 32], strides = [1, 1, 1]} : vector<256x32x128xf32> to vector<256x32x32xf32>
    %eq3A_14 = arith.constant 2 : i32
    %eq3A_15 = vector.broadcast %eq3A_14 : i32 to vector<256x32x1xi32>
    %eq3A_16 = arith.cmpi eq, %broadcast_in_dim3A, %eq3A_15 : vector<256x32x1xi32>
    %slice3A_17 = vector.extract_strided_slice %get3A_2 {offsets = [0, 0, 64], sizes = [256, 32, 32], strides = [1, 1, 1]} : vector<256x32x128xf32> to vector<256x32x32xf32>
    %slice3A_18 = vector.extract_strided_slice %get3A_2 {offsets = [0, 0, 96], sizes = [256, 32, 32], strides = [1, 1, 1]} : vector<256x32x128xf32> to vector<256x32x32xf32>
    %broadcast_in_dim3A_19 = vector.shape_cast %eq3A_16 : vector<256x32x1xi1> to vector<256x32x1xi1>
    %broadcast_in_dim3A_20 = vector.broadcast %broadcast_in_dim3A_19 : vector<256x32x1xi1> to vector<256x32x32xi1>
    %select_n3A = arith.select %broadcast_in_dim3A_20, %slice3A_17, %slice3A_18 : vector<256x32x32xi1>, vector<256x32x32xf32>
    %broadcast_in_dim3A_21 = vector.shape_cast %eq3A_12 : vector<256x32x1xi1> to vector<256x32x1xi1>
    %broadcast_in_dim3A_22 = vector.broadcast %broadcast_in_dim3A_21 : vector<256x32x1xi1> to vector<256x32x32xi1>
    %select_n3A_23 = arith.select %broadcast_in_dim3A_22, %slice3A_13, %select_n3A : vector<256x32x32xi1>, vector<256x32x32xf32>
    %broadcast_in_dim3A_24 = vector.shape_cast %eq3A_9 : vector<256x32x1xi1> to vector<256x32x1xi1>
    %broadcast_in_dim3A_25 = vector.broadcast %broadcast_in_dim3A_24 : vector<256x32x1xi1> to vector<256x32x32xi1>
    %select_n3A_26 = arith.select %broadcast_in_dim3A_25, %slice3A, %select_n3A_23 : vector<256x32x32xi1>, vector<256x32x32xf32>
    %reshape3A = vector.shape_cast %select_n3A_26 : vector<256x32x32xf32> to vector<256x1024xf32>
    %iota3A = tpu.iota {dimensions = array<i32: 1>} : vector<256x1024xi32>
    %iota3A_27 = tpu.iota {dimensions = array<i32: 1>} : vector<256x32xi32>
    %broadcast_in_dim3A_28 = arith.constant 0.000000e+00 : f32
    %broadcast_in_dim3A_29 = vector.broadcast %broadcast_in_dim3A_28 : f32 to vector<256x32xf32>
    %broadcast_in_dim3A_30 = arith.constant 0 : i32
    %broadcast_in_dim3A_31 = vector.broadcast %broadcast_in_dim3A_30 : i32 to vector<256x32xi32>
    %reduce_max3A = arith.constant dense<0xFF800000> : vector<256xf32>
    %reduce_max3A_32 = vector.multi_reduction <maximumf>, %reshape3A, %reduce_max3A [1] : vector<256x1024xf32> to vector<256xf32>
    %broadcast_in_dim3A_33 = vector.shape_cast %reduce_max3A_32 : vector<256xf32> to vector<256x1xf32>
    %eq3A_34 = vector.broadcast %broadcast_in_dim3A_33 : vector<256x1xf32> to vector<256x1024xf32>
    %eq3A_35 = arith.cmpf oeq, %reshape3A, %eq3A_34 : vector<256x1024xf32>
    %jit3A = arith.constant 1073741824 : i32
    %broadcast_in_dim3A_36 = vector.broadcast %jit3A : i32 to vector<256x1024xi32>
    %select_n3A_37 = arith.select %eq3A_35, %iota3A, %broadcast_in_dim3A_36 : vector<256x1024xi1>, vector<256x1024xi32>
    %reduce_min3A = arith.constant dense<2147483647> : vector<256xi32>
    %reduce_min3A_38 = vector.multi_reduction <minsi>, %select_n3A_37, %reduce_min3A [1] : vector<256x1024xi32> to vector<256xi32>
    %broadcast_in_dim3A_39 = vector.shape_cast %reduce_min3A_38 : vector<256xi32> to vector<256x1xi32>
    %shift_right_arithmetic3A = arith.constant 5 : i32
    %shift_right_arithmetic3A_40 = vector.broadcast %shift_right_arithmetic3A : i32 to vector<256x1xi32>
    %shift_right_arithmetic3A_41 = arith.shrsi %broadcast_in_dim3A_39, %shift_right_arithmetic3A_40 : vector<256x1xi32>
    %eq3A_42 = vector.broadcast %shift_right_arithmetic3A_41 : vector<256x1xi32> to vector<256x32xi32>
    %eq3A_43 = arith.cmpi eq, %iota3A_27, %eq3A_42 : vector<256x32xi32>
    %jit3A_44 = arith.constant -1 : i32
    %broadcast_in_dim3A_45 = vector.broadcast %jit3A_44 : i32 to vector<256x32xi32>
    %select_n3A_46 = arith.select %eq3A_43, %get3A_5, %broadcast_in_dim3A_45 : vector<256x32xi1>, vector<256x32xi32>
    %reduce_max3A_47 = arith.constant dense<-2147483648> : vector<256xi32>
    %reduce_max3A_48 = vector.multi_reduction <maxsi>, %select_n3A_46, %reduce_max3A_47 [1] : vector<256x32xi32> to vector<256xi32>
    %broadcast_in_dim3A_49 = vector.shape_cast %reduce_max3A_48 : vector<256xi32> to vector<256x1xi32>
    %eq3A_50 = arith.constant 0 : i32
    %eq3A_51 = vector.broadcast %eq3A_50 : i32 to vector<256x32xi32>
    %eq3A_52 = arith.cmpi eq, %iota3A_27, %eq3A_51 : vector<256x32xi32>
    %broadcast_in_dim3A_53 = vector.shape_cast %broadcast_in_dim3A_33 : vector<256x1xf32> to vector<256x1xf32>
    %broadcast_in_dim3A_54 = vector.broadcast %broadcast_in_dim3A_53 : vector<256x1xf32> to vector<256x32xf32>
    %select_n3A_55 = arith.select %eq3A_52, %broadcast_in_dim3A_54, %broadcast_in_dim3A_29 : vector<256x32xi1>, vector<256x32xf32>
    %eq3A_56 = arith.constant 0 : i32
    %eq3A_57 = vector.broadcast %eq3A_56 : i32 to vector<256x32xi32>
    %eq3A_58 = arith.cmpi eq, %iota3A_27, %eq3A_57 : vector<256x32xi32>
    %mul3A = arith.constant 32 : i32
    %mul3A_59 = vector.broadcast %mul3A : i32 to vector<256x1xi32>
    %mul3A_60 = arith.muli %broadcast_in_dim3A_49, %mul3A_59 : vector<256x1xi32>
    %and3A_61 = arith.constant 31 : i32
    %and3A_62 = vector.broadcast %and3A_61 : i32 to vector<256x1xi32>
    %and3A_63 = arith.andi %broadcast_in_dim3A_39, %and3A_62 : vector<256x1xi32>
    %add3A = arith.addi %mul3A_60, %and3A_63 : vector<256x1xi32>
    %broadcast_in_dim3A_64 = vector.shape_cast %add3A : vector<256x1xi32> to vector<256x1xi32>
    %broadcast_in_dim3A_65 = vector.broadcast %broadcast_in_dim3A_64 : vector<256x1xi32> to vector<256x32xi32>
    %select_n3A_66 = arith.select %eq3A_58, %broadcast_in_dim3A_65, %broadcast_in_dim3A_31 : vector<256x32xi1>, vector<256x32xi32>
    %eq3A_67 = vector.broadcast %broadcast_in_dim3A_39 : vector<256x1xi32> to vector<256x1024xi32>
    %eq3A_68 = arith.cmpi eq, %iota3A, %eq3A_67 : vector<256x1024xi32>
    %jit3A_69 = arith.constant 0xFF800000 : f32
    %broadcast_in_dim3A_70 = vector.broadcast %jit3A_69 : f32 to vector<256x1024xf32>
    %select_n3A_71 = arith.select %eq3A_68, %broadcast_in_dim3A_70, %reshape3A : vector<256x1024xi1>, vector<256x1024xf32>
    %reduce_max3A_72 = arith.constant dense<0xFF800000> : vector<256xf32>
    %reduce_max3A_73 = vector.multi_reduction <maximumf>, %select_n3A_71, %reduce_max3A_72 [1] : vector<256x1024xf32> to vector<256xf32>
    %broadcast_in_dim3A_74 = vector.shape_cast %reduce_max3A_73 : vector<256xf32> to vector<256x1xf32>
    %eq3A_75 = vector.broadcast %broadcast_in_dim3A_74 : vector<256x1xf32> to vector<256x1024xf32>
    %eq3A_76 = arith.cmpf oeq, %select_n3A_71, %eq3A_75 : vector<256x1024xf32>
    %jit3A_77 = arith.constant 1073741824 : i32
    %broadcast_in_dim3A_78 = vector.broadcast %jit3A_77 : i32 to vector<256x1024xi32>
    %select_n3A_79 = arith.select %eq3A_76, %iota3A, %broadcast_in_dim3A_78 : vector<256x1024xi1>, vector<256x1024xi32>
    %reduce_min3A_80 = arith.constant dense<2147483647> : vector<256xi32>
    %reduce_min3A_81 = vector.multi_reduction <minsi>, %select_n3A_79, %reduce_min3A_80 [1] : vector<256x1024xi32> to vector<256xi32>
    %broadcast_in_dim3A_82 = vector.shape_cast %reduce_min3A_81 : vector<256xi32> to vector<256x1xi32>
    %shift_right_arithmetic3A_83 = arith.constant 5 : i32
    %shift_right_arithmetic3A_84 = vector.broadcast %shift_right_arithmetic3A_83 : i32 to vector<256x1xi32>
    %shift_right_arithmetic3A_85 = arith.shrsi %broadcast_in_dim3A_82, %shift_right_arithmetic3A_84 : vector<256x1xi32>
    %eq3A_86 = vector.broadcast %shift_right_arithmetic3A_85 : vector<256x1xi32> to vector<256x32xi32>
    %eq3A_87 = arith.cmpi eq, %iota3A_27, %eq3A_86 : vector<256x32xi32>
    %jit3A_88 = arith.constant -1 : i32
    %broadcast_in_dim3A_89 = vector.broadcast %jit3A_88 : i32 to vector<256x32xi32>
    %select_n3A_90 = arith.select %eq3A_87, %get3A_5, %broadcast_in_dim3A_89 : vector<256x32xi1>, vector<256x32xi32>
    %reduce_max3A_91 = arith.constant dense<-2147483648> : vector<256xi32>
    %reduce_max3A_92 = vector.multi_reduction <maxsi>, %select_n3A_90, %reduce_max3A_91 [1] : vector<256x32xi32> to vector<256xi32>
    %broadcast_in_dim3A_93 = vector.shape_cast %reduce_max3A_92 : vector<256xi32> to vector<256x1xi32>
    %eq3A_94 = arith.constant 1 : i32
    %eq3A_95 = vector.broadcast %eq3A_94 : i32 to vector<256x32xi32>
    %eq3A_96 = arith.cmpi eq, %iota3A_27, %eq3A_95 : vector<256x32xi32>
    %broadcast_in_dim3A_97 = vector.shape_cast %broadcast_in_dim3A_74 : vector<256x1xf32> to vector<256x1xf32>
    %broadcast_in_dim3A_98 = vector.broadcast %broadcast_in_dim3A_97 : vector<256x1xf32> to vector<256x32xf32>
    %select_n3A_99 = arith.select %eq3A_96, %broadcast_in_dim3A_98, %select_n3A_55 : vector<256x32xi1>, vector<256x32xf32>
    %eq3A_100 = arith.constant 1 : i32
    %eq3A_101 = vector.broadcast %eq3A_100 : i32 to vector<256x32xi32>
    %eq3A_102 = arith.cmpi eq, %iota3A_27, %eq3A_101 : vector<256x32xi32>
    %mul3A_103 = arith.constant 32 : i32
    %mul3A_104 = vector.broadcast %mul3A_103 : i32 to vector<256x1xi32>
    %mul3A_105 = arith.muli %broadcast_in_dim3A_93, %mul3A_104 : vector<256x1xi32>
    %and3A_106 = arith.constant 31 : i32
    %and3A_107 = vector.broadcast %and3A_106 : i32 to vector<256x1xi32>
    %and3A_108 = arith.andi %broadcast_in_dim3A_82, %and3A_107 : vector<256x1xi32>
    %add3A_109 = arith.addi %mul3A_105, %and3A_108 : vector<256x1xi32>
    %broadcast_in_dim3A_110 = vector.shape_cast %add3A_109 : vector<256x1xi32> to vector<256x1xi32>
    %broadcast_in_dim3A_111 = vector.broadcast %broadcast_in_dim3A_110 : vector<256x1xi32> to vector<256x32xi32>
    %select_n3A_112 = arith.select %eq3A_102, %broadcast_in_dim3A_111, %select_n3A_66 : vector<256x32xi1>, vector<256x32xi32>
    %eq3A_113 = vector.broadcast %broadcast_in_dim3A_82 : vector<256x1xi32> to vector<256x1024xi32>
    %eq3A_114 = arith.cmpi eq, %iota3A, %eq3A_113 : vector<256x1024xi32>
    %jit3A_115 = arith.constant 0xFF800000 : f32
    %broadcast_in_dim3A_116 = vector.broadcast %jit3A_115 : f32 to vector<256x1024xf32>
    %select_n3A_117 = arith.select %eq3A_114, %broadcast_in_dim3A_116, %select_n3A_71 : vector<256x1024xi1>, vector<256x1024xf32>
    %reduce_max3A_118 = arith.constant dense<0xFF800000> : vector<256xf32>
    %reduce_max3A_119 = vector.multi_reduction <maximumf>, %select_n3A_117, %reduce_max3A_118 [1] : vector<256x1024xf32> to vector<256xf32>
    %broadcast_in_dim3A_120 = vector.shape_cast %reduce_max3A_119 : vector<256xf32> to vector<256x1xf32>
    %eq3A_121 = vector.broadcast %broadcast_in_dim3A_120 : vector<256x1xf32> to vector<256x1024xf32>
    %eq3A_122 = arith.cmpf oeq, %select_n3A_117, %eq3A_121 : vector<256x1024xf32>
    %jit3A_123 = arith.constant 1073741824 : i32
    %broadcast_in_dim3A_124 = vector.broadcast %jit3A_123 : i32 to vector<256x1024xi32>
    %select_n3A_125 = arith.select %eq3A_122, %iota3A, %broadcast_in_dim3A_124 : vector<256x1024xi1>, vector<256x1024xi32>
    %reduce_min3A_126 = arith.constant dense<2147483647> : vector<256xi32>
    %reduce_min3A_127 = vector.multi_reduction <minsi>, %select_n3A_125, %reduce_min3A_126 [1] : vector<256x1024xi32> to vector<256xi32>
    %broadcast_in_dim3A_128 = vector.shape_cast %reduce_min3A_127 : vector<256xi32> to vector<256x1xi32>
    %shift_right_arithmetic3A_129 = arith.constant 5 : i32
    %shift_right_arithmetic3A_130 = vector.broadcast %shift_right_arithmetic3A_129 : i32 to vector<256x1xi32>
    %shift_right_arithmetic3A_131 = arith.shrsi %broadcast_in_dim3A_128, %shift_right_arithmetic3A_130 : vector<256x1xi32>
    %eq3A_132 = vector.broadcast %shift_right_arithmetic3A_131 : vector<256x1xi32> to vector<256x32xi32>
    %eq3A_133 = arith.cmpi eq, %iota3A_27, %eq3A_132 : vector<256x32xi32>
    %jit3A_134 = arith.constant -1 : i32
    %broadcast_in_dim3A_135 = vector.broadcast %jit3A_134 : i32 to vector<256x32xi32>
    %select_n3A_136 = arith.select %eq3A_133, %get3A_5, %broadcast_in_dim3A_135 : vector<256x32xi1>, vector<256x32xi32>
    %reduce_max3A_137 = arith.constant dense<-2147483648> : vector<256xi32>
    %reduce_max3A_138 = vector.multi_reduction <maxsi>, %select_n3A_136, %reduce_max3A_137 [1] : vector<256x32xi32> to vector<256xi32>
    %broadcast_in_dim3A_139 = vector.shape_cast %reduce_max3A_138 : vector<256xi32> to vector<256x1xi32>
    %eq3A_140 = arith.constant 2 : i32
    %eq3A_141 = vector.broadcast %eq3A_140 : i32 to vector<256x32xi32>
    %eq3A_142 = arith.cmpi eq, %iota3A_27, %eq3A_141 : vector<256x32xi32>
    %broadcast_in_dim3A_143 = vector.shape_cast %broadcast_in_dim3A_120 : vector<256x1xf32> to vector<256x1xf32>
    %broadcast_in_dim3A_144 = vector.broadcast %broadcast_in_dim3A_143 : vector<256x1xf32> to vector<256x32xf32>
    %select_n3A_145 = arith.select %eq3A_142, %broadcast_in_dim3A_144, %select_n3A_99 : vector<256x32xi1>, vector<256x32xf32>
    %eq3A_146 = arith.constant 2 : i32
    %eq3A_147 = vector.broadcast %eq3A_146 : i32 to vector<256x32xi32>
    %eq3A_148 = arith.cmpi eq, %iota3A_27, %eq3A_147 : vector<256x32xi32>
    %mul3A_149 = arith.constant 32 : i32
    %mul3A_150 = vector.broadcast %mul3A_149 : i32 to vector<256x1xi32>
    %mul3A_151 = arith.muli %broadcast_in_dim3A_139, %mul3A_150 : vector<256x1xi32>
    %and3A_152 = arith.constant 31 : i32
    %and3A_153 = vector.broadcast %and3A_152 : i32 to vector<256x1xi32>
    %and3A_154 = arith.andi %broadcast_in_dim3A_128, %and3A_153 : vector<256x1xi32>
    %add3A_155 = arith.addi %mul3A_151, %and3A_154 : vector<256x1xi32>
    %broadcast_in_dim3A_156 = vector.shape_cast %add3A_155 : vector<256x1xi32> to vector<256x1xi32>
    %broadcast_in_dim3A_157 = vector.broadcast %broadcast_in_dim3A_156 : vector<256x1xi32> to vector<256x32xi32>
    %select_n3A_158 = arith.select %eq3A_148, %broadcast_in_dim3A_157, %select_n3A_112 : vector<256x32xi1>, vector<256x32xi32>
    %eq3A_159 = vector.broadcast %broadcast_in_dim3A_128 : vector<256x1xi32> to vector<256x1024xi32>
    %eq3A_160 = arith.cmpi eq, %iota3A, %eq3A_159 : vector<256x1024xi32>
    %jit3A_161 = arith.constant 0xFF800000 : f32
    %broadcast_in_dim3A_162 = vector.broadcast %jit3A_161 : f32 to vector<256x1024xf32>
    %select_n3A_163 = arith.select %eq3A_160, %broadcast_in_dim3A_162, %select_n3A_117 : vector<256x1024xi1>, vector<256x1024xf32>
    %reduce_max3A_164 = arith.constant dense<0xFF800000> : vector<256xf32>
    %reduce_max3A_165 = vector.multi_reduction <maximumf>, %select_n3A_163, %reduce_max3A_164 [1] : vector<256x1024xf32> to vector<256xf32>
    %broadcast_in_dim3A_166 = vector.shape_cast %reduce_max3A_165 : vector<256xf32> to vector<256x1xf32>
    %eq3A_167 = vector.broadcast %broadcast_in_dim3A_166 : vector<256x1xf32> to vector<256x1024xf32>
    %eq3A_168 = arith.cmpf oeq, %select_n3A_163, %eq3A_167 : vector<256x1024xf32>
    %jit3A_169 = arith.constant 1073741824 : i32
    %broadcast_in_dim3A_170 = vector.broadcast %jit3A_169 : i32 to vector<256x1024xi32>
    %select_n3A_171 = arith.select %eq3A_168, %iota3A, %broadcast_in_dim3A_170 : vector<256x1024xi1>, vector<256x1024xi32>
    %reduce_min3A_172 = arith.constant dense<2147483647> : vector<256xi32>
    %reduce_min3A_173 = vector.multi_reduction <minsi>, %select_n3A_171, %reduce_min3A_172 [1] : vector<256x1024xi32> to vector<256xi32>
    %broadcast_in_dim3A_174 = vector.shape_cast %reduce_min3A_173 : vector<256xi32> to vector<256x1xi32>
    %shift_right_arithmetic3A_175 = arith.constant 5 : i32
    %shift_right_arithmetic3A_176 = vector.broadcast %shift_right_arithmetic3A_175 : i32 to vector<256x1xi32>
    %shift_right_arithmetic3A_177 = arith.shrsi %broadcast_in_dim3A_174, %shift_right_arithmetic3A_176 : vector<256x1xi32>
    %eq3A_178 = vector.broadcast %shift_right_arithmetic3A_177 : vector<256x1xi32> to vector<256x32xi32>
    %eq3A_179 = arith.cmpi eq, %iota3A_27, %eq3A_178 : vector<256x32xi32>
    %jit3A_180 = arith.constant -1 : i32
    %broadcast_in_dim3A_181 = vector.broadcast %jit3A_180 : i32 to vector<256x32xi32>
    %select_n3A_182 = arith.select %eq3A_179, %get3A_5, %broadcast_in_dim3A_181 : vector<256x32xi1>, vector<256x32xi32>
    %reduce_max3A_183 = arith.constant dense<-2147483648> : vector<256xi32>
    %reduce_max3A_184 = vector.multi_reduction <maxsi>, %select_n3A_182, %reduce_max3A_183 [1] : vector<256x32xi32> to vector<256xi32>
    %broadcast_in_dim3A_185 = vector.shape_cast %reduce_max3A_184 : vector<256xi32> to vector<256x1xi32>
    %eq3A_186 = arith.constant 3 : i32
    %eq3A_187 = vector.broadcast %eq3A_186 : i32 to vector<256x32xi32>
    %eq3A_188 = arith.cmpi eq, %iota3A_27, %eq3A_187 : vector<256x32xi32>
    %broadcast_in_dim3A_189 = vector.shape_cast %broadcast_in_dim3A_166 : vector<256x1xf32> to vector<256x1xf32>
    %broadcast_in_dim3A_190 = vector.broadcast %broadcast_in_dim3A_189 : vector<256x1xf32> to vector<256x32xf32>
    %select_n3A_191 = arith.select %eq3A_188, %broadcast_in_dim3A_190, %select_n3A_145 : vector<256x32xi1>, vector<256x32xf32>
    %eq3A_192 = arith.constant 3 : i32
    %eq3A_193 = vector.broadcast %eq3A_192 : i32 to vector<256x32xi32>
    %eq3A_194 = arith.cmpi eq, %iota3A_27, %eq3A_193 : vector<256x32xi32>
    %mul3A_195 = arith.constant 32 : i32
    %mul3A_196 = vector.broadcast %mul3A_195 : i32 to vector<256x1xi32>
    %mul3A_197 = arith.muli %broadcast_in_dim3A_185, %mul3A_196 : vector<256x1xi32>
    %and3A_198 = arith.constant 31 : i32
    %and3A_199 = vector.broadcast %and3A_198 : i32 to vector<256x1xi32>
    %and3A_200 = arith.andi %broadcast_in_dim3A_174, %and3A_199 : vector<256x1xi32>
    %add3A_201 = arith.addi %mul3A_197, %and3A_200 : vector<256x1xi32>
    %broadcast_in_dim3A_202 = vector.shape_cast %add3A_201 : vector<256x1xi32> to vector<256x1xi32>
    %broadcast_in_dim3A_203 = vector.broadcast %broadcast_in_dim3A_202 : vector<256x1xi32> to vector<256x32xi32>
    %select_n3A_204 = arith.select %eq3A_194, %broadcast_in_dim3A_203, %select_n3A_158 : vector<256x32xi1>, vector<256x32xi32>
    %eq3A_205 = vector.broadcast %broadcast_in_dim3A_174 : vector<256x1xi32> to vector<256x1024xi32>
    %eq3A_206 = arith.cmpi eq, %iota3A, %eq3A_205 : vector<256x1024xi32>
    %jit3A_207 = arith.constant 0xFF800000 : f32
    %broadcast_in_dim3A_208 = vector.broadcast %jit3A_207 : f32 to vector<256x1024xf32>
    %select_n3A_209 = arith.select %eq3A_206, %broadcast_in_dim3A_208, %select_n3A_163 : vector<256x1024xi1>, vector<256x1024xf32>
    %reduce_max3A_210 = arith.constant dense<0xFF800000> : vector<256xf32>
    %reduce_max3A_211 = vector.multi_reduction <maximumf>, %select_n3A_209, %reduce_max3A_210 [1] : vector<256x1024xf32> to vector<256xf32>
    %broadcast_in_dim3A_212 = vector.shape_cast %reduce_max3A_211 : vector<256xf32> to vector<256x1xf32>
    %eq3A_213 = vector.broadcast %broadcast_in_dim3A_212 : vector<256x1xf32> to vector<256x1024xf32>
    %eq3A_214 = arith.cmpf oeq, %select_n3A_209, %eq3A_213 : vector<256x1024xf32>
    %jit3A_215 = arith.constant 1073741824 : i32
    %broadcast_in_dim3A_216 = vector.broadcast %jit3A_215 : i32 to vector<256x1024xi32>
    %select_n3A_217 = arith.select %eq3A_214, %iota3A, %broadcast_in_dim3A_216 : vector<256x1024xi1>, vector<256x1024xi32>
    %reduce_min3A_218 = arith.constant dense<2147483647> : vector<256xi32>
    %reduce_min3A_219 = vector.multi_reduction <minsi>, %select_n3A_217, %reduce_min3A_218 [1] : vector<256x1024xi32> to vector<256xi32>
    %broadcast_in_dim3A_220 = vector.shape_cast %reduce_min3A_219 : vector<256xi32> to vector<256x1xi32>
    %shift_right_arithmetic3A_221 = arith.constant 5 : i32
    %shift_right_arithmetic3A_222 = vector.broadcast %shift_right_arithmetic3A_221 : i32 to vector<256x1xi32>
    %shift_right_arithmetic3A_223 = arith.shrsi %broadcast_in_dim3A_220, %shift_right_arithmetic3A_222 : vector<256x1xi32>
    %eq3A_224 = vector.broadcast %shift_right_arithmetic3A_223 : vector<256x1xi32> to vector<256x32xi32>
    %eq3A_225 = arith.cmpi eq, %iota3A_27, %eq3A_224 : vector<256x32xi32>
    %jit3A_226 = arith.constant -1 : i32
    %broadcast_in_dim3A_227 = vector.broadcast %jit3A_226 : i32 to vector<256x32xi32>
    %select_n3A_228 = arith.select %eq3A_225, %get3A_5, %broadcast_in_dim3A_227 : vector<256x32xi1>, vector<256x32xi32>
    %reduce_max3A_229 = arith.constant dense<-2147483648> : vector<256xi32>
    %reduce_max3A_230 = vector.multi_reduction <maxsi>, %select_n3A_228, %reduce_max3A_229 [1] : vector<256x32xi32> to vector<256xi32>
    %broadcast_in_dim3A_231 = vector.shape_cast %reduce_max3A_230 : vector<256xi32> to vector<256x1xi32>
    %eq3A_232 = arith.constant 4 : i32
    %eq3A_233 = vector.broadcast %eq3A_232 : i32 to vector<256x32xi32>
    %eq3A_234 = arith.cmpi eq, %iota3A_27, %eq3A_233 : vector<256x32xi32>
    %broadcast_in_dim3A_235 = vector.shape_cast %broadcast_in_dim3A_212 : vector<256x1xf32> to vector<256x1xf32>
    %broadcast_in_dim3A_236 = vector.broadcast %broadcast_in_dim3A_235 : vector<256x1xf32> to vector<256x32xf32>
    %select_n3A_237 = arith.select %eq3A_234, %broadcast_in_dim3A_236, %select_n3A_191 : vector<256x32xi1>, vector<256x32xf32>
    %eq3A_238 = arith.constant 4 : i32
    %eq3A_239 = vector.broadcast %eq3A_238 : i32 to vector<256x32xi32>
    %eq3A_240 = arith.cmpi eq, %iota3A_27, %eq3A_239 : vector<256x32xi32>
    %mul3A_241 = arith.constant 32 : i32
    %mul3A_242 = vector.broadcast %mul3A_241 : i32 to vector<256x1xi32>
    %mul3A_243 = arith.muli %broadcast_in_dim3A_231, %mul3A_242 : vector<256x1xi32>
    %and3A_244 = arith.constant 31 : i32
    %and3A_245 = vector.broadcast %and3A_244 : i32 to vector<256x1xi32>
    %and3A_246 = arith.andi %broadcast_in_dim3A_220, %and3A_245 : vector<256x1xi32>
    %add3A_247 = arith.addi %mul3A_243, %and3A_246 : vector<256x1xi32>
    %broadcast_in_dim3A_248 = vector.shape_cast %add3A_247 : vector<256x1xi32> to vector<256x1xi32>
    %broadcast_in_dim3A_249 = vector.broadcast %broadcast_in_dim3A_248 : vector<256x1xi32> to vector<256x32xi32>
    %select_n3A_250 = arith.select %eq3A_240, %broadcast_in_dim3A_249, %select_n3A_204 : vector<256x32xi1>, vector<256x32xi32>
    %eq3A_251 = vector.broadcast %broadcast_in_dim3A_220 : vector<256x1xi32> to vector<256x1024xi32>
    %eq3A_252 = arith.cmpi eq, %iota3A, %eq3A_251 : vector<256x1024xi32>
    %jit3A_253 = arith.constant 0xFF800000 : f32
    %broadcast_in_dim3A_254 = vector.broadcast %jit3A_253 : f32 to vector<256x1024xf32>
    %select_n3A_255 = arith.select %eq3A_252, %broadcast_in_dim3A_254, %select_n3A_209 : vector<256x1024xi1>, vector<256x1024xf32>
    %reduce_max3A_256 = arith.constant dense<0xFF800000> : vector<256xf32>
    %reduce_max3A_257 = vector.multi_reduction <maximumf>, %select_n3A_255, %reduce_max3A_256 [1] : vector<256x1024xf32> to vector<256xf32>
    %broadcast_in_dim3A_258 = vector.shape_cast %reduce_max3A_257 : vector<256xf32> to vector<256x1xf32>
    %eq3A_259 = vector.broadcast %broadcast_in_dim3A_258 : vector<256x1xf32> to vector<256x1024xf32>
    %eq3A_260 = arith.cmpf oeq, %select_n3A_255, %eq3A_259 : vector<256x1024xf32>
    %jit3A_261 = arith.constant 1073741824 : i32
    %broadcast_in_dim3A_262 = vector.broadcast %jit3A_261 : i32 to vector<256x1024xi32>
    %select_n3A_263 = arith.select %eq3A_260, %iota3A, %broadcast_in_dim3A_262 : vector<256x1024xi1>, vector<256x1024xi32>
    %reduce_min3A_264 = arith.constant dense<2147483647> : vector<256xi32>
    %reduce_min3A_265 = vector.multi_reduction <minsi>, %select_n3A_263, %reduce_min3A_264 [1] : vector<256x1024xi32> to vector<256xi32>
    %broadcast_in_dim3A_266 = vector.shape_cast %reduce_min3A_265 : vector<256xi32> to vector<256x1xi32>
    %shift_right_arithmetic3A_267 = arith.constant 5 : i32
    %shift_right_arithmetic3A_268 = vector.broadcast %shift_right_arithmetic3A_267 : i32 to vector<256x1xi32>
    %shift_right_arithmetic3A_269 = arith.shrsi %broadcast_in_dim3A_266, %shift_right_arithmetic3A_268 : vector<256x1xi32>
    %eq3A_270 = vector.broadcast %shift_right_arithmetic3A_269 : vector<256x1xi32> to vector<256x32xi32>
    %eq3A_271 = arith.cmpi eq, %iota3A_27, %eq3A_270 : vector<256x32xi32>
    %jit3A_272 = arith.constant -1 : i32
    %broadcast_in_dim3A_273 = vector.broadcast %jit3A_272 : i32 to vector<256x32xi32>
    %select_n3A_274 = arith.select %eq3A_271, %get3A_5, %broadcast_in_dim3A_273 : vector<256x32xi1>, vector<256x32xi32>
    %reduce_max3A_275 = arith.constant dense<-2147483648> : vector<256xi32>
    %reduce_max3A_276 = vector.multi_reduction <maxsi>, %select_n3A_274, %reduce_max3A_275 [1] : vector<256x32xi32> to vector<256xi32>
    %broadcast_in_dim3A_277 = vector.shape_cast %reduce_max3A_276 : vector<256xi32> to vector<256x1xi32>
    %eq3A_278 = arith.constant 5 : i32
    %eq3A_279 = vector.broadcast %eq3A_278 : i32 to vector<256x32xi32>
    %eq3A_280 = arith.cmpi eq, %iota3A_27, %eq3A_279 : vector<256x32xi32>
    %broadcast_in_dim3A_281 = vector.shape_cast %broadcast_in_dim3A_258 : vector<256x1xf32> to vector<256x1xf32>
    %broadcast_in_dim3A_282 = vector.broadcast %broadcast_in_dim3A_281 : vector<256x1xf32> to vector<256x32xf32>
    %select_n3A_283 = arith.select %eq3A_280, %broadcast_in_dim3A_282, %select_n3A_237 : vector<256x32xi1>, vector<256x32xf32>
    %eq3A_284 = arith.constant 5 : i32
    %eq3A_285 = vector.broadcast %eq3A_284 : i32 to vector<256x32xi32>
    %eq3A_286 = arith.cmpi eq, %iota3A_27, %eq3A_285 : vector<256x32xi32>
    %mul3A_287 = arith.constant 32 : i32
    %mul3A_288 = vector.broadcast %mul3A_287 : i32 to vector<256x1xi32>
    %mul3A_289 = arith.muli %broadcast_in_dim3A_277, %mul3A_288 : vector<256x1xi32>
    %and3A_290 = arith.constant 31 : i32
    %and3A_291 = vector.broadcast %and3A_290 : i32 to vector<256x1xi32>
    %and3A_292 = arith.andi %broadcast_in_dim3A_266, %and3A_291 : vector<256x1xi32>
    %add3A_293 = arith.addi %mul3A_289, %and3A_292 : vector<256x1xi32>
    %broadcast_in_dim3A_294 = vector.shape_cast %add3A_293 : vector<256x1xi32> to vector<256x1xi32>
    %broadcast_in_dim3A_295 = vector.broadcast %broadcast_in_dim3A_294 : vector<256x1xi32> to vector<256x32xi32>
    %select_n3A_296 = arith.select %eq3A_286, %broadcast_in_dim3A_295, %select_n3A_250 : vector<256x32xi1>, vector<256x32xi32>
    %eq3A_297 = vector.broadcast %broadcast_in_dim3A_266 : vector<256x1xi32> to vector<256x1024xi32>
    %eq3A_298 = arith.cmpi eq, %iota3A, %eq3A_297 : vector<256x1024xi32>
    %jit3A_299 = arith.constant 0xFF800000 : f32
    %broadcast_in_dim3A_300 = vector.broadcast %jit3A_299 : f32 to vector<256x1024xf32>
    %select_n3A_301 = arith.select %eq3A_298, %broadcast_in_dim3A_300, %select_n3A_255 : vector<256x1024xi1>, vector<256x1024xf32>
    %reduce_max3A_302 = arith.constant dense<0xFF800000> : vector<256xf32>
    %reduce_max3A_303 = vector.multi_reduction <maximumf>, %select_n3A_301, %reduce_max3A_302 [1] : vector<256x1024xf32> to vector<256xf32>
    %broadcast_in_dim3A_304 = vector.shape_cast %reduce_max3A_303 : vector<256xf32> to vector<256x1xf32>
    %eq3A_305 = vector.broadcast %broadcast_in_dim3A_304 : vector<256x1xf32> to vector<256x1024xf32>
    %eq3A_306 = arith.cmpf oeq, %select_n3A_301, %eq3A_305 : vector<256x1024xf32>
    %jit3A_307 = arith.constant 1073741824 : i32
    %broadcast_in_dim3A_308 = vector.broadcast %jit3A_307 : i32 to vector<256x1024xi32>
    %select_n3A_309 = arith.select %eq3A_306, %iota3A, %broadcast_in_dim3A_308 : vector<256x1024xi1>, vector<256x1024xi32>
    %reduce_min3A_310 = arith.constant dense<2147483647> : vector<256xi32>
    %reduce_min3A_311 = vector.multi_reduction <minsi>, %select_n3A_309, %reduce_min3A_310 [1] : vector<256x1024xi32> to vector<256xi32>
    %broadcast_in_dim3A_312 = vector.shape_cast %reduce_min3A_311 : vector<256xi32> to vector<256x1xi32>
    %shift_right_arithmetic3A_313 = arith.constant 5 : i32
    %shift_right_arithmetic3A_314 = vector.broadcast %shift_right_arithmetic3A_313 : i32 to vector<256x1xi32>
    %shift_right_arithmetic3A_315 = arith.shrsi %broadcast_in_dim3A_312, %shift_right_arithmetic3A_314 : vector<256x1xi32>
    %eq3A_316 = vector.broadcast %shift_right_arithmetic3A_315 : vector<256x1xi32> to vector<256x32xi32>
    %eq3A_317 = arith.cmpi eq, %iota3A_27, %eq3A_316 : vector<256x32xi32>
    %jit3A_318 = arith.constant -1 : i32
    %broadcast_in_dim3A_319 = vector.broadcast %jit3A_318 : i32 to vector<256x32xi32>
    %select_n3A_320 = arith.select %eq3A_317, %get3A_5, %broadcast_in_dim3A_319 : vector<256x32xi1>, vector<256x32xi32>
    %reduce_max3A_321 = arith.constant dense<-2147483648> : vector<256xi32>
    %reduce_max3A_322 = vector.multi_reduction <maxsi>, %select_n3A_320, %reduce_max3A_321 [1] : vector<256x32xi32> to vector<256xi32>
    %broadcast_in_dim3A_323 = vector.shape_cast %reduce_max3A_322 : vector<256xi32> to vector<256x1xi32>
    %eq3A_324 = arith.constant 6 : i32
    %eq3A_325 = vector.broadcast %eq3A_324 : i32 to vector<256x32xi32>
    %eq3A_326 = arith.cmpi eq, %iota3A_27, %eq3A_325 : vector<256x32xi32>
    %broadcast_in_dim3A_327 = vector.shape_cast %broadcast_in_dim3A_304 : vector<256x1xf32> to vector<256x1xf32>
    %broadcast_in_dim3A_328 = vector.broadcast %broadcast_in_dim3A_327 : vector<256x1xf32> to vector<256x32xf32>
    %select_n3A_329 = arith.select %eq3A_326, %broadcast_in_dim3A_328, %select_n3A_283 : vector<256x32xi1>, vector<256x32xf32>
    %eq3A_330 = arith.constant 6 : i32
    %eq3A_331 = vector.broadcast %eq3A_330 : i32 to vector<256x32xi32>
    %eq3A_332 = arith.cmpi eq, %iota3A_27, %eq3A_331 : vector<256x32xi32>
    %mul3A_333 = arith.constant 32 : i32
    %mul3A_334 = vector.broadcast %mul3A_333 : i32 to vector<256x1xi32>
    %mul3A_335 = arith.muli %broadcast_in_dim3A_323, %mul3A_334 : vector<256x1xi32>
    %and3A_336 = arith.constant 31 : i32
    %and3A_337 = vector.broadcast %and3A_336 : i32 to vector<256x1xi32>
    %and3A_338 = arith.andi %broadcast_in_dim3A_312, %and3A_337 : vector<256x1xi32>
    %add3A_339 = arith.addi %mul3A_335, %and3A_338 : vector<256x1xi32>
    %broadcast_in_dim3A_340 = vector.shape_cast %add3A_339 : vector<256x1xi32> to vector<256x1xi32>
    %broadcast_in_dim3A_341 = vector.broadcast %broadcast_in_dim3A_340 : vector<256x1xi32> to vector<256x32xi32>
    %select_n3A_342 = arith.select %eq3A_332, %broadcast_in_dim3A_341, %select_n3A_296 : vector<256x32xi1>, vector<256x32xi32>
    %eq3A_343 = vector.broadcast %broadcast_in_dim3A_312 : vector<256x1xi32> to vector<256x1024xi32>
    %eq3A_344 = arith.cmpi eq, %iota3A, %eq3A_343 : vector<256x1024xi32>
    %jit3A_345 = arith.constant 0xFF800000 : f32
    %broadcast_in_dim3A_346 = vector.broadcast %jit3A_345 : f32 to vector<256x1024xf32>
    %select_n3A_347 = arith.select %eq3A_344, %broadcast_in_dim3A_346, %select_n3A_301 : vector<256x1024xi1>, vector<256x1024xf32>
    %reduce_max3A_348 = arith.constant dense<0xFF800000> : vector<256xf32>
    %reduce_max3A_349 = vector.multi_reduction <maximumf>, %select_n3A_347, %reduce_max3A_348 [1] : vector<256x1024xf32> to vector<256xf32>
    %broadcast_in_dim3A_350 = vector.shape_cast %reduce_max3A_349 : vector<256xf32> to vector<256x1xf32>
    %eq3A_351 = vector.broadcast %broadcast_in_dim3A_350 : vector<256x1xf32> to vector<256x1024xf32>
    %eq3A_352 = arith.cmpf oeq, %select_n3A_347, %eq3A_351 : vector<256x1024xf32>
    %jit3A_353 = arith.constant 1073741824 : i32
    %broadcast_in_dim3A_354 = vector.broadcast %jit3A_353 : i32 to vector<256x1024xi32>
    %select_n3A_355 = arith.select %eq3A_352, %iota3A, %broadcast_in_dim3A_354 : vector<256x1024xi1>, vector<256x1024xi32>
    %reduce_min3A_356 = arith.constant dense<2147483647> : vector<256xi32>
    %reduce_min3A_357 = vector.multi_reduction <minsi>, %select_n3A_355, %reduce_min3A_356 [1] : vector<256x1024xi32> to vector<256xi32>
    %broadcast_in_dim3A_358 = vector.shape_cast %reduce_min3A_357 : vector<256xi32> to vector<256x1xi32>
    %shift_right_arithmetic3A_359 = arith.constant 5 : i32
    %shift_right_arithmetic3A_360 = vector.broadcast %shift_right_arithmetic3A_359 : i32 to vector<256x1xi32>
    %shift_right_arithmetic3A_361 = arith.shrsi %broadcast_in_dim3A_358, %shift_right_arithmetic3A_360 : vector<256x1xi32>
    %eq3A_362 = vector.broadcast %shift_right_arithmetic3A_361 : vector<256x1xi32> to vector<256x32xi32>
    %eq3A_363 = arith.cmpi eq, %iota3A_27, %eq3A_362 : vector<256x32xi32>
    %jit3A_364 = arith.constant -1 : i32
    %broadcast_in_dim3A_365 = vector.broadcast %jit3A_364 : i32 to vector<256x32xi32>
    %select_n3A_366 = arith.select %eq3A_363, %get3A_5, %broadcast_in_dim3A_365 : vector<256x32xi1>, vector<256x32xi32>
    %reduce_max3A_367 = arith.constant dense<-2147483648> : vector<256xi32>
    %reduce_max3A_368 = vector.multi_reduction <maxsi>, %select_n3A_366, %reduce_max3A_367 [1] : vector<256x32xi32> to vector<256xi32>
    %broadcast_in_dim3A_369 = vector.shape_cast %reduce_max3A_368 : vector<256xi32> to vector<256x1xi32>
    %eq3A_370 = arith.constant 7 : i32
    %eq3A_371 = vector.broadcast %eq3A_370 : i32 to vector<256x32xi32>
    %eq3A_372 = arith.cmpi eq, %iota3A_27, %eq3A_371 : vector<256x32xi32>
    %broadcast_in_dim3A_373 = vector.shape_cast %broadcast_in_dim3A_350 : vector<256x1xf32> to vector<256x1xf32>
    %broadcast_in_dim3A_374 = vector.broadcast %broadcast_in_dim3A_373 : vector<256x1xf32> to vector<256x32xf32>
    %select_n3A_375 = arith.select %eq3A_372, %broadcast_in_dim3A_374, %select_n3A_329 : vector<256x32xi1>, vector<256x32xf32>
    %eq3A_376 = arith.constant 7 : i32
    %eq3A_377 = vector.broadcast %eq3A_376 : i32 to vector<256x32xi32>
    %eq3A_378 = arith.cmpi eq, %iota3A_27, %eq3A_377 : vector<256x32xi32>
    %mul3A_379 = arith.constant 32 : i32
    %mul3A_380 = vector.broadcast %mul3A_379 : i32 to vector<256x1xi32>
    %mul3A_381 = arith.muli %broadcast_in_dim3A_369, %mul3A_380 : vector<256x1xi32>
    %and3A_382 = arith.constant 31 : i32
    %and3A_383 = vector.broadcast %and3A_382 : i32 to vector<256x1xi32>
    %and3A_384 = arith.andi %broadcast_in_dim3A_358, %and3A_383 : vector<256x1xi32>
    %add3A_385 = arith.addi %mul3A_381, %and3A_384 : vector<256x1xi32>
    %broadcast_in_dim3A_386 = vector.shape_cast %add3A_385 : vector<256x1xi32> to vector<256x1xi32>
    %broadcast_in_dim3A_387 = vector.broadcast %broadcast_in_dim3A_386 : vector<256x1xi32> to vector<256x32xi32>
    %select_n3A_388 = arith.select %eq3A_378, %broadcast_in_dim3A_387, %select_n3A_342 : vector<256x32xi1>, vector<256x32xi32>
    %eq3A_389 = vector.broadcast %broadcast_in_dim3A_358 : vector<256x1xi32> to vector<256x1024xi32>
    %eq3A_390 = arith.cmpi eq, %iota3A, %eq3A_389 : vector<256x1024xi32>
    %jit3A_391 = arith.constant 0xFF800000 : f32
    %broadcast_in_dim3A_392 = vector.broadcast %jit3A_391 : f32 to vector<256x1024xf32>
    %select_n3A_393 = arith.select %eq3A_390, %broadcast_in_dim3A_392, %select_n3A_347 : vector<256x1024xi1>, vector<256x1024xf32>
    %reduce_max3A_394 = arith.constant dense<0xFF800000> : vector<256xf32>
    %reduce_max3A_395 = vector.multi_reduction <maximumf>, %select_n3A_393, %reduce_max3A_394 [1] : vector<256x1024xf32> to vector<256xf32>
    %broadcast_in_dim3A_396 = vector.shape_cast %reduce_max3A_395 : vector<256xf32> to vector<256x1xf32>
    %eq3A_397 = vector.broadcast %broadcast_in_dim3A_396 : vector<256x1xf32> to vector<256x1024xf32>
    %eq3A_398 = arith.cmpf oeq, %select_n3A_393, %eq3A_397 : vector<256x1024xf32>
    %jit3A_399 = arith.constant 1073741824 : i32
    %broadcast_in_dim3A_400 = vector.broadcast %jit3A_399 : i32 to vector<256x1024xi32>
    %select_n3A_401 = arith.select %eq3A_398, %iota3A, %broadcast_in_dim3A_400 : vector<256x1024xi1>, vector<256x1024xi32>
    %reduce_min3A_402 = arith.constant dense<2147483647> : vector<256xi32>
    %reduce_min3A_403 = vector.multi_reduction <minsi>, %select_n3A_401, %reduce_min3A_402 [1] : vector<256x1024xi32> to vector<256xi32>
    %broadcast_in_dim3A_404 = vector.shape_cast %reduce_min3A_403 : vector<256xi32> to vector<256x1xi32>
    %shift_right_arithmetic3A_405 = arith.constant 5 : i32
    %shift_right_arithmetic3A_406 = vector.broadcast %shift_right_arithmetic3A_405 : i32 to vector<256x1xi32>
    %shift_right_arithmetic3A_407 = arith.shrsi %broadcast_in_dim3A_404, %shift_right_arithmetic3A_406 : vector<256x1xi32>
    %eq3A_408 = vector.broadcast %shift_right_arithmetic3A_407 : vector<256x1xi32> to vector<256x32xi32>
    %eq3A_409 = arith.cmpi eq, %iota3A_27, %eq3A_408 : vector<256x32xi32>
    %jit3A_410 = arith.constant -1 : i32
    %broadcast_in_dim3A_411 = vector.broadcast %jit3A_410 : i32 to vector<256x32xi32>
    %select_n3A_412 = arith.select %eq3A_409, %get3A_5, %broadcast_in_dim3A_411 : vector<256x32xi1>, vector<256x32xi32>
    %reduce_max3A_413 = arith.constant dense<-2147483648> : vector<256xi32>
    %reduce_max3A_414 = vector.multi_reduction <maxsi>, %select_n3A_412, %reduce_max3A_413 [1] : vector<256x32xi32> to vector<256xi32>
    %broadcast_in_dim3A_415 = vector.shape_cast %reduce_max3A_414 : vector<256xi32> to vector<256x1xi32>
    %eq3A_416 = arith.constant 8 : i32
    %eq3A_417 = vector.broadcast %eq3A_416 : i32 to vector<256x32xi32>
    %eq3A_418 = arith.cmpi eq, %iota3A_27, %eq3A_417 : vector<256x32xi32>
    %broadcast_in_dim3A_419 = vector.shape_cast %broadcast_in_dim3A_396 : vector<256x1xf32> to vector<256x1xf32>
    %broadcast_in_dim3A_420 = vector.broadcast %broadcast_in_dim3A_419 : vector<256x1xf32> to vector<256x32xf32>
    %select_n3A_421 = arith.select %eq3A_418, %broadcast_in_dim3A_420, %select_n3A_375 : vector<256x32xi1>, vector<256x32xf32>
    %eq3A_422 = arith.constant 8 : i32
    %eq3A_423 = vector.broadcast %eq3A_422 : i32 to vector<256x32xi32>
    %eq3A_424 = arith.cmpi eq, %iota3A_27, %eq3A_423 : vector<256x32xi32>
    %mul3A_425 = arith.constant 32 : i32
    %mul3A_426 = vector.broadcast %mul3A_425 : i32 to vector<256x1xi32>
    %mul3A_427 = arith.muli %broadcast_in_dim3A_415, %mul3A_426 : vector<256x1xi32>
    %and3A_428 = arith.constant 31 : i32
    %and3A_429 = vector.broadcast %and3A_428 : i32 to vector<256x1xi32>
    %and3A_430 = arith.andi %broadcast_in_dim3A_404, %and3A_429 : vector<256x1xi32>
    %add3A_431 = arith.addi %mul3A_427, %and3A_430 : vector<256x1xi32>
    %broadcast_in_dim3A_432 = vector.shape_cast %add3A_431 : vector<256x1xi32> to vector<256x1xi32>
    %broadcast_in_dim3A_433 = vector.broadcast %broadcast_in_dim3A_432 : vector<256x1xi32> to vector<256x32xi32>
    %select_n3A_434 = arith.select %eq3A_424, %broadcast_in_dim3A_433, %select_n3A_388 : vector<256x32xi1>, vector<256x32xi32>
    %eq3A_435 = vector.broadcast %broadcast_in_dim3A_404 : vector<256x1xi32> to vector<256x1024xi32>
    %eq3A_436 = arith.cmpi eq, %iota3A, %eq3A_435 : vector<256x1024xi32>
    %jit3A_437 = arith.constant 0xFF800000 : f32
    %broadcast_in_dim3A_438 = vector.broadcast %jit3A_437 : f32 to vector<256x1024xf32>
    %select_n3A_439 = arith.select %eq3A_436, %broadcast_in_dim3A_438, %select_n3A_393 : vector<256x1024xi1>, vector<256x1024xf32>
    %reduce_max3A_440 = arith.constant dense<0xFF800000> : vector<256xf32>
    %reduce_max3A_441 = vector.multi_reduction <maximumf>, %select_n3A_439, %reduce_max3A_440 [1] : vector<256x1024xf32> to vector<256xf32>
    %broadcast_in_dim3A_442 = vector.shape_cast %reduce_max3A_441 : vector<256xf32> to vector<256x1xf32>
    %eq3A_443 = vector.broadcast %broadcast_in_dim3A_442 : vector<256x1xf32> to vector<256x1024xf32>
    %eq3A_444 = arith.cmpf oeq, %select_n3A_439, %eq3A_443 : vector<256x1024xf32>
    %jit3A_445 = arith.constant 1073741824 : i32
    %broadcast_in_dim3A_446 = vector.broadcast %jit3A_445 : i32 to vector<256x1024xi32>
    %select_n3A_447 = arith.select %eq3A_444, %iota3A, %broadcast_in_dim3A_446 : vector<256x1024xi1>, vector<256x1024xi32>
    %reduce_min3A_448 = arith.constant dense<2147483647> : vector<256xi32>
    %reduce_min3A_449 = vector.multi_reduction <minsi>, %select_n3A_447, %reduce_min3A_448 [1] : vector<256x1024xi32> to vector<256xi32>
    %broadcast_in_dim3A_450 = vector.shape_cast %reduce_min3A_449 : vector<256xi32> to vector<256x1xi32>
    %shift_right_arithmetic3A_451 = arith.constant 5 : i32
    %shift_right_arithmetic3A_452 = vector.broadcast %shift_right_arithmetic3A_451 : i32 to vector<256x1xi32>
    %shift_right_arithmetic3A_453 = arith.shrsi %broadcast_in_dim3A_450, %shift_right_arithmetic3A_452 : vector<256x1xi32>
    %eq3A_454 = vector.broadcast %shift_right_arithmetic3A_453 : vector<256x1xi32> to vector<256x32xi32>
    %eq3A_455 = arith.cmpi eq, %iota3A_27, %eq3A_454 : vector<256x32xi32>
    %jit3A_456 = arith.constant -1 : i32
    %broadcast_in_dim3A_457 = vector.broadcast %jit3A_456 : i32 to vector<256x32xi32>
    %select_n3A_458 = arith.select %eq3A_455, %get3A_5, %broadcast_in_dim3A_457 : vector<256x32xi1>, vector<256x32xi32>
    %reduce_max3A_459 = arith.constant dense<-2147483648> : vector<256xi32>
    %reduce_max3A_460 = vector.multi_reduction <maxsi>, %select_n3A_458, %reduce_max3A_459 [1] : vector<256x32xi32> to vector<256xi32>
    %broadcast_in_dim3A_461 = vector.shape_cast %reduce_max3A_460 : vector<256xi32> to vector<256x1xi32>
    %eq3A_462 = arith.constant 9 : i32
    %eq3A_463 = vector.broadcast %eq3A_462 : i32 to vector<256x32xi32>
    %eq3A_464 = arith.cmpi eq, %iota3A_27, %eq3A_463 : vector<256x32xi32>
    %broadcast_in_dim3A_465 = vector.shape_cast %broadcast_in_dim3A_442 : vector<256x1xf32> to vector<256x1xf32>
    %broadcast_in_dim3A_466 = vector.broadcast %broadcast_in_dim3A_465 : vector<256x1xf32> to vector<256x32xf32>
    %select_n3A_467 = arith.select %eq3A_464, %broadcast_in_dim3A_466, %select_n3A_421 : vector<256x32xi1>, vector<256x32xf32>
    %eq3A_468 = arith.constant 9 : i32
    %eq3A_469 = vector.broadcast %eq3A_468 : i32 to vector<256x32xi32>
    %eq3A_470 = arith.cmpi eq, %iota3A_27, %eq3A_469 : vector<256x32xi32>
    %mul3A_471 = arith.constant 32 : i32
    %mul3A_472 = vector.broadcast %mul3A_471 : i32 to vector<256x1xi32>
    %mul3A_473 = arith.muli %broadcast_in_dim3A_461, %mul3A_472 : vector<256x1xi32>
    %and3A_474 = arith.constant 31 : i32
    %and3A_475 = vector.broadcast %and3A_474 : i32 to vector<256x1xi32>
    %and3A_476 = arith.andi %broadcast_in_dim3A_450, %and3A_475 : vector<256x1xi32>
    %add3A_477 = arith.addi %mul3A_473, %and3A_476 : vector<256x1xi32>
    %broadcast_in_dim3A_478 = vector.shape_cast %add3A_477 : vector<256x1xi32> to vector<256x1xi32>
    %broadcast_in_dim3A_479 = vector.broadcast %broadcast_in_dim3A_478 : vector<256x1xi32> to vector<256x32xi32>
    %select_n3A_480 = arith.select %eq3A_470, %broadcast_in_dim3A_479, %select_n3A_434 : vector<256x32xi1>, vector<256x32xi32>
    %eq3A_481 = vector.broadcast %broadcast_in_dim3A_450 : vector<256x1xi32> to vector<256x1024xi32>
    %eq3A_482 = arith.cmpi eq, %iota3A, %eq3A_481 : vector<256x1024xi32>
    %jit3A_483 = arith.constant 0xFF800000 : f32
    %broadcast_in_dim3A_484 = vector.broadcast %jit3A_483 : f32 to vector<256x1024xf32>
    %select_n3A_485 = arith.select %eq3A_482, %broadcast_in_dim3A_484, %select_n3A_439 : vector<256x1024xi1>, vector<256x1024xf32>
    %reduce_max3A_486 = arith.constant dense<0xFF800000> : vector<256xf32>
    %reduce_max3A_487 = vector.multi_reduction <maximumf>, %select_n3A_485, %reduce_max3A_486 [1] : vector<256x1024xf32> to vector<256xf32>
    %broadcast_in_dim3A_488 = vector.shape_cast %reduce_max3A_487 : vector<256xf32> to vector<256x1xf32>
    %eq3A_489 = vector.broadcast %broadcast_in_dim3A_488 : vector<256x1xf32> to vector<256x1024xf32>
    %eq3A_490 = arith.cmpf oeq, %select_n3A_485, %eq3A_489 : vector<256x1024xf32>
    %jit3A_491 = arith.constant 1073741824 : i32
    %broadcast_in_dim3A_492 = vector.broadcast %jit3A_491 : i32 to vector<256x1024xi32>
    %select_n3A_493 = arith.select %eq3A_490, %iota3A, %broadcast_in_dim3A_492 : vector<256x1024xi1>, vector<256x1024xi32>
    %reduce_min3A_494 = arith.constant dense<2147483647> : vector<256xi32>
    %reduce_min3A_495 = vector.multi_reduction <minsi>, %select_n3A_493, %reduce_min3A_494 [1] : vector<256x1024xi32> to vector<256xi32>
    %broadcast_in_dim3A_496 = vector.shape_cast %reduce_min3A_495 : vector<256xi32> to vector<256x1xi32>
    %shift_right_arithmetic3A_497 = arith.constant 5 : i32
    %shift_right_arithmetic3A_498 = vector.broadcast %shift_right_arithmetic3A_497 : i32 to vector<256x1xi32>
    %shift_right_arithmetic3A_499 = arith.shrsi %broadcast_in_dim3A_496, %shift_right_arithmetic3A_498 : vector<256x1xi32>
    %eq3A_500 = vector.broadcast %shift_right_arithmetic3A_499 : vector<256x1xi32> to vector<256x32xi32>
    %eq3A_501 = arith.cmpi eq, %iota3A_27, %eq3A_500 : vector<256x32xi32>
    %jit3A_502 = arith.constant -1 : i32
    %broadcast_in_dim3A_503 = vector.broadcast %jit3A_502 : i32 to vector<256x32xi32>
    %select_n3A_504 = arith.select %eq3A_501, %get3A_5, %broadcast_in_dim3A_503 : vector<256x32xi1>, vector<256x32xi32>
    %reduce_max3A_505 = arith.constant dense<-2147483648> : vector<256xi32>
    %reduce_max3A_506 = vector.multi_reduction <maxsi>, %select_n3A_504, %reduce_max3A_505 [1] : vector<256x32xi32> to vector<256xi32>
    %broadcast_in_dim3A_507 = vector.shape_cast %reduce_max3A_506 : vector<256xi32> to vector<256x1xi32>
    %eq3A_508 = arith.constant 10 : i32
    %eq3A_509 = vector.broadcast %eq3A_508 : i32 to vector<256x32xi32>
    %eq3A_510 = arith.cmpi eq, %iota3A_27, %eq3A_509 : vector<256x32xi32>
    %broadcast_in_dim3A_511 = vector.shape_cast %broadcast_in_dim3A_488 : vector<256x1xf32> to vector<256x1xf32>
    %broadcast_in_dim3A_512 = vector.broadcast %broadcast_in_dim3A_511 : vector<256x1xf32> to vector<256x32xf32>
    %select_n3A_513 = arith.select %eq3A_510, %broadcast_in_dim3A_512, %select_n3A_467 : vector<256x32xi1>, vector<256x32xf32>
    %eq3A_514 = arith.constant 10 : i32
    %eq3A_515 = vector.broadcast %eq3A_514 : i32 to vector<256x32xi32>
    %eq3A_516 = arith.cmpi eq, %iota3A_27, %eq3A_515 : vector<256x32xi32>
    %mul3A_517 = arith.constant 32 : i32
    %mul3A_518 = vector.broadcast %mul3A_517 : i32 to vector<256x1xi32>
    %mul3A_519 = arith.muli %broadcast_in_dim3A_507, %mul3A_518 : vector<256x1xi32>
    %and3A_520 = arith.constant 31 : i32
    %and3A_521 = vector.broadcast %and3A_520 : i32 to vector<256x1xi32>
    %and3A_522 = arith.andi %broadcast_in_dim3A_496, %and3A_521 : vector<256x1xi32>
    %add3A_523 = arith.addi %mul3A_519, %and3A_522 : vector<256x1xi32>
    %broadcast_in_dim3A_524 = vector.shape_cast %add3A_523 : vector<256x1xi32> to vector<256x1xi32>
    %broadcast_in_dim3A_525 = vector.broadcast %broadcast_in_dim3A_524 : vector<256x1xi32> to vector<256x32xi32>
    %select_n3A_526 = arith.select %eq3A_516, %broadcast_in_dim3A_525, %select_n3A_480 : vector<256x32xi1>, vector<256x32xi32>
    %eq3A_527 = vector.broadcast %broadcast_in_dim3A_496 : vector<256x1xi32> to vector<256x1024xi32>
    %eq3A_528 = arith.cmpi eq, %iota3A, %eq3A_527 : vector<256x1024xi32>
    %jit3A_529 = arith.constant 0xFF800000 : f32
    %broadcast_in_dim3A_530 = vector.broadcast %jit3A_529 : f32 to vector<256x1024xf32>
    %select_n3A_531 = arith.select %eq3A_528, %broadcast_in_dim3A_530, %select_n3A_485 : vector<256x1024xi1>, vector<256x1024xf32>
    %reduce_max3A_532 = arith.constant dense<0xFF800000> : vector<256xf32>
    %reduce_max3A_533 = vector.multi_reduction <maximumf>, %select_n3A_531, %reduce_max3A_532 [1] : vector<256x1024xf32> to vector<256xf32>
    %broadcast_in_dim3A_534 = vector.shape_cast %reduce_max3A_533 : vector<256xf32> to vector<256x1xf32>
    %eq3A_535 = vector.broadcast %broadcast_in_dim3A_534 : vector<256x1xf32> to vector<256x1024xf32>
    %eq3A_536 = arith.cmpf oeq, %select_n3A_531, %eq3A_535 : vector<256x1024xf32>
    %jit3A_537 = arith.constant 1073741824 : i32
    %broadcast_in_dim3A_538 = vector.broadcast %jit3A_537 : i32 to vector<256x1024xi32>
    %select_n3A_539 = arith.select %eq3A_536, %iota3A, %broadcast_in_dim3A_538 : vector<256x1024xi1>, vector<256x1024xi32>
    %reduce_min3A_540 = arith.constant dense<2147483647> : vector<256xi32>
    %reduce_min3A_541 = vector.multi_reduction <minsi>, %select_n3A_539, %reduce_min3A_540 [1] : vector<256x1024xi32> to vector<256xi32>
    %broadcast_in_dim3A_542 = vector.shape_cast %reduce_min3A_541 : vector<256xi32> to vector<256x1xi32>
    %shift_right_arithmetic3A_543 = arith.constant 5 : i32
    %shift_right_arithmetic3A_544 = vector.broadcast %shift_right_arithmetic3A_543 : i32 to vector<256x1xi32>
    %shift_right_arithmetic3A_545 = arith.shrsi %broadcast_in_dim3A_542, %shift_right_arithmetic3A_544 : vector<256x1xi32>
    %eq3A_546 = vector.broadcast %shift_right_arithmetic3A_545 : vector<256x1xi32> to vector<256x32xi32>
    %eq3A_547 = arith.cmpi eq, %iota3A_27, %eq3A_546 : vector<256x32xi32>
    %jit3A_548 = arith.constant -1 : i32
    %broadcast_in_dim3A_549 = vector.broadcast %jit3A_548 : i32 to vector<256x32xi32>
    %select_n3A_550 = arith.select %eq3A_547, %get3A_5, %broadcast_in_dim3A_549 : vector<256x32xi1>, vector<256x32xi32>
    %reduce_max3A_551 = arith.constant dense<-2147483648> : vector<256xi32>
    %reduce_max3A_552 = vector.multi_reduction <maxsi>, %select_n3A_550, %reduce_max3A_551 [1] : vector<256x32xi32> to vector<256xi32>
    %broadcast_in_dim3A_553 = vector.shape_cast %reduce_max3A_552 : vector<256xi32> to vector<256x1xi32>
    %eq3A_554 = arith.constant 11 : i32
    %eq3A_555 = vector.broadcast %eq3A_554 : i32 to vector<256x32xi32>
    %eq3A_556 = arith.cmpi eq, %iota3A_27, %eq3A_555 : vector<256x32xi32>
    %broadcast_in_dim3A_557 = vector.shape_cast %broadcast_in_dim3A_534 : vector<256x1xf32> to vector<256x1xf32>
    %broadcast_in_dim3A_558 = vector.broadcast %broadcast_in_dim3A_557 : vector<256x1xf32> to vector<256x32xf32>
    %select_n3A_559 = arith.select %eq3A_556, %broadcast_in_dim3A_558, %select_n3A_513 : vector<256x32xi1>, vector<256x32xf32>
    %eq3A_560 = arith.constant 11 : i32
    %eq3A_561 = vector.broadcast %eq3A_560 : i32 to vector<256x32xi32>
    %eq3A_562 = arith.cmpi eq, %iota3A_27, %eq3A_561 : vector<256x32xi32>
    %mul3A_563 = arith.constant 32 : i32
    %mul3A_564 = vector.broadcast %mul3A_563 : i32 to vector<256x1xi32>
    %mul3A_565 = arith.muli %broadcast_in_dim3A_553, %mul3A_564 : vector<256x1xi32>
    %and3A_566 = arith.constant 31 : i32
    %and3A_567 = vector.broadcast %and3A_566 : i32 to vector<256x1xi32>
    %and3A_568 = arith.andi %broadcast_in_dim3A_542, %and3A_567 : vector<256x1xi32>
    %add3A_569 = arith.addi %mul3A_565, %and3A_568 : vector<256x1xi32>
    %broadcast_in_dim3A_570 = vector.shape_cast %add3A_569 : vector<256x1xi32> to vector<256x1xi32>
    %broadcast_in_dim3A_571 = vector.broadcast %broadcast_in_dim3A_570 : vector<256x1xi32> to vector<256x32xi32>
    %select_n3A_572 = arith.select %eq3A_562, %broadcast_in_dim3A_571, %select_n3A_526 : vector<256x32xi1>, vector<256x32xi32>
    %eq3A_573 = vector.broadcast %broadcast_in_dim3A_542 : vector<256x1xi32> to vector<256x1024xi32>
    %eq3A_574 = arith.cmpi eq, %iota3A, %eq3A_573 : vector<256x1024xi32>
    %jit3A_575 = arith.constant 0xFF800000 : f32
    %broadcast_in_dim3A_576 = vector.broadcast %jit3A_575 : f32 to vector<256x1024xf32>
    %select_n3A_577 = arith.select %eq3A_574, %broadcast_in_dim3A_576, %select_n3A_531 : vector<256x1024xi1>, vector<256x1024xf32>
    %reduce_max3A_578 = arith.constant dense<0xFF800000> : vector<256xf32>
    %reduce_max3A_579 = vector.multi_reduction <maximumf>, %select_n3A_577, %reduce_max3A_578 [1] : vector<256x1024xf32> to vector<256xf32>
    %broadcast_in_dim3A_580 = vector.shape_cast %reduce_max3A_579 : vector<256xf32> to vector<256x1xf32>
    %eq3A_581 = vector.broadcast %broadcast_in_dim3A_580 : vector<256x1xf32> to vector<256x1024xf32>
    %eq3A_582 = arith.cmpf oeq, %select_n3A_577, %eq3A_581 : vector<256x1024xf32>
    %jit3A_583 = arith.constant 1073741824 : i32
    %broadcast_in_dim3A_584 = vector.broadcast %jit3A_583 : i32 to vector<256x1024xi32>
    %select_n3A_585 = arith.select %eq3A_582, %iota3A, %broadcast_in_dim3A_584 : vector<256x1024xi1>, vector<256x1024xi32>
    %reduce_min3A_586 = arith.constant dense<2147483647> : vector<256xi32>
    %reduce_min3A_587 = vector.multi_reduction <minsi>, %select_n3A_585, %reduce_min3A_586 [1] : vector<256x1024xi32> to vector<256xi32>
    %broadcast_in_dim3A_588 = vector.shape_cast %reduce_min3A_587 : vector<256xi32> to vector<256x1xi32>
    %shift_right_arithmetic3A_589 = arith.constant 5 : i32
    %shift_right_arithmetic3A_590 = vector.broadcast %shift_right_arithmetic3A_589 : i32 to vector<256x1xi32>
    %shift_right_arithmetic3A_591 = arith.shrsi %broadcast_in_dim3A_588, %shift_right_arithmetic3A_590 : vector<256x1xi32>
    %eq3A_592 = vector.broadcast %shift_right_arithmetic3A_591 : vector<256x1xi32> to vector<256x32xi32>
    %eq3A_593 = arith.cmpi eq, %iota3A_27, %eq3A_592 : vector<256x32xi32>
    %jit3A_594 = arith.constant -1 : i32
    %broadcast_in_dim3A_595 = vector.broadcast %jit3A_594 : i32 to vector<256x32xi32>
    %select_n3A_596 = arith.select %eq3A_593, %get3A_5, %broadcast_in_dim3A_595 : vector<256x32xi1>, vector<256x32xi32>
    %reduce_max3A_597 = arith.constant dense<-2147483648> : vector<256xi32>
    %reduce_max3A_598 = vector.multi_reduction <maxsi>, %select_n3A_596, %reduce_max3A_597 [1] : vector<256x32xi32> to vector<256xi32>
    %broadcast_in_dim3A_599 = vector.shape_cast %reduce_max3A_598 : vector<256xi32> to vector<256x1xi32>
    %eq3A_600 = arith.constant 12 : i32
    %eq3A_601 = vector.broadcast %eq3A_600 : i32 to vector<256x32xi32>
    %eq3A_602 = arith.cmpi eq, %iota3A_27, %eq3A_601 : vector<256x32xi32>
    %broadcast_in_dim3A_603 = vector.shape_cast %broadcast_in_dim3A_580 : vector<256x1xf32> to vector<256x1xf32>
    %broadcast_in_dim3A_604 = vector.broadcast %broadcast_in_dim3A_603 : vector<256x1xf32> to vector<256x32xf32>
    %select_n3A_605 = arith.select %eq3A_602, %broadcast_in_dim3A_604, %select_n3A_559 : vector<256x32xi1>, vector<256x32xf32>
    %eq3A_606 = arith.constant 12 : i32
    %eq3A_607 = vector.broadcast %eq3A_606 : i32 to vector<256x32xi32>
    %eq3A_608 = arith.cmpi eq, %iota3A_27, %eq3A_607 : vector<256x32xi32>
    %mul3A_609 = arith.constant 32 : i32
    %mul3A_610 = vector.broadcast %mul3A_609 : i32 to vector<256x1xi32>
    %mul3A_611 = arith.muli %broadcast_in_dim3A_599, %mul3A_610 : vector<256x1xi32>
    %and3A_612 = arith.constant 31 : i32
    %and3A_613 = vector.broadcast %and3A_612 : i32 to vector<256x1xi32>
    %and3A_614 = arith.andi %broadcast_in_dim3A_588, %and3A_613 : vector<256x1xi32>
    %add3A_615 = arith.addi %mul3A_611, %and3A_614 : vector<256x1xi32>
    %broadcast_in_dim3A_616 = vector.shape_cast %add3A_615 : vector<256x1xi32> to vector<256x1xi32>
    %broadcast_in_dim3A_617 = vector.broadcast %broadcast_in_dim3A_616 : vector<256x1xi32> to vector<256x32xi32>
    %select_n3A_618 = arith.select %eq3A_608, %broadcast_in_dim3A_617, %select_n3A_572 : vector<256x32xi1>, vector<256x32xi32>
    %eq3A_619 = vector.broadcast %broadcast_in_dim3A_588 : vector<256x1xi32> to vector<256x1024xi32>
    %eq3A_620 = arith.cmpi eq, %iota3A, %eq3A_619 : vector<256x1024xi32>
    %jit3A_621 = arith.constant 0xFF800000 : f32
    %broadcast_in_dim3A_622 = vector.broadcast %jit3A_621 : f32 to vector<256x1024xf32>
    %select_n3A_623 = arith.select %eq3A_620, %broadcast_in_dim3A_622, %select_n3A_577 : vector<256x1024xi1>, vector<256x1024xf32>
    %reduce_max3A_624 = arith.constant dense<0xFF800000> : vector<256xf32>
    %reduce_max3A_625 = vector.multi_reduction <maximumf>, %select_n3A_623, %reduce_max3A_624 [1] : vector<256x1024xf32> to vector<256xf32>
    %broadcast_in_dim3A_626 = vector.shape_cast %reduce_max3A_625 : vector<256xf32> to vector<256x1xf32>
    %eq3A_627 = vector.broadcast %broadcast_in_dim3A_626 : vector<256x1xf32> to vector<256x1024xf32>
    %eq3A_628 = arith.cmpf oeq, %select_n3A_623, %eq3A_627 : vector<256x1024xf32>
    %jit3A_629 = arith.constant 1073741824 : i32
    %broadcast_in_dim3A_630 = vector.broadcast %jit3A_629 : i32 to vector<256x1024xi32>
    %select_n3A_631 = arith.select %eq3A_628, %iota3A, %broadcast_in_dim3A_630 : vector<256x1024xi1>, vector<256x1024xi32>
    %reduce_min3A_632 = arith.constant dense<2147483647> : vector<256xi32>
    %reduce_min3A_633 = vector.multi_reduction <minsi>, %select_n3A_631, %reduce_min3A_632 [1] : vector<256x1024xi32> to vector<256xi32>
    %broadcast_in_dim3A_634 = vector.shape_cast %reduce_min3A_633 : vector<256xi32> to vector<256x1xi32>
    %shift_right_arithmetic3A_635 = arith.constant 5 : i32
    %shift_right_arithmetic3A_636 = vector.broadcast %shift_right_arithmetic3A_635 : i32 to vector<256x1xi32>
    %shift_right_arithmetic3A_637 = arith.shrsi %broadcast_in_dim3A_634, %shift_right_arithmetic3A_636 : vector<256x1xi32>
    %eq3A_638 = vector.broadcast %shift_right_arithmetic3A_637 : vector<256x1xi32> to vector<256x32xi32>
    %eq3A_639 = arith.cmpi eq, %iota3A_27, %eq3A_638 : vector<256x32xi32>
    %jit3A_640 = arith.constant -1 : i32
    %broadcast_in_dim3A_641 = vector.broadcast %jit3A_640 : i32 to vector<256x32xi32>
    %select_n3A_642 = arith.select %eq3A_639, %get3A_5, %broadcast_in_dim3A_641 : vector<256x32xi1>, vector<256x32xi32>
    %reduce_max3A_643 = arith.constant dense<-2147483648> : vector<256xi32>
    %reduce_max3A_644 = vector.multi_reduction <maxsi>, %select_n3A_642, %reduce_max3A_643 [1] : vector<256x32xi32> to vector<256xi32>
    %broadcast_in_dim3A_645 = vector.shape_cast %reduce_max3A_644 : vector<256xi32> to vector<256x1xi32>
    %eq3A_646 = arith.constant 13 : i32
    %eq3A_647 = vector.broadcast %eq3A_646 : i32 to vector<256x32xi32>
    %eq3A_648 = arith.cmpi eq, %iota3A_27, %eq3A_647 : vector<256x32xi32>
    %broadcast_in_dim3A_649 = vector.shape_cast %broadcast_in_dim3A_626 : vector<256x1xf32> to vector<256x1xf32>
    %broadcast_in_dim3A_650 = vector.broadcast %broadcast_in_dim3A_649 : vector<256x1xf32> to vector<256x32xf32>
    %select_n3A_651 = arith.select %eq3A_648, %broadcast_in_dim3A_650, %select_n3A_605 : vector<256x32xi1>, vector<256x32xf32>
    %eq3A_652 = arith.constant 13 : i32
    %eq3A_653 = vector.broadcast %eq3A_652 : i32 to vector<256x32xi32>
    %eq3A_654 = arith.cmpi eq, %iota3A_27, %eq3A_653 : vector<256x32xi32>
    %mul3A_655 = arith.constant 32 : i32
    %mul3A_656 = vector.broadcast %mul3A_655 : i32 to vector<256x1xi32>
    %mul3A_657 = arith.muli %broadcast_in_dim3A_645, %mul3A_656 : vector<256x1xi32>
    %and3A_658 = arith.constant 31 : i32
    %and3A_659 = vector.broadcast %and3A_658 : i32 to vector<256x1xi32>
    %and3A_660 = arith.andi %broadcast_in_dim3A_634, %and3A_659 : vector<256x1xi32>
    %add3A_661 = arith.addi %mul3A_657, %and3A_660 : vector<256x1xi32>
    %broadcast_in_dim3A_662 = vector.shape_cast %add3A_661 : vector<256x1xi32> to vector<256x1xi32>
    %broadcast_in_dim3A_663 = vector.broadcast %broadcast_in_dim3A_662 : vector<256x1xi32> to vector<256x32xi32>
    %select_n3A_664 = arith.select %eq3A_654, %broadcast_in_dim3A_663, %select_n3A_618 : vector<256x32xi1>, vector<256x32xi32>
    %eq3A_665 = vector.broadcast %broadcast_in_dim3A_634 : vector<256x1xi32> to vector<256x1024xi32>
    %eq3A_666 = arith.cmpi eq, %iota3A, %eq3A_665 : vector<256x1024xi32>
    %jit3A_667 = arith.constant 0xFF800000 : f32
    %broadcast_in_dim3A_668 = vector.broadcast %jit3A_667 : f32 to vector<256x1024xf32>
    %select_n3A_669 = arith.select %eq3A_666, %broadcast_in_dim3A_668, %select_n3A_623 : vector<256x1024xi1>, vector<256x1024xf32>
    %reduce_max3A_670 = arith.constant dense<0xFF800000> : vector<256xf32>
    %reduce_max3A_671 = vector.multi_reduction <maximumf>, %select_n3A_669, %reduce_max3A_670 [1] : vector<256x1024xf32> to vector<256xf32>
    %broadcast_in_dim3A_672 = vector.shape_cast %reduce_max3A_671 : vector<256xf32> to vector<256x1xf32>
    %eq3A_673 = vector.broadcast %broadcast_in_dim3A_672 : vector<256x1xf32> to vector<256x1024xf32>
    %eq3A_674 = arith.cmpf oeq, %select_n3A_669, %eq3A_673 : vector<256x1024xf32>
    %jit3A_675 = arith.constant 1073741824 : i32
    %broadcast_in_dim3A_676 = vector.broadcast %jit3A_675 : i32 to vector<256x1024xi32>
    %select_n3A_677 = arith.select %eq3A_674, %iota3A, %broadcast_in_dim3A_676 : vector<256x1024xi1>, vector<256x1024xi32>
    %reduce_min3A_678 = arith.constant dense<2147483647> : vector<256xi32>
    %reduce_min3A_679 = vector.multi_reduction <minsi>, %select_n3A_677, %reduce_min3A_678 [1] : vector<256x1024xi32> to vector<256xi32>
    %broadcast_in_dim3A_680 = vector.shape_cast %reduce_min3A_679 : vector<256xi32> to vector<256x1xi32>
    %shift_right_arithmetic3A_681 = arith.constant 5 : i32
    %shift_right_arithmetic3A_682 = vector.broadcast %shift_right_arithmetic3A_681 : i32 to vector<256x1xi32>
    %shift_right_arithmetic3A_683 = arith.shrsi %broadcast_in_dim3A_680, %shift_right_arithmetic3A_682 : vector<256x1xi32>
    %eq3A_684 = vector.broadcast %shift_right_arithmetic3A_683 : vector<256x1xi32> to vector<256x32xi32>
    %eq3A_685 = arith.cmpi eq, %iota3A_27, %eq3A_684 : vector<256x32xi32>
    %jit3A_686 = arith.constant -1 : i32
    %broadcast_in_dim3A_687 = vector.broadcast %jit3A_686 : i32 to vector<256x32xi32>
    %select_n3A_688 = arith.select %eq3A_685, %get3A_5, %broadcast_in_dim3A_687 : vector<256x32xi1>, vector<256x32xi32>
    %reduce_max3A_689 = arith.constant dense<-2147483648> : vector<256xi32>
    %reduce_max3A_690 = vector.multi_reduction <maxsi>, %select_n3A_688, %reduce_max3A_689 [1] : vector<256x32xi32> to vector<256xi32>
    %broadcast_in_dim3A_691 = vector.shape_cast %reduce_max3A_690 : vector<256xi32> to vector<256x1xi32>
    %eq3A_692 = arith.constant 14 : i32
    %eq3A_693 = vector.broadcast %eq3A_692 : i32 to vector<256x32xi32>
    %eq3A_694 = arith.cmpi eq, %iota3A_27, %eq3A_693 : vector<256x32xi32>
    %broadcast_in_dim3A_695 = vector.shape_cast %broadcast_in_dim3A_672 : vector<256x1xf32> to vector<256x1xf32>
    %broadcast_in_dim3A_696 = vector.broadcast %broadcast_in_dim3A_695 : vector<256x1xf32> to vector<256x32xf32>
    %select_n3A_697 = arith.select %eq3A_694, %broadcast_in_dim3A_696, %select_n3A_651 : vector<256x32xi1>, vector<256x32xf32>
    %eq3A_698 = arith.constant 14 : i32
    %eq3A_699 = vector.broadcast %eq3A_698 : i32 to vector<256x32xi32>
    %eq3A_700 = arith.cmpi eq, %iota3A_27, %eq3A_699 : vector<256x32xi32>
    %mul3A_701 = arith.constant 32 : i32
    %mul3A_702 = vector.broadcast %mul3A_701 : i32 to vector<256x1xi32>
    %mul3A_703 = arith.muli %broadcast_in_dim3A_691, %mul3A_702 : vector<256x1xi32>
    %and3A_704 = arith.constant 31 : i32
    %and3A_705 = vector.broadcast %and3A_704 : i32 to vector<256x1xi32>
    %and3A_706 = arith.andi %broadcast_in_dim3A_680, %and3A_705 : vector<256x1xi32>
    %add3A_707 = arith.addi %mul3A_703, %and3A_706 : vector<256x1xi32>
    %broadcast_in_dim3A_708 = vector.shape_cast %add3A_707 : vector<256x1xi32> to vector<256x1xi32>
    %broadcast_in_dim3A_709 = vector.broadcast %broadcast_in_dim3A_708 : vector<256x1xi32> to vector<256x32xi32>
    %select_n3A_710 = arith.select %eq3A_700, %broadcast_in_dim3A_709, %select_n3A_664 : vector<256x32xi1>, vector<256x32xi32>
    %eq3A_711 = vector.broadcast %broadcast_in_dim3A_680 : vector<256x1xi32> to vector<256x1024xi32>
    %eq3A_712 = arith.cmpi eq, %iota3A, %eq3A_711 : vector<256x1024xi32>
    %jit3A_713 = arith.constant 0xFF800000 : f32
    %broadcast_in_dim3A_714 = vector.broadcast %jit3A_713 : f32 to vector<256x1024xf32>
    %select_n3A_715 = arith.select %eq3A_712, %broadcast_in_dim3A_714, %select_n3A_669 : vector<256x1024xi1>, vector<256x1024xf32>
    %reduce_max3A_716 = arith.constant dense<0xFF800000> : vector<256xf32>
    %reduce_max3A_717 = vector.multi_reduction <maximumf>, %select_n3A_715, %reduce_max3A_716 [1] : vector<256x1024xf32> to vector<256xf32>
    %broadcast_in_dim3A_718 = vector.shape_cast %reduce_max3A_717 : vector<256xf32> to vector<256x1xf32>
    %eq3A_719 = vector.broadcast %broadcast_in_dim3A_718 : vector<256x1xf32> to vector<256x1024xf32>
    %eq3A_720 = arith.cmpf oeq, %select_n3A_715, %eq3A_719 : vector<256x1024xf32>
    %jit3A_721 = arith.constant 1073741824 : i32
    %broadcast_in_dim3A_722 = vector.broadcast %jit3A_721 : i32 to vector<256x1024xi32>
    %select_n3A_723 = arith.select %eq3A_720, %iota3A, %broadcast_in_dim3A_722 : vector<256x1024xi1>, vector<256x1024xi32>
    %reduce_min3A_724 = arith.constant dense<2147483647> : vector<256xi32>
    %reduce_min3A_725 = vector.multi_reduction <minsi>, %select_n3A_723, %reduce_min3A_724 [1] : vector<256x1024xi32> to vector<256xi32>
    %broadcast_in_dim3A_726 = vector.shape_cast %reduce_min3A_725 : vector<256xi32> to vector<256x1xi32>
    %shift_right_arithmetic3A_727 = arith.constant 5 : i32
    %shift_right_arithmetic3A_728 = vector.broadcast %shift_right_arithmetic3A_727 : i32 to vector<256x1xi32>
    %shift_right_arithmetic3A_729 = arith.shrsi %broadcast_in_dim3A_726, %shift_right_arithmetic3A_728 : vector<256x1xi32>
    %eq3A_730 = vector.broadcast %shift_right_arithmetic3A_729 : vector<256x1xi32> to vector<256x32xi32>
    %eq3A_731 = arith.cmpi eq, %iota3A_27, %eq3A_730 : vector<256x32xi32>
    %jit3A_732 = arith.constant -1 : i32
    %broadcast_in_dim3A_733 = vector.broadcast %jit3A_732 : i32 to vector<256x32xi32>
    %select_n3A_734 = arith.select %eq3A_731, %get3A_5, %broadcast_in_dim3A_733 : vector<256x32xi1>, vector<256x32xi32>
    %reduce_max3A_735 = arith.constant dense<-2147483648> : vector<256xi32>
    %reduce_max3A_736 = vector.multi_reduction <maxsi>, %select_n3A_734, %reduce_max3A_735 [1] : vector<256x32xi32> to vector<256xi32>
    %broadcast_in_dim3A_737 = vector.shape_cast %reduce_max3A_736 : vector<256xi32> to vector<256x1xi32>
    %eq3A_738 = arith.constant 15 : i32
    %eq3A_739 = vector.broadcast %eq3A_738 : i32 to vector<256x32xi32>
    %eq3A_740 = arith.cmpi eq, %iota3A_27, %eq3A_739 : vector<256x32xi32>
    %broadcast_in_dim3A_741 = vector.shape_cast %broadcast_in_dim3A_718 : vector<256x1xf32> to vector<256x1xf32>
    %broadcast_in_dim3A_742 = vector.broadcast %broadcast_in_dim3A_741 : vector<256x1xf32> to vector<256x32xf32>
    %select_n3A_743 = arith.select %eq3A_740, %broadcast_in_dim3A_742, %select_n3A_697 : vector<256x32xi1>, vector<256x32xf32>
    %eq3A_744 = arith.constant 15 : i32
    %eq3A_745 = vector.broadcast %eq3A_744 : i32 to vector<256x32xi32>
    %eq3A_746 = arith.cmpi eq, %iota3A_27, %eq3A_745 : vector<256x32xi32>
    %mul3A_747 = arith.constant 32 : i32
    %mul3A_748 = vector.broadcast %mul3A_747 : i32 to vector<256x1xi32>
    %mul3A_749 = arith.muli %broadcast_in_dim3A_737, %mul3A_748 : vector<256x1xi32>
    %and3A_750 = arith.constant 31 : i32
    %and3A_751 = vector.broadcast %and3A_750 : i32 to vector<256x1xi32>
    %and3A_752 = arith.andi %broadcast_in_dim3A_726, %and3A_751 : vector<256x1xi32>
    %add3A_753 = arith.addi %mul3A_749, %and3A_752 : vector<256x1xi32>
    %broadcast_in_dim3A_754 = vector.shape_cast %add3A_753 : vector<256x1xi32> to vector<256x1xi32>
    %broadcast_in_dim3A_755 = vector.broadcast %broadcast_in_dim3A_754 : vector<256x1xi32> to vector<256x32xi32>
    %select_n3A_756 = arith.select %eq3A_746, %broadcast_in_dim3A_755, %select_n3A_710 : vector<256x32xi1>, vector<256x32xi32>
    %eq3A_757 = vector.broadcast %broadcast_in_dim3A_726 : vector<256x1xi32> to vector<256x1024xi32>
    %eq3A_758 = arith.cmpi eq, %iota3A, %eq3A_757 : vector<256x1024xi32>
    %jit3A_759 = arith.constant 0xFF800000 : f32
    %broadcast_in_dim3A_760 = vector.broadcast %jit3A_759 : f32 to vector<256x1024xf32>
    %select_n3A_761 = arith.select %eq3A_758, %broadcast_in_dim3A_760, %select_n3A_715 : vector<256x1024xi1>, vector<256x1024xf32>
    %reduce_max3A_762 = arith.constant dense<0xFF800000> : vector<256xf32>
    %reduce_max3A_763 = vector.multi_reduction <maximumf>, %select_n3A_761, %reduce_max3A_762 [1] : vector<256x1024xf32> to vector<256xf32>
    %broadcast_in_dim3A_764 = vector.shape_cast %reduce_max3A_763 : vector<256xf32> to vector<256x1xf32>
    %eq3A_765 = vector.broadcast %broadcast_in_dim3A_764 : vector<256x1xf32> to vector<256x1024xf32>
    %eq3A_766 = arith.cmpf oeq, %select_n3A_761, %eq3A_765 : vector<256x1024xf32>
    %jit3A_767 = arith.constant 1073741824 : i32
    %broadcast_in_dim3A_768 = vector.broadcast %jit3A_767 : i32 to vector<256x1024xi32>
    %select_n3A_769 = arith.select %eq3A_766, %iota3A, %broadcast_in_dim3A_768 : vector<256x1024xi1>, vector<256x1024xi32>
    %reduce_min3A_770 = arith.constant dense<2147483647> : vector<256xi32>
    %reduce_min3A_771 = vector.multi_reduction <minsi>, %select_n3A_769, %reduce_min3A_770 [1] : vector<256x1024xi32> to vector<256xi32>
    %broadcast_in_dim3A_772 = vector.shape_cast %reduce_min3A_771 : vector<256xi32> to vector<256x1xi32>
    %shift_right_arithmetic3A_773 = arith.constant 5 : i32
    %shift_right_arithmetic3A_774 = vector.broadcast %shift_right_arithmetic3A_773 : i32 to vector<256x1xi32>
    %shift_right_arithmetic3A_775 = arith.shrsi %broadcast_in_dim3A_772, %shift_right_arithmetic3A_774 : vector<256x1xi32>
    %eq3A_776 = vector.broadcast %shift_right_arithmetic3A_775 : vector<256x1xi32> to vector<256x32xi32>
    %eq3A_777 = arith.cmpi eq, %iota3A_27, %eq3A_776 : vector<256x32xi32>
    %jit3A_778 = arith.constant -1 : i32
    %broadcast_in_dim3A_779 = vector.broadcast %jit3A_778 : i32 to vector<256x32xi32>
    %select_n3A_780 = arith.select %eq3A_777, %get3A_5, %broadcast_in_dim3A_779 : vector<256x32xi1>, vector<256x32xi32>
    %reduce_max3A_781 = arith.constant dense<-2147483648> : vector<256xi32>
    %reduce_max3A_782 = vector.multi_reduction <maxsi>, %select_n3A_780, %reduce_max3A_781 [1] : vector<256x32xi32> to vector<256xi32>
    %broadcast_in_dim3A_783 = vector.shape_cast %reduce_max3A_782 : vector<256xi32> to vector<256x1xi32>
    %eq3A_784 = arith.constant 16 : i32
    %eq3A_785 = vector.broadcast %eq3A_784 : i32 to vector<256x32xi32>
    %eq3A_786 = arith.cmpi eq, %iota3A_27, %eq3A_785 : vector<256x32xi32>
    %broadcast_in_dim3A_787 = vector.shape_cast %broadcast_in_dim3A_764 : vector<256x1xf32> to vector<256x1xf32>
    %broadcast_in_dim3A_788 = vector.broadcast %broadcast_in_dim3A_787 : vector<256x1xf32> to vector<256x32xf32>
    %select_n3A_789 = arith.select %eq3A_786, %broadcast_in_dim3A_788, %select_n3A_743 : vector<256x32xi1>, vector<256x32xf32>
    %eq3A_790 = arith.constant 16 : i32
    %eq3A_791 = vector.broadcast %eq3A_790 : i32 to vector<256x32xi32>
    %eq3A_792 = arith.cmpi eq, %iota3A_27, %eq3A_791 : vector<256x32xi32>
    %mul3A_793 = arith.constant 32 : i32
    %mul3A_794 = vector.broadcast %mul3A_793 : i32 to vector<256x1xi32>
    %mul3A_795 = arith.muli %broadcast_in_dim3A_783, %mul3A_794 : vector<256x1xi32>
    %and3A_796 = arith.constant 31 : i32
    %and3A_797 = vector.broadcast %and3A_796 : i32 to vector<256x1xi32>
    %and3A_798 = arith.andi %broadcast_in_dim3A_772, %and3A_797 : vector<256x1xi32>
    %add3A_799 = arith.addi %mul3A_795, %and3A_798 : vector<256x1xi32>
    %broadcast_in_dim3A_800 = vector.shape_cast %add3A_799 : vector<256x1xi32> to vector<256x1xi32>
    %broadcast_in_dim3A_801 = vector.broadcast %broadcast_in_dim3A_800 : vector<256x1xi32> to vector<256x32xi32>
    %select_n3A_802 = arith.select %eq3A_792, %broadcast_in_dim3A_801, %select_n3A_756 : vector<256x32xi1>, vector<256x32xi32>
    %eq3A_803 = vector.broadcast %broadcast_in_dim3A_772 : vector<256x1xi32> to vector<256x1024xi32>
    %eq3A_804 = arith.cmpi eq, %iota3A, %eq3A_803 : vector<256x1024xi32>
    %jit3A_805 = arith.constant 0xFF800000 : f32
    %broadcast_in_dim3A_806 = vector.broadcast %jit3A_805 : f32 to vector<256x1024xf32>
    %select_n3A_807 = arith.select %eq3A_804, %broadcast_in_dim3A_806, %select_n3A_761 : vector<256x1024xi1>, vector<256x1024xf32>
    %reduce_max3A_808 = arith.constant dense<0xFF800000> : vector<256xf32>
    %reduce_max3A_809 = vector.multi_reduction <maximumf>, %select_n3A_807, %reduce_max3A_808 [1] : vector<256x1024xf32> to vector<256xf32>
    %broadcast_in_dim3A_810 = vector.shape_cast %reduce_max3A_809 : vector<256xf32> to vector<256x1xf32>
    %eq3A_811 = vector.broadcast %broadcast_in_dim3A_810 : vector<256x1xf32> to vector<256x1024xf32>
    %eq3A_812 = arith.cmpf oeq, %select_n3A_807, %eq3A_811 : vector<256x1024xf32>
    %jit3A_813 = arith.constant 1073741824 : i32
    %broadcast_in_dim3A_814 = vector.broadcast %jit3A_813 : i32 to vector<256x1024xi32>
    %select_n3A_815 = arith.select %eq3A_812, %iota3A, %broadcast_in_dim3A_814 : vector<256x1024xi1>, vector<256x1024xi32>
    %reduce_min3A_816 = arith.constant dense<2147483647> : vector<256xi32>
    %reduce_min3A_817 = vector.multi_reduction <minsi>, %select_n3A_815, %reduce_min3A_816 [1] : vector<256x1024xi32> to vector<256xi32>
    %broadcast_in_dim3A_818 = vector.shape_cast %reduce_min3A_817 : vector<256xi32> to vector<256x1xi32>
    %shift_right_arithmetic3A_819 = arith.constant 5 : i32
    %shift_right_arithmetic3A_820 = vector.broadcast %shift_right_arithmetic3A_819 : i32 to vector<256x1xi32>
    %shift_right_arithmetic3A_821 = arith.shrsi %broadcast_in_dim3A_818, %shift_right_arithmetic3A_820 : vector<256x1xi32>
    %eq3A_822 = vector.broadcast %shift_right_arithmetic3A_821 : vector<256x1xi32> to vector<256x32xi32>
    %eq3A_823 = arith.cmpi eq, %iota3A_27, %eq3A_822 : vector<256x32xi32>
    %jit3A_824 = arith.constant -1 : i32
    %broadcast_in_dim3A_825 = vector.broadcast %jit3A_824 : i32 to vector<256x32xi32>
    %select_n3A_826 = arith.select %eq3A_823, %get3A_5, %broadcast_in_dim3A_825 : vector<256x32xi1>, vector<256x32xi32>
    %reduce_max3A_827 = arith.constant dense<-2147483648> : vector<256xi32>
    %reduce_max3A_828 = vector.multi_reduction <maxsi>, %select_n3A_826, %reduce_max3A_827 [1] : vector<256x32xi32> to vector<256xi32>
    %broadcast_in_dim3A_829 = vector.shape_cast %reduce_max3A_828 : vector<256xi32> to vector<256x1xi32>
    %eq3A_830 = arith.constant 17 : i32
    %eq3A_831 = vector.broadcast %eq3A_830 : i32 to vector<256x32xi32>
    %eq3A_832 = arith.cmpi eq, %iota3A_27, %eq3A_831 : vector<256x32xi32>
    %broadcast_in_dim3A_833 = vector.shape_cast %broadcast_in_dim3A_810 : vector<256x1xf32> to vector<256x1xf32>
    %broadcast_in_dim3A_834 = vector.broadcast %broadcast_in_dim3A_833 : vector<256x1xf32> to vector<256x32xf32>
    %select_n3A_835 = arith.select %eq3A_832, %broadcast_in_dim3A_834, %select_n3A_789 : vector<256x32xi1>, vector<256x32xf32>
    %eq3A_836 = arith.constant 17 : i32
    %eq3A_837 = vector.broadcast %eq3A_836 : i32 to vector<256x32xi32>
    %eq3A_838 = arith.cmpi eq, %iota3A_27, %eq3A_837 : vector<256x32xi32>
    %mul3A_839 = arith.constant 32 : i32
    %mul3A_840 = vector.broadcast %mul3A_839 : i32 to vector<256x1xi32>
    %mul3A_841 = arith.muli %broadcast_in_dim3A_829, %mul3A_840 : vector<256x1xi32>
    %and3A_842 = arith.constant 31 : i32
    %and3A_843 = vector.broadcast %and3A_842 : i32 to vector<256x1xi32>
    %and3A_844 = arith.andi %broadcast_in_dim3A_818, %and3A_843 : vector<256x1xi32>
    %add3A_845 = arith.addi %mul3A_841, %and3A_844 : vector<256x1xi32>
    %broadcast_in_dim3A_846 = vector.shape_cast %add3A_845 : vector<256x1xi32> to vector<256x1xi32>
    %broadcast_in_dim3A_847 = vector.broadcast %broadcast_in_dim3A_846 : vector<256x1xi32> to vector<256x32xi32>
    %select_n3A_848 = arith.select %eq3A_838, %broadcast_in_dim3A_847, %select_n3A_802 : vector<256x32xi1>, vector<256x32xi32>
    %eq3A_849 = vector.broadcast %broadcast_in_dim3A_818 : vector<256x1xi32> to vector<256x1024xi32>
    %eq3A_850 = arith.cmpi eq, %iota3A, %eq3A_849 : vector<256x1024xi32>
    %jit3A_851 = arith.constant 0xFF800000 : f32
    %broadcast_in_dim3A_852 = vector.broadcast %jit3A_851 : f32 to vector<256x1024xf32>
    %select_n3A_853 = arith.select %eq3A_850, %broadcast_in_dim3A_852, %select_n3A_807 : vector<256x1024xi1>, vector<256x1024xf32>
    %reduce_max3A_854 = arith.constant dense<0xFF800000> : vector<256xf32>
    %reduce_max3A_855 = vector.multi_reduction <maximumf>, %select_n3A_853, %reduce_max3A_854 [1] : vector<256x1024xf32> to vector<256xf32>
    %broadcast_in_dim3A_856 = vector.shape_cast %reduce_max3A_855 : vector<256xf32> to vector<256x1xf32>
    %eq3A_857 = vector.broadcast %broadcast_in_dim3A_856 : vector<256x1xf32> to vector<256x1024xf32>
    %eq3A_858 = arith.cmpf oeq, %select_n3A_853, %eq3A_857 : vector<256x1024xf32>
    %jit3A_859 = arith.constant 1073741824 : i32
    %broadcast_in_dim3A_860 = vector.broadcast %jit3A_859 : i32 to vector<256x1024xi32>
    %select_n3A_861 = arith.select %eq3A_858, %iota3A, %broadcast_in_dim3A_860 : vector<256x1024xi1>, vector<256x1024xi32>
    %reduce_min3A_862 = arith.constant dense<2147483647> : vector<256xi32>
    %reduce_min3A_863 = vector.multi_reduction <minsi>, %select_n3A_861, %reduce_min3A_862 [1] : vector<256x1024xi32> to vector<256xi32>
    %broadcast_in_dim3A_864 = vector.shape_cast %reduce_min3A_863 : vector<256xi32> to vector<256x1xi32>
    %shift_right_arithmetic3A_865 = arith.constant 5 : i32
    %shift_right_arithmetic3A_866 = vector.broadcast %shift_right_arithmetic3A_865 : i32 to vector<256x1xi32>
    %shift_right_arithmetic3A_867 = arith.shrsi %broadcast_in_dim3A_864, %shift_right_arithmetic3A_866 : vector<256x1xi32>
    %eq3A_868 = vector.broadcast %shift_right_arithmetic3A_867 : vector<256x1xi32> to vector<256x32xi32>
    %eq3A_869 = arith.cmpi eq, %iota3A_27, %eq3A_868 : vector<256x32xi32>
    %jit3A_870 = arith.constant -1 : i32
    %broadcast_in_dim3A_871 = vector.broadcast %jit3A_870 : i32 to vector<256x32xi32>
    %select_n3A_872 = arith.select %eq3A_869, %get3A_5, %broadcast_in_dim3A_871 : vector<256x32xi1>, vector<256x32xi32>
    %reduce_max3A_873 = arith.constant dense<-2147483648> : vector<256xi32>
    %reduce_max3A_874 = vector.multi_reduction <maxsi>, %select_n3A_872, %reduce_max3A_873 [1] : vector<256x32xi32> to vector<256xi32>
    %broadcast_in_dim3A_875 = vector.shape_cast %reduce_max3A_874 : vector<256xi32> to vector<256x1xi32>
    %eq3A_876 = arith.constant 18 : i32
    %eq3A_877 = vector.broadcast %eq3A_876 : i32 to vector<256x32xi32>
    %eq3A_878 = arith.cmpi eq, %iota3A_27, %eq3A_877 : vector<256x32xi32>
    %broadcast_in_dim3A_879 = vector.shape_cast %broadcast_in_dim3A_856 : vector<256x1xf32> to vector<256x1xf32>
    %broadcast_in_dim3A_880 = vector.broadcast %broadcast_in_dim3A_879 : vector<256x1xf32> to vector<256x32xf32>
    %select_n3A_881 = arith.select %eq3A_878, %broadcast_in_dim3A_880, %select_n3A_835 : vector<256x32xi1>, vector<256x32xf32>
    %eq3A_882 = arith.constant 18 : i32
    %eq3A_883 = vector.broadcast %eq3A_882 : i32 to vector<256x32xi32>
    %eq3A_884 = arith.cmpi eq, %iota3A_27, %eq3A_883 : vector<256x32xi32>
    %mul3A_885 = arith.constant 32 : i32
    %mul3A_886 = vector.broadcast %mul3A_885 : i32 to vector<256x1xi32>
    %mul3A_887 = arith.muli %broadcast_in_dim3A_875, %mul3A_886 : vector<256x1xi32>
    %and3A_888 = arith.constant 31 : i32
    %and3A_889 = vector.broadcast %and3A_888 : i32 to vector<256x1xi32>
    %and3A_890 = arith.andi %broadcast_in_dim3A_864, %and3A_889 : vector<256x1xi32>
    %add3A_891 = arith.addi %mul3A_887, %and3A_890 : vector<256x1xi32>
    %broadcast_in_dim3A_892 = vector.shape_cast %add3A_891 : vector<256x1xi32> to vector<256x1xi32>
    %broadcast_in_dim3A_893 = vector.broadcast %broadcast_in_dim3A_892 : vector<256x1xi32> to vector<256x32xi32>
    %select_n3A_894 = arith.select %eq3A_884, %broadcast_in_dim3A_893, %select_n3A_848 : vector<256x32xi1>, vector<256x32xi32>
    %eq3A_895 = vector.broadcast %broadcast_in_dim3A_864 : vector<256x1xi32> to vector<256x1024xi32>
    %eq3A_896 = arith.cmpi eq, %iota3A, %eq3A_895 : vector<256x1024xi32>
    %jit3A_897 = arith.constant 0xFF800000 : f32
    %broadcast_in_dim3A_898 = vector.broadcast %jit3A_897 : f32 to vector<256x1024xf32>
    %select_n3A_899 = arith.select %eq3A_896, %broadcast_in_dim3A_898, %select_n3A_853 : vector<256x1024xi1>, vector<256x1024xf32>
    %reduce_max3A_900 = arith.constant dense<0xFF800000> : vector<256xf32>
    %reduce_max3A_901 = vector.multi_reduction <maximumf>, %select_n3A_899, %reduce_max3A_900 [1] : vector<256x1024xf32> to vector<256xf32>
    %broadcast_in_dim3A_902 = vector.shape_cast %reduce_max3A_901 : vector<256xf32> to vector<256x1xf32>
    %eq3A_903 = vector.broadcast %broadcast_in_dim3A_902 : vector<256x1xf32> to vector<256x1024xf32>
    %eq3A_904 = arith.cmpf oeq, %select_n3A_899, %eq3A_903 : vector<256x1024xf32>
    %jit3A_905 = arith.constant 1073741824 : i32
    %broadcast_in_dim3A_906 = vector.broadcast %jit3A_905 : i32 to vector<256x1024xi32>
    %select_n3A_907 = arith.select %eq3A_904, %iota3A, %broadcast_in_dim3A_906 : vector<256x1024xi1>, vector<256x1024xi32>
    %reduce_min3A_908 = arith.constant dense<2147483647> : vector<256xi32>
    %reduce_min3A_909 = vector.multi_reduction <minsi>, %select_n3A_907, %reduce_min3A_908 [1] : vector<256x1024xi32> to vector<256xi32>
    %broadcast_in_dim3A_910 = vector.shape_cast %reduce_min3A_909 : vector<256xi32> to vector<256x1xi32>
    %shift_right_arithmetic3A_911 = arith.constant 5 : i32
    %shift_right_arithmetic3A_912 = vector.broadcast %shift_right_arithmetic3A_911 : i32 to vector<256x1xi32>
    %shift_right_arithmetic3A_913 = arith.shrsi %broadcast_in_dim3A_910, %shift_right_arithmetic3A_912 : vector<256x1xi32>
    %eq3A_914 = vector.broadcast %shift_right_arithmetic3A_913 : vector<256x1xi32> to vector<256x32xi32>
    %eq3A_915 = arith.cmpi eq, %iota3A_27, %eq3A_914 : vector<256x32xi32>
    %jit3A_916 = arith.constant -1 : i32
    %broadcast_in_dim3A_917 = vector.broadcast %jit3A_916 : i32 to vector<256x32xi32>
    %select_n3A_918 = arith.select %eq3A_915, %get3A_5, %broadcast_in_dim3A_917 : vector<256x32xi1>, vector<256x32xi32>
    %reduce_max3A_919 = arith.constant dense<-2147483648> : vector<256xi32>
    %reduce_max3A_920 = vector.multi_reduction <maxsi>, %select_n3A_918, %reduce_max3A_919 [1] : vector<256x32xi32> to vector<256xi32>
    %broadcast_in_dim3A_921 = vector.shape_cast %reduce_max3A_920 : vector<256xi32> to vector<256x1xi32>
    %eq3A_922 = arith.constant 19 : i32
    %eq3A_923 = vector.broadcast %eq3A_922 : i32 to vector<256x32xi32>
    %eq3A_924 = arith.cmpi eq, %iota3A_27, %eq3A_923 : vector<256x32xi32>
    %broadcast_in_dim3A_925 = vector.shape_cast %broadcast_in_dim3A_902 : vector<256x1xf32> to vector<256x1xf32>
    %broadcast_in_dim3A_926 = vector.broadcast %broadcast_in_dim3A_925 : vector<256x1xf32> to vector<256x32xf32>
    %select_n3A_927 = arith.select %eq3A_924, %broadcast_in_dim3A_926, %select_n3A_881 : vector<256x32xi1>, vector<256x32xf32>
    %eq3A_928 = arith.constant 19 : i32
    %eq3A_929 = vector.broadcast %eq3A_928 : i32 to vector<256x32xi32>
    %eq3A_930 = arith.cmpi eq, %iota3A_27, %eq3A_929 : vector<256x32xi32>
    %mul3A_931 = arith.constant 32 : i32
    %mul3A_932 = vector.broadcast %mul3A_931 : i32 to vector<256x1xi32>
    %mul3A_933 = arith.muli %broadcast_in_dim3A_921, %mul3A_932 : vector<256x1xi32>
    %and3A_934 = arith.constant 31 : i32
    %and3A_935 = vector.broadcast %and3A_934 : i32 to vector<256x1xi32>
    %and3A_936 = arith.andi %broadcast_in_dim3A_910, %and3A_935 : vector<256x1xi32>
    %add3A_937 = arith.addi %mul3A_933, %and3A_936 : vector<256x1xi32>
    %broadcast_in_dim3A_938 = vector.shape_cast %add3A_937 : vector<256x1xi32> to vector<256x1xi32>
    %broadcast_in_dim3A_939 = vector.broadcast %broadcast_in_dim3A_938 : vector<256x1xi32> to vector<256x32xi32>
    %select_n3A_940 = arith.select %eq3A_930, %broadcast_in_dim3A_939, %select_n3A_894 : vector<256x32xi1>, vector<256x32xi32>
    %eq3A_941 = vector.broadcast %broadcast_in_dim3A_910 : vector<256x1xi32> to vector<256x1024xi32>
    %eq3A_942 = arith.cmpi eq, %iota3A, %eq3A_941 : vector<256x1024xi32>
    %jit3A_943 = arith.constant 0xFF800000 : f32
    %broadcast_in_dim3A_944 = vector.broadcast %jit3A_943 : f32 to vector<256x1024xf32>
    %select_n3A_945 = arith.select %eq3A_942, %broadcast_in_dim3A_944, %select_n3A_899 : vector<256x1024xi1>, vector<256x1024xf32>
    %reduce_max3A_946 = arith.constant dense<0xFF800000> : vector<256xf32>
    %reduce_max3A_947 = vector.multi_reduction <maximumf>, %select_n3A_945, %reduce_max3A_946 [1] : vector<256x1024xf32> to vector<256xf32>
    %broadcast_in_dim3A_948 = vector.shape_cast %reduce_max3A_947 : vector<256xf32> to vector<256x1xf32>
    %eq3A_949 = vector.broadcast %broadcast_in_dim3A_948 : vector<256x1xf32> to vector<256x1024xf32>
    %eq3A_950 = arith.cmpf oeq, %select_n3A_945, %eq3A_949 : vector<256x1024xf32>
    %jit3A_951 = arith.constant 1073741824 : i32
    %broadcast_in_dim3A_952 = vector.broadcast %jit3A_951 : i32 to vector<256x1024xi32>
    %select_n3A_953 = arith.select %eq3A_950, %iota3A, %broadcast_in_dim3A_952 : vector<256x1024xi1>, vector<256x1024xi32>
    %reduce_min3A_954 = arith.constant dense<2147483647> : vector<256xi32>
    %reduce_min3A_955 = vector.multi_reduction <minsi>, %select_n3A_953, %reduce_min3A_954 [1] : vector<256x1024xi32> to vector<256xi32>
    %broadcast_in_dim3A_956 = vector.shape_cast %reduce_min3A_955 : vector<256xi32> to vector<256x1xi32>
    %shift_right_arithmetic3A_957 = arith.constant 5 : i32
    %shift_right_arithmetic3A_958 = vector.broadcast %shift_right_arithmetic3A_957 : i32 to vector<256x1xi32>
    %shift_right_arithmetic3A_959 = arith.shrsi %broadcast_in_dim3A_956, %shift_right_arithmetic3A_958 : vector<256x1xi32>
    %eq3A_960 = vector.broadcast %shift_right_arithmetic3A_959 : vector<256x1xi32> to vector<256x32xi32>
    %eq3A_961 = arith.cmpi eq, %iota3A_27, %eq3A_960 : vector<256x32xi32>
    %jit3A_962 = arith.constant -1 : i32
    %broadcast_in_dim3A_963 = vector.broadcast %jit3A_962 : i32 to vector<256x32xi32>
    %select_n3A_964 = arith.select %eq3A_961, %get3A_5, %broadcast_in_dim3A_963 : vector<256x32xi1>, vector<256x32xi32>
    %reduce_max3A_965 = arith.constant dense<-2147483648> : vector<256xi32>
    %reduce_max3A_966 = vector.multi_reduction <maxsi>, %select_n3A_964, %reduce_max3A_965 [1] : vector<256x32xi32> to vector<256xi32>
    %broadcast_in_dim3A_967 = vector.shape_cast %reduce_max3A_966 : vector<256xi32> to vector<256x1xi32>
    %eq3A_968 = arith.constant 20 : i32
    %eq3A_969 = vector.broadcast %eq3A_968 : i32 to vector<256x32xi32>
    %eq3A_970 = arith.cmpi eq, %iota3A_27, %eq3A_969 : vector<256x32xi32>
    %broadcast_in_dim3A_971 = vector.shape_cast %broadcast_in_dim3A_948 : vector<256x1xf32> to vector<256x1xf32>
    %broadcast_in_dim3A_972 = vector.broadcast %broadcast_in_dim3A_971 : vector<256x1xf32> to vector<256x32xf32>
    %select_n3A_973 = arith.select %eq3A_970, %broadcast_in_dim3A_972, %select_n3A_927 : vector<256x32xi1>, vector<256x32xf32>
    %eq3A_974 = arith.constant 20 : i32
    %eq3A_975 = vector.broadcast %eq3A_974 : i32 to vector<256x32xi32>
    %eq3A_976 = arith.cmpi eq, %iota3A_27, %eq3A_975 : vector<256x32xi32>
    %mul3A_977 = arith.constant 32 : i32
    %mul3A_978 = vector.broadcast %mul3A_977 : i32 to vector<256x1xi32>
    %mul3A_979 = arith.muli %broadcast_in_dim3A_967, %mul3A_978 : vector<256x1xi32>
    %and3A_980 = arith.constant 31 : i32
    %and3A_981 = vector.broadcast %and3A_980 : i32 to vector<256x1xi32>
    %and3A_982 = arith.andi %broadcast_in_dim3A_956, %and3A_981 : vector<256x1xi32>
    %add3A_983 = arith.addi %mul3A_979, %and3A_982 : vector<256x1xi32>
    %broadcast_in_dim3A_984 = vector.shape_cast %add3A_983 : vector<256x1xi32> to vector<256x1xi32>
    %broadcast_in_dim3A_985 = vector.broadcast %broadcast_in_dim3A_984 : vector<256x1xi32> to vector<256x32xi32>
    %select_n3A_986 = arith.select %eq3A_976, %broadcast_in_dim3A_985, %select_n3A_940 : vector<256x32xi1>, vector<256x32xi32>
    %eq3A_987 = vector.broadcast %broadcast_in_dim3A_956 : vector<256x1xi32> to vector<256x1024xi32>
    %eq3A_988 = arith.cmpi eq, %iota3A, %eq3A_987 : vector<256x1024xi32>
    %jit3A_989 = arith.constant 0xFF800000 : f32
    %broadcast_in_dim3A_990 = vector.broadcast %jit3A_989 : f32 to vector<256x1024xf32>
    %select_n3A_991 = arith.select %eq3A_988, %broadcast_in_dim3A_990, %select_n3A_945 : vector<256x1024xi1>, vector<256x1024xf32>
    %reduce_max3A_992 = arith.constant dense<0xFF800000> : vector<256xf32>
    %reduce_max3A_993 = vector.multi_reduction <maximumf>, %select_n3A_991, %reduce_max3A_992 [1] : vector<256x1024xf32> to vector<256xf32>
    %broadcast_in_dim3A_994 = vector.shape_cast %reduce_max3A_993 : vector<256xf32> to vector<256x1xf32>
    %eq3A_995 = vector.broadcast %broadcast_in_dim3A_994 : vector<256x1xf32> to vector<256x1024xf32>
    %eq3A_996 = arith.cmpf oeq, %select_n3A_991, %eq3A_995 : vector<256x1024xf32>
    %jit3A_997 = arith.constant 1073741824 : i32
    %broadcast_in_dim3A_998 = vector.broadcast %jit3A_997 : i32 to vector<256x1024xi32>
    %select_n3A_999 = arith.select %eq3A_996, %iota3A, %broadcast_in_dim3A_998 : vector<256x1024xi1>, vector<256x1024xi32>
    %reduce_min3A_1000 = arith.constant dense<2147483647> : vector<256xi32>
    %reduce_min3A_1001 = vector.multi_reduction <minsi>, %select_n3A_999, %reduce_min3A_1000 [1] : vector<256x1024xi32> to vector<256xi32>
    %broadcast_in_dim3A_1002 = vector.shape_cast %reduce_min3A_1001 : vector<256xi32> to vector<256x1xi32>
    %shift_right_arithmetic3A_1003 = arith.constant 5 : i32
    %shift_right_arithmetic3A_1004 = vector.broadcast %shift_right_arithmetic3A_1003 : i32 to vector<256x1xi32>
    %shift_right_arithmetic3A_1005 = arith.shrsi %broadcast_in_dim3A_1002, %shift_right_arithmetic3A_1004 : vector<256x1xi32>
    %eq3A_1006 = vector.broadcast %shift_right_arithmetic3A_1005 : vector<256x1xi32> to vector<256x32xi32>
    %eq3A_1007 = arith.cmpi eq, %iota3A_27, %eq3A_1006 : vector<256x32xi32>
    %jit3A_1008 = arith.constant -1 : i32
    %broadcast_in_dim3A_1009 = vector.broadcast %jit3A_1008 : i32 to vector<256x32xi32>
    %select_n3A_1010 = arith.select %eq3A_1007, %get3A_5, %broadcast_in_dim3A_1009 : vector<256x32xi1>, vector<256x32xi32>
    %reduce_max3A_1011 = arith.constant dense<-2147483648> : vector<256xi32>
    %reduce_max3A_1012 = vector.multi_reduction <maxsi>, %select_n3A_1010, %reduce_max3A_1011 [1] : vector<256x32xi32> to vector<256xi32>
    %broadcast_in_dim3A_1013 = vector.shape_cast %reduce_max3A_1012 : vector<256xi32> to vector<256x1xi32>
    %eq3A_1014 = arith.constant 21 : i32
    %eq3A_1015 = vector.broadcast %eq3A_1014 : i32 to vector<256x32xi32>
    %eq3A_1016 = arith.cmpi eq, %iota3A_27, %eq3A_1015 : vector<256x32xi32>
    %broadcast_in_dim3A_1017 = vector.shape_cast %broadcast_in_dim3A_994 : vector<256x1xf32> to vector<256x1xf32>
    %broadcast_in_dim3A_1018 = vector.broadcast %broadcast_in_dim3A_1017 : vector<256x1xf32> to vector<256x32xf32>
    %select_n3A_1019 = arith.select %eq3A_1016, %broadcast_in_dim3A_1018, %select_n3A_973 : vector<256x32xi1>, vector<256x32xf32>
    %eq3A_1020 = arith.constant 21 : i32
    %eq3A_1021 = vector.broadcast %eq3A_1020 : i32 to vector<256x32xi32>
    %eq3A_1022 = arith.cmpi eq, %iota3A_27, %eq3A_1021 : vector<256x32xi32>
    %mul3A_1023 = arith.constant 32 : i32
    %mul3A_1024 = vector.broadcast %mul3A_1023 : i32 to vector<256x1xi32>
    %mul3A_1025 = arith.muli %broadcast_in_dim3A_1013, %mul3A_1024 : vector<256x1xi32>
    %and3A_1026 = arith.constant 31 : i32
    %and3A_1027 = vector.broadcast %and3A_1026 : i32 to vector<256x1xi32>
    %and3A_1028 = arith.andi %broadcast_in_dim3A_1002, %and3A_1027 : vector<256x1xi32>
    %add3A_1029 = arith.addi %mul3A_1025, %and3A_1028 : vector<256x1xi32>
    %broadcast_in_dim3A_1030 = vector.shape_cast %add3A_1029 : vector<256x1xi32> to vector<256x1xi32>
    %broadcast_in_dim3A_1031 = vector.broadcast %broadcast_in_dim3A_1030 : vector<256x1xi32> to vector<256x32xi32>
    %select_n3A_1032 = arith.select %eq3A_1022, %broadcast_in_dim3A_1031, %select_n3A_986 : vector<256x32xi1>, vector<256x32xi32>
    %eq3A_1033 = vector.broadcast %broadcast_in_dim3A_1002 : vector<256x1xi32> to vector<256x1024xi32>
    %eq3A_1034 = arith.cmpi eq, %iota3A, %eq3A_1033 : vector<256x1024xi32>
    %jit3A_1035 = arith.constant 0xFF800000 : f32
    %broadcast_in_dim3A_1036 = vector.broadcast %jit3A_1035 : f32 to vector<256x1024xf32>
    %select_n3A_1037 = arith.select %eq3A_1034, %broadcast_in_dim3A_1036, %select_n3A_991 : vector<256x1024xi1>, vector<256x1024xf32>
    %reduce_max3A_1038 = arith.constant dense<0xFF800000> : vector<256xf32>
    %reduce_max3A_1039 = vector.multi_reduction <maximumf>, %select_n3A_1037, %reduce_max3A_1038 [1] : vector<256x1024xf32> to vector<256xf32>
    %broadcast_in_dim3A_1040 = vector.shape_cast %reduce_max3A_1039 : vector<256xf32> to vector<256x1xf32>
    %eq3A_1041 = vector.broadcast %broadcast_in_dim3A_1040 : vector<256x1xf32> to vector<256x1024xf32>
    %eq3A_1042 = arith.cmpf oeq, %select_n3A_1037, %eq3A_1041 : vector<256x1024xf32>
    %jit3A_1043 = arith.constant 1073741824 : i32
    %broadcast_in_dim3A_1044 = vector.broadcast %jit3A_1043 : i32 to vector<256x1024xi32>
    %select_n3A_1045 = arith.select %eq3A_1042, %iota3A, %broadcast_in_dim3A_1044 : vector<256x1024xi1>, vector<256x1024xi32>
    %reduce_min3A_1046 = arith.constant dense<2147483647> : vector<256xi32>
    %reduce_min3A_1047 = vector.multi_reduction <minsi>, %select_n3A_1045, %reduce_min3A_1046 [1] : vector<256x1024xi32> to vector<256xi32>
    %broadcast_in_dim3A_1048 = vector.shape_cast %reduce_min3A_1047 : vector<256xi32> to vector<256x1xi32>
    %shift_right_arithmetic3A_1049 = arith.constant 5 : i32
    %shift_right_arithmetic3A_1050 = vector.broadcast %shift_right_arithmetic3A_1049 : i32 to vector<256x1xi32>
    %shift_right_arithmetic3A_1051 = arith.shrsi %broadcast_in_dim3A_1048, %shift_right_arithmetic3A_1050 : vector<256x1xi32>
    %eq3A_1052 = vector.broadcast %shift_right_arithmetic3A_1051 : vector<256x1xi32> to vector<256x32xi32>
    %eq3A_1053 = arith.cmpi eq, %iota3A_27, %eq3A_1052 : vector<256x32xi32>
    %jit3A_1054 = arith.constant -1 : i32
    %broadcast_in_dim3A_1055 = vector.broadcast %jit3A_1054 : i32 to vector<256x32xi32>
    %select_n3A_1056 = arith.select %eq3A_1053, %get3A_5, %broadcast_in_dim3A_1055 : vector<256x32xi1>, vector<256x32xi32>
    %reduce_max3A_1057 = arith.constant dense<-2147483648> : vector<256xi32>
    %reduce_max3A_1058 = vector.multi_reduction <maxsi>, %select_n3A_1056, %reduce_max3A_1057 [1] : vector<256x32xi32> to vector<256xi32>
    %broadcast_in_dim3A_1059 = vector.shape_cast %reduce_max3A_1058 : vector<256xi32> to vector<256x1xi32>
    %eq3A_1060 = arith.constant 22 : i32
    %eq3A_1061 = vector.broadcast %eq3A_1060 : i32 to vector<256x32xi32>
    %eq3A_1062 = arith.cmpi eq, %iota3A_27, %eq3A_1061 : vector<256x32xi32>
    %broadcast_in_dim3A_1063 = vector.shape_cast %broadcast_in_dim3A_1040 : vector<256x1xf32> to vector<256x1xf32>
    %broadcast_in_dim3A_1064 = vector.broadcast %broadcast_in_dim3A_1063 : vector<256x1xf32> to vector<256x32xf32>
    %select_n3A_1065 = arith.select %eq3A_1062, %broadcast_in_dim3A_1064, %select_n3A_1019 : vector<256x32xi1>, vector<256x32xf32>
    %eq3A_1066 = arith.constant 22 : i32
    %eq3A_1067 = vector.broadcast %eq3A_1066 : i32 to vector<256x32xi32>
    %eq3A_1068 = arith.cmpi eq, %iota3A_27, %eq3A_1067 : vector<256x32xi32>
    %mul3A_1069 = arith.constant 32 : i32
    %mul3A_1070 = vector.broadcast %mul3A_1069 : i32 to vector<256x1xi32>
    %mul3A_1071 = arith.muli %broadcast_in_dim3A_1059, %mul3A_1070 : vector<256x1xi32>
    %and3A_1072 = arith.constant 31 : i32
    %and3A_1073 = vector.broadcast %and3A_1072 : i32 to vector<256x1xi32>
    %and3A_1074 = arith.andi %broadcast_in_dim3A_1048, %and3A_1073 : vector<256x1xi32>
    %add3A_1075 = arith.addi %mul3A_1071, %and3A_1074 : vector<256x1xi32>
    %broadcast_in_dim3A_1076 = vector.shape_cast %add3A_1075 : vector<256x1xi32> to vector<256x1xi32>
    %broadcast_in_dim3A_1077 = vector.broadcast %broadcast_in_dim3A_1076 : vector<256x1xi32> to vector<256x32xi32>
    %select_n3A_1078 = arith.select %eq3A_1068, %broadcast_in_dim3A_1077, %select_n3A_1032 : vector<256x32xi1>, vector<256x32xi32>
    %eq3A_1079 = vector.broadcast %broadcast_in_dim3A_1048 : vector<256x1xi32> to vector<256x1024xi32>
    %eq3A_1080 = arith.cmpi eq, %iota3A, %eq3A_1079 : vector<256x1024xi32>
    %jit3A_1081 = arith.constant 0xFF800000 : f32
    %broadcast_in_dim3A_1082 = vector.broadcast %jit3A_1081 : f32 to vector<256x1024xf32>
    %select_n3A_1083 = arith.select %eq3A_1080, %broadcast_in_dim3A_1082, %select_n3A_1037 : vector<256x1024xi1>, vector<256x1024xf32>
    %reduce_max3A_1084 = arith.constant dense<0xFF800000> : vector<256xf32>
    %reduce_max3A_1085 = vector.multi_reduction <maximumf>, %select_n3A_1083, %reduce_max3A_1084 [1] : vector<256x1024xf32> to vector<256xf32>
    %broadcast_in_dim3A_1086 = vector.shape_cast %reduce_max3A_1085 : vector<256xf32> to vector<256x1xf32>
    %eq3A_1087 = vector.broadcast %broadcast_in_dim3A_1086 : vector<256x1xf32> to vector<256x1024xf32>
    %eq3A_1088 = arith.cmpf oeq, %select_n3A_1083, %eq3A_1087 : vector<256x1024xf32>
    %jit3A_1089 = arith.constant 1073741824 : i32
    %broadcast_in_dim3A_1090 = vector.broadcast %jit3A_1089 : i32 to vector<256x1024xi32>
    %select_n3A_1091 = arith.select %eq3A_1088, %iota3A, %broadcast_in_dim3A_1090 : vector<256x1024xi1>, vector<256x1024xi32>
    %reduce_min3A_1092 = arith.constant dense<2147483647> : vector<256xi32>
    %reduce_min3A_1093 = vector.multi_reduction <minsi>, %select_n3A_1091, %reduce_min3A_1092 [1] : vector<256x1024xi32> to vector<256xi32>
    %broadcast_in_dim3A_1094 = vector.shape_cast %reduce_min3A_1093 : vector<256xi32> to vector<256x1xi32>
    %shift_right_arithmetic3A_1095 = arith.constant 5 : i32
    %shift_right_arithmetic3A_1096 = vector.broadcast %shift_right_arithmetic3A_1095 : i32 to vector<256x1xi32>
    %shift_right_arithmetic3A_1097 = arith.shrsi %broadcast_in_dim3A_1094, %shift_right_arithmetic3A_1096 : vector<256x1xi32>
    %eq3A_1098 = vector.broadcast %shift_right_arithmetic3A_1097 : vector<256x1xi32> to vector<256x32xi32>
    %eq3A_1099 = arith.cmpi eq, %iota3A_27, %eq3A_1098 : vector<256x32xi32>
    %jit3A_1100 = arith.constant -1 : i32
    %broadcast_in_dim3A_1101 = vector.broadcast %jit3A_1100 : i32 to vector<256x32xi32>
    %select_n3A_1102 = arith.select %eq3A_1099, %get3A_5, %broadcast_in_dim3A_1101 : vector<256x32xi1>, vector<256x32xi32>
    %reduce_max3A_1103 = arith.constant dense<-2147483648> : vector<256xi32>
    %reduce_max3A_1104 = vector.multi_reduction <maxsi>, %select_n3A_1102, %reduce_max3A_1103 [1] : vector<256x32xi32> to vector<256xi32>
    %broadcast_in_dim3A_1105 = vector.shape_cast %reduce_max3A_1104 : vector<256xi32> to vector<256x1xi32>
    %eq3A_1106 = arith.constant 23 : i32
    %eq3A_1107 = vector.broadcast %eq3A_1106 : i32 to vector<256x32xi32>
    %eq3A_1108 = arith.cmpi eq, %iota3A_27, %eq3A_1107 : vector<256x32xi32>
    %broadcast_in_dim3A_1109 = vector.shape_cast %broadcast_in_dim3A_1086 : vector<256x1xf32> to vector<256x1xf32>
    %broadcast_in_dim3A_1110 = vector.broadcast %broadcast_in_dim3A_1109 : vector<256x1xf32> to vector<256x32xf32>
    %select_n3A_1111 = arith.select %eq3A_1108, %broadcast_in_dim3A_1110, %select_n3A_1065 : vector<256x32xi1>, vector<256x32xf32>
    %eq3A_1112 = arith.constant 23 : i32
    %eq3A_1113 = vector.broadcast %eq3A_1112 : i32 to vector<256x32xi32>
    %eq3A_1114 = arith.cmpi eq, %iota3A_27, %eq3A_1113 : vector<256x32xi32>
    %mul3A_1115 = arith.constant 32 : i32
    %mul3A_1116 = vector.broadcast %mul3A_1115 : i32 to vector<256x1xi32>
    %mul3A_1117 = arith.muli %broadcast_in_dim3A_1105, %mul3A_1116 : vector<256x1xi32>
    %and3A_1118 = arith.constant 31 : i32
    %and3A_1119 = vector.broadcast %and3A_1118 : i32 to vector<256x1xi32>
    %and3A_1120 = arith.andi %broadcast_in_dim3A_1094, %and3A_1119 : vector<256x1xi32>
    %add3A_1121 = arith.addi %mul3A_1117, %and3A_1120 : vector<256x1xi32>
    %broadcast_in_dim3A_1122 = vector.shape_cast %add3A_1121 : vector<256x1xi32> to vector<256x1xi32>
    %broadcast_in_dim3A_1123 = vector.broadcast %broadcast_in_dim3A_1122 : vector<256x1xi32> to vector<256x32xi32>
    %select_n3A_1124 = arith.select %eq3A_1114, %broadcast_in_dim3A_1123, %select_n3A_1078 : vector<256x32xi1>, vector<256x32xi32>
    %eq3A_1125 = vector.broadcast %broadcast_in_dim3A_1094 : vector<256x1xi32> to vector<256x1024xi32>
    %eq3A_1126 = arith.cmpi eq, %iota3A, %eq3A_1125 : vector<256x1024xi32>
    %jit3A_1127 = arith.constant 0xFF800000 : f32
    %broadcast_in_dim3A_1128 = vector.broadcast %jit3A_1127 : f32 to vector<256x1024xf32>
    %select_n3A_1129 = arith.select %eq3A_1126, %broadcast_in_dim3A_1128, %select_n3A_1083 : vector<256x1024xi1>, vector<256x1024xf32>
    %reduce_max3A_1130 = arith.constant dense<0xFF800000> : vector<256xf32>
    %reduce_max3A_1131 = vector.multi_reduction <maximumf>, %select_n3A_1129, %reduce_max3A_1130 [1] : vector<256x1024xf32> to vector<256xf32>
    %broadcast_in_dim3A_1132 = vector.shape_cast %reduce_max3A_1131 : vector<256xf32> to vector<256x1xf32>
    %eq3A_1133 = vector.broadcast %broadcast_in_dim3A_1132 : vector<256x1xf32> to vector<256x1024xf32>
    %eq3A_1134 = arith.cmpf oeq, %select_n3A_1129, %eq3A_1133 : vector<256x1024xf32>
    %jit3A_1135 = arith.constant 1073741824 : i32
    %broadcast_in_dim3A_1136 = vector.broadcast %jit3A_1135 : i32 to vector<256x1024xi32>
    %select_n3A_1137 = arith.select %eq3A_1134, %iota3A, %broadcast_in_dim3A_1136 : vector<256x1024xi1>, vector<256x1024xi32>
    %reduce_min3A_1138 = arith.constant dense<2147483647> : vector<256xi32>
    %reduce_min3A_1139 = vector.multi_reduction <minsi>, %select_n3A_1137, %reduce_min3A_1138 [1] : vector<256x1024xi32> to vector<256xi32>
    %broadcast_in_dim3A_1140 = vector.shape_cast %reduce_min3A_1139 : vector<256xi32> to vector<256x1xi32>
    %shift_right_arithmetic3A_1141 = arith.constant 5 : i32
    %shift_right_arithmetic3A_1142 = vector.broadcast %shift_right_arithmetic3A_1141 : i32 to vector<256x1xi32>
    %shift_right_arithmetic3A_1143 = arith.shrsi %broadcast_in_dim3A_1140, %shift_right_arithmetic3A_1142 : vector<256x1xi32>
    %eq3A_1144 = vector.broadcast %shift_right_arithmetic3A_1143 : vector<256x1xi32> to vector<256x32xi32>
    %eq3A_1145 = arith.cmpi eq, %iota3A_27, %eq3A_1144 : vector<256x32xi32>
    %jit3A_1146 = arith.constant -1 : i32
    %broadcast_in_dim3A_1147 = vector.broadcast %jit3A_1146 : i32 to vector<256x32xi32>
    %select_n3A_1148 = arith.select %eq3A_1145, %get3A_5, %broadcast_in_dim3A_1147 : vector<256x32xi1>, vector<256x32xi32>
    %reduce_max3A_1149 = arith.constant dense<-2147483648> : vector<256xi32>
    %reduce_max3A_1150 = vector.multi_reduction <maxsi>, %select_n3A_1148, %reduce_max3A_1149 [1] : vector<256x32xi32> to vector<256xi32>
    %broadcast_in_dim3A_1151 = vector.shape_cast %reduce_max3A_1150 : vector<256xi32> to vector<256x1xi32>
    %eq3A_1152 = arith.constant 24 : i32
    %eq3A_1153 = vector.broadcast %eq3A_1152 : i32 to vector<256x32xi32>
    %eq3A_1154 = arith.cmpi eq, %iota3A_27, %eq3A_1153 : vector<256x32xi32>
    %broadcast_in_dim3A_1155 = vector.shape_cast %broadcast_in_dim3A_1132 : vector<256x1xf32> to vector<256x1xf32>
    %broadcast_in_dim3A_1156 = vector.broadcast %broadcast_in_dim3A_1155 : vector<256x1xf32> to vector<256x32xf32>
    %select_n3A_1157 = arith.select %eq3A_1154, %broadcast_in_dim3A_1156, %select_n3A_1111 : vector<256x32xi1>, vector<256x32xf32>
    %eq3A_1158 = arith.constant 24 : i32
    %eq3A_1159 = vector.broadcast %eq3A_1158 : i32 to vector<256x32xi32>
    %eq3A_1160 = arith.cmpi eq, %iota3A_27, %eq3A_1159 : vector<256x32xi32>
    %mul3A_1161 = arith.constant 32 : i32
    %mul3A_1162 = vector.broadcast %mul3A_1161 : i32 to vector<256x1xi32>
    %mul3A_1163 = arith.muli %broadcast_in_dim3A_1151, %mul3A_1162 : vector<256x1xi32>
    %and3A_1164 = arith.constant 31 : i32
    %and3A_1165 = vector.broadcast %and3A_1164 : i32 to vector<256x1xi32>
    %and3A_1166 = arith.andi %broadcast_in_dim3A_1140, %and3A_1165 : vector<256x1xi32>
    %add3A_1167 = arith.addi %mul3A_1163, %and3A_1166 : vector<256x1xi32>
    %broadcast_in_dim3A_1168 = vector.shape_cast %add3A_1167 : vector<256x1xi32> to vector<256x1xi32>
    %broadcast_in_dim3A_1169 = vector.broadcast %broadcast_in_dim3A_1168 : vector<256x1xi32> to vector<256x32xi32>
    %select_n3A_1170 = arith.select %eq3A_1160, %broadcast_in_dim3A_1169, %select_n3A_1124 : vector<256x32xi1>, vector<256x32xi32>
    %eq3A_1171 = vector.broadcast %broadcast_in_dim3A_1140 : vector<256x1xi32> to vector<256x1024xi32>
    %eq3A_1172 = arith.cmpi eq, %iota3A, %eq3A_1171 : vector<256x1024xi32>
    %jit3A_1173 = arith.constant 0xFF800000 : f32
    %broadcast_in_dim3A_1174 = vector.broadcast %jit3A_1173 : f32 to vector<256x1024xf32>
    %select_n3A_1175 = arith.select %eq3A_1172, %broadcast_in_dim3A_1174, %select_n3A_1129 : vector<256x1024xi1>, vector<256x1024xf32>
    %reduce_max3A_1176 = arith.constant dense<0xFF800000> : vector<256xf32>
    %reduce_max3A_1177 = vector.multi_reduction <maximumf>, %select_n3A_1175, %reduce_max3A_1176 [1] : vector<256x1024xf32> to vector<256xf32>
    %broadcast_in_dim3A_1178 = vector.shape_cast %reduce_max3A_1177 : vector<256xf32> to vector<256x1xf32>
    %eq3A_1179 = vector.broadcast %broadcast_in_dim3A_1178 : vector<256x1xf32> to vector<256x1024xf32>
    %eq3A_1180 = arith.cmpf oeq, %select_n3A_1175, %eq3A_1179 : vector<256x1024xf32>
    %jit3A_1181 = arith.constant 1073741824 : i32
    %broadcast_in_dim3A_1182 = vector.broadcast %jit3A_1181 : i32 to vector<256x1024xi32>
    %select_n3A_1183 = arith.select %eq3A_1180, %iota3A, %broadcast_in_dim3A_1182 : vector<256x1024xi1>, vector<256x1024xi32>
    %reduce_min3A_1184 = arith.constant dense<2147483647> : vector<256xi32>
    %reduce_min3A_1185 = vector.multi_reduction <minsi>, %select_n3A_1183, %reduce_min3A_1184 [1] : vector<256x1024xi32> to vector<256xi32>
    %broadcast_in_dim3A_1186 = vector.shape_cast %reduce_min3A_1185 : vector<256xi32> to vector<256x1xi32>
    %shift_right_arithmetic3A_1187 = arith.constant 5 : i32
    %shift_right_arithmetic3A_1188 = vector.broadcast %shift_right_arithmetic3A_1187 : i32 to vector<256x1xi32>
    %shift_right_arithmetic3A_1189 = arith.shrsi %broadcast_in_dim3A_1186, %shift_right_arithmetic3A_1188 : vector<256x1xi32>
    %eq3A_1190 = vector.broadcast %shift_right_arithmetic3A_1189 : vector<256x1xi32> to vector<256x32xi32>
    %eq3A_1191 = arith.cmpi eq, %iota3A_27, %eq3A_1190 : vector<256x32xi32>
    %jit3A_1192 = arith.constant -1 : i32
    %broadcast_in_dim3A_1193 = vector.broadcast %jit3A_1192 : i32 to vector<256x32xi32>
    %select_n3A_1194 = arith.select %eq3A_1191, %get3A_5, %broadcast_in_dim3A_1193 : vector<256x32xi1>, vector<256x32xi32>
    %reduce_max3A_1195 = arith.constant dense<-2147483648> : vector<256xi32>
    %reduce_max3A_1196 = vector.multi_reduction <maxsi>, %select_n3A_1194, %reduce_max3A_1195 [1] : vector<256x32xi32> to vector<256xi32>
    %broadcast_in_dim3A_1197 = vector.shape_cast %reduce_max3A_1196 : vector<256xi32> to vector<256x1xi32>
    %eq3A_1198 = arith.constant 25 : i32
    %eq3A_1199 = vector.broadcast %eq3A_1198 : i32 to vector<256x32xi32>
    %eq3A_1200 = arith.cmpi eq, %iota3A_27, %eq3A_1199 : vector<256x32xi32>
    %broadcast_in_dim3A_1201 = vector.shape_cast %broadcast_in_dim3A_1178 : vector<256x1xf32> to vector<256x1xf32>
    %broadcast_in_dim3A_1202 = vector.broadcast %broadcast_in_dim3A_1201 : vector<256x1xf32> to vector<256x32xf32>
    %select_n3A_1203 = arith.select %eq3A_1200, %broadcast_in_dim3A_1202, %select_n3A_1157 : vector<256x32xi1>, vector<256x32xf32>
    %eq3A_1204 = arith.constant 25 : i32
    %eq3A_1205 = vector.broadcast %eq3A_1204 : i32 to vector<256x32xi32>
    %eq3A_1206 = arith.cmpi eq, %iota3A_27, %eq3A_1205 : vector<256x32xi32>
    %mul3A_1207 = arith.constant 32 : i32
    %mul3A_1208 = vector.broadcast %mul3A_1207 : i32 to vector<256x1xi32>
    %mul3A_1209 = arith.muli %broadcast_in_dim3A_1197, %mul3A_1208 : vector<256x1xi32>
    %and3A_1210 = arith.constant 31 : i32
    %and3A_1211 = vector.broadcast %and3A_1210 : i32 to vector<256x1xi32>
    %and3A_1212 = arith.andi %broadcast_in_dim3A_1186, %and3A_1211 : vector<256x1xi32>
    %add3A_1213 = arith.addi %mul3A_1209, %and3A_1212 : vector<256x1xi32>
    %broadcast_in_dim3A_1214 = vector.shape_cast %add3A_1213 : vector<256x1xi32> to vector<256x1xi32>
    %broadcast_in_dim3A_1215 = vector.broadcast %broadcast_in_dim3A_1214 : vector<256x1xi32> to vector<256x32xi32>
    %select_n3A_1216 = arith.select %eq3A_1206, %broadcast_in_dim3A_1215, %select_n3A_1170 : vector<256x32xi1>, vector<256x32xi32>
    %eq3A_1217 = vector.broadcast %broadcast_in_dim3A_1186 : vector<256x1xi32> to vector<256x1024xi32>
    %eq3A_1218 = arith.cmpi eq, %iota3A, %eq3A_1217 : vector<256x1024xi32>
    %jit3A_1219 = arith.constant 0xFF800000 : f32
    %broadcast_in_dim3A_1220 = vector.broadcast %jit3A_1219 : f32 to vector<256x1024xf32>
    %select_n3A_1221 = arith.select %eq3A_1218, %broadcast_in_dim3A_1220, %select_n3A_1175 : vector<256x1024xi1>, vector<256x1024xf32>
    %reduce_max3A_1222 = arith.constant dense<0xFF800000> : vector<256xf32>
    %reduce_max3A_1223 = vector.multi_reduction <maximumf>, %select_n3A_1221, %reduce_max3A_1222 [1] : vector<256x1024xf32> to vector<256xf32>
    %broadcast_in_dim3A_1224 = vector.shape_cast %reduce_max3A_1223 : vector<256xf32> to vector<256x1xf32>
    %eq3A_1225 = vector.broadcast %broadcast_in_dim3A_1224 : vector<256x1xf32> to vector<256x1024xf32>
    %eq3A_1226 = arith.cmpf oeq, %select_n3A_1221, %eq3A_1225 : vector<256x1024xf32>
    %jit3A_1227 = arith.constant 1073741824 : i32
    %broadcast_in_dim3A_1228 = vector.broadcast %jit3A_1227 : i32 to vector<256x1024xi32>
    %select_n3A_1229 = arith.select %eq3A_1226, %iota3A, %broadcast_in_dim3A_1228 : vector<256x1024xi1>, vector<256x1024xi32>
    %reduce_min3A_1230 = arith.constant dense<2147483647> : vector<256xi32>
    %reduce_min3A_1231 = vector.multi_reduction <minsi>, %select_n3A_1229, %reduce_min3A_1230 [1] : vector<256x1024xi32> to vector<256xi32>
    %broadcast_in_dim3A_1232 = vector.shape_cast %reduce_min3A_1231 : vector<256xi32> to vector<256x1xi32>
    %shift_right_arithmetic3A_1233 = arith.constant 5 : i32
    %shift_right_arithmetic3A_1234 = vector.broadcast %shift_right_arithmetic3A_1233 : i32 to vector<256x1xi32>
    %shift_right_arithmetic3A_1235 = arith.shrsi %broadcast_in_dim3A_1232, %shift_right_arithmetic3A_1234 : vector<256x1xi32>
    %eq3A_1236 = vector.broadcast %shift_right_arithmetic3A_1235 : vector<256x1xi32> to vector<256x32xi32>
    %eq3A_1237 = arith.cmpi eq, %iota3A_27, %eq3A_1236 : vector<256x32xi32>
    %jit3A_1238 = arith.constant -1 : i32
    %broadcast_in_dim3A_1239 = vector.broadcast %jit3A_1238 : i32 to vector<256x32xi32>
    %select_n3A_1240 = arith.select %eq3A_1237, %get3A_5, %broadcast_in_dim3A_1239 : vector<256x32xi1>, vector<256x32xi32>
    %reduce_max3A_1241 = arith.constant dense<-2147483648> : vector<256xi32>
    %reduce_max3A_1242 = vector.multi_reduction <maxsi>, %select_n3A_1240, %reduce_max3A_1241 [1] : vector<256x32xi32> to vector<256xi32>
    %broadcast_in_dim3A_1243 = vector.shape_cast %reduce_max3A_1242 : vector<256xi32> to vector<256x1xi32>
    %eq3A_1244 = arith.constant 26 : i32
    %eq3A_1245 = vector.broadcast %eq3A_1244 : i32 to vector<256x32xi32>
    %eq3A_1246 = arith.cmpi eq, %iota3A_27, %eq3A_1245 : vector<256x32xi32>
    %broadcast_in_dim3A_1247 = vector.shape_cast %broadcast_in_dim3A_1224 : vector<256x1xf32> to vector<256x1xf32>
    %broadcast_in_dim3A_1248 = vector.broadcast %broadcast_in_dim3A_1247 : vector<256x1xf32> to vector<256x32xf32>
    %select_n3A_1249 = arith.select %eq3A_1246, %broadcast_in_dim3A_1248, %select_n3A_1203 : vector<256x32xi1>, vector<256x32xf32>
    %eq3A_1250 = arith.constant 26 : i32
    %eq3A_1251 = vector.broadcast %eq3A_1250 : i32 to vector<256x32xi32>
    %eq3A_1252 = arith.cmpi eq, %iota3A_27, %eq3A_1251 : vector<256x32xi32>
    %mul3A_1253 = arith.constant 32 : i32
    %mul3A_1254 = vector.broadcast %mul3A_1253 : i32 to vector<256x1xi32>
    %mul3A_1255 = arith.muli %broadcast_in_dim3A_1243, %mul3A_1254 : vector<256x1xi32>
    %and3A_1256 = arith.constant 31 : i32
    %and3A_1257 = vector.broadcast %and3A_1256 : i32 to vector<256x1xi32>
    %and3A_1258 = arith.andi %broadcast_in_dim3A_1232, %and3A_1257 : vector<256x1xi32>
    %add3A_1259 = arith.addi %mul3A_1255, %and3A_1258 : vector<256x1xi32>
    %broadcast_in_dim3A_1260 = vector.shape_cast %add3A_1259 : vector<256x1xi32> to vector<256x1xi32>
    %broadcast_in_dim3A_1261 = vector.broadcast %broadcast_in_dim3A_1260 : vector<256x1xi32> to vector<256x32xi32>
    %select_n3A_1262 = arith.select %eq3A_1252, %broadcast_in_dim3A_1261, %select_n3A_1216 : vector<256x32xi1>, vector<256x32xi32>
    %eq3A_1263 = vector.broadcast %broadcast_in_dim3A_1232 : vector<256x1xi32> to vector<256x1024xi32>
    %eq3A_1264 = arith.cmpi eq, %iota3A, %eq3A_1263 : vector<256x1024xi32>
    %jit3A_1265 = arith.constant 0xFF800000 : f32
    %broadcast_in_dim3A_1266 = vector.broadcast %jit3A_1265 : f32 to vector<256x1024xf32>
    %select_n3A_1267 = arith.select %eq3A_1264, %broadcast_in_dim3A_1266, %select_n3A_1221 : vector<256x1024xi1>, vector<256x1024xf32>
    %reduce_max3A_1268 = arith.constant dense<0xFF800000> : vector<256xf32>
    %reduce_max3A_1269 = vector.multi_reduction <maximumf>, %select_n3A_1267, %reduce_max3A_1268 [1] : vector<256x1024xf32> to vector<256xf32>
    %broadcast_in_dim3A_1270 = vector.shape_cast %reduce_max3A_1269 : vector<256xf32> to vector<256x1xf32>
    %eq3A_1271 = vector.broadcast %broadcast_in_dim3A_1270 : vector<256x1xf32> to vector<256x1024xf32>
    %eq3A_1272 = arith.cmpf oeq, %select_n3A_1267, %eq3A_1271 : vector<256x1024xf32>
    %jit3A_1273 = arith.constant 1073741824 : i32
    %broadcast_in_dim3A_1274 = vector.broadcast %jit3A_1273 : i32 to vector<256x1024xi32>
    %select_n3A_1275 = arith.select %eq3A_1272, %iota3A, %broadcast_in_dim3A_1274 : vector<256x1024xi1>, vector<256x1024xi32>
    %reduce_min3A_1276 = arith.constant dense<2147483647> : vector<256xi32>
    %reduce_min3A_1277 = vector.multi_reduction <minsi>, %select_n3A_1275, %reduce_min3A_1276 [1] : vector<256x1024xi32> to vector<256xi32>
    %broadcast_in_dim3A_1278 = vector.shape_cast %reduce_min3A_1277 : vector<256xi32> to vector<256x1xi32>
    %shift_right_arithmetic3A_1279 = arith.constant 5 : i32
    %shift_right_arithmetic3A_1280 = vector.broadcast %shift_right_arithmetic3A_1279 : i32 to vector<256x1xi32>
    %shift_right_arithmetic3A_1281 = arith.shrsi %broadcast_in_dim3A_1278, %shift_right_arithmetic3A_1280 : vector<256x1xi32>
    %eq3A_1282 = vector.broadcast %shift_right_arithmetic3A_1281 : vector<256x1xi32> to vector<256x32xi32>
    %eq3A_1283 = arith.cmpi eq, %iota3A_27, %eq3A_1282 : vector<256x32xi32>
    %jit3A_1284 = arith.constant -1 : i32
    %broadcast_in_dim3A_1285 = vector.broadcast %jit3A_1284 : i32 to vector<256x32xi32>
    %select_n3A_1286 = arith.select %eq3A_1283, %get3A_5, %broadcast_in_dim3A_1285 : vector<256x32xi1>, vector<256x32xi32>
    %reduce_max3A_1287 = arith.constant dense<-2147483648> : vector<256xi32>
    %reduce_max3A_1288 = vector.multi_reduction <maxsi>, %select_n3A_1286, %reduce_max3A_1287 [1] : vector<256x32xi32> to vector<256xi32>
    %broadcast_in_dim3A_1289 = vector.shape_cast %reduce_max3A_1288 : vector<256xi32> to vector<256x1xi32>
    %eq3A_1290 = arith.constant 27 : i32
    %eq3A_1291 = vector.broadcast %eq3A_1290 : i32 to vector<256x32xi32>
    %eq3A_1292 = arith.cmpi eq, %iota3A_27, %eq3A_1291 : vector<256x32xi32>
    %broadcast_in_dim3A_1293 = vector.shape_cast %broadcast_in_dim3A_1270 : vector<256x1xf32> to vector<256x1xf32>
    %broadcast_in_dim3A_1294 = vector.broadcast %broadcast_in_dim3A_1293 : vector<256x1xf32> to vector<256x32xf32>
    %select_n3A_1295 = arith.select %eq3A_1292, %broadcast_in_dim3A_1294, %select_n3A_1249 : vector<256x32xi1>, vector<256x32xf32>
    %eq3A_1296 = arith.constant 27 : i32
    %eq3A_1297 = vector.broadcast %eq3A_1296 : i32 to vector<256x32xi32>
    %eq3A_1298 = arith.cmpi eq, %iota3A_27, %eq3A_1297 : vector<256x32xi32>
    %mul3A_1299 = arith.constant 32 : i32
    %mul3A_1300 = vector.broadcast %mul3A_1299 : i32 to vector<256x1xi32>
    %mul3A_1301 = arith.muli %broadcast_in_dim3A_1289, %mul3A_1300 : vector<256x1xi32>
    %and3A_1302 = arith.constant 31 : i32
    %and3A_1303 = vector.broadcast %and3A_1302 : i32 to vector<256x1xi32>
    %and3A_1304 = arith.andi %broadcast_in_dim3A_1278, %and3A_1303 : vector<256x1xi32>
    %add3A_1305 = arith.addi %mul3A_1301, %and3A_1304 : vector<256x1xi32>
    %broadcast_in_dim3A_1306 = vector.shape_cast %add3A_1305 : vector<256x1xi32> to vector<256x1xi32>
    %broadcast_in_dim3A_1307 = vector.broadcast %broadcast_in_dim3A_1306 : vector<256x1xi32> to vector<256x32xi32>
    %select_n3A_1308 = arith.select %eq3A_1298, %broadcast_in_dim3A_1307, %select_n3A_1262 : vector<256x32xi1>, vector<256x32xi32>
    %eq3A_1309 = vector.broadcast %broadcast_in_dim3A_1278 : vector<256x1xi32> to vector<256x1024xi32>
    %eq3A_1310 = arith.cmpi eq, %iota3A, %eq3A_1309 : vector<256x1024xi32>
    %jit3A_1311 = arith.constant 0xFF800000 : f32
    %broadcast_in_dim3A_1312 = vector.broadcast %jit3A_1311 : f32 to vector<256x1024xf32>
    %select_n3A_1313 = arith.select %eq3A_1310, %broadcast_in_dim3A_1312, %select_n3A_1267 : vector<256x1024xi1>, vector<256x1024xf32>
    %reduce_max3A_1314 = arith.constant dense<0xFF800000> : vector<256xf32>
    %reduce_max3A_1315 = vector.multi_reduction <maximumf>, %select_n3A_1313, %reduce_max3A_1314 [1] : vector<256x1024xf32> to vector<256xf32>
    %broadcast_in_dim3A_1316 = vector.shape_cast %reduce_max3A_1315 : vector<256xf32> to vector<256x1xf32>
    %eq3A_1317 = vector.broadcast %broadcast_in_dim3A_1316 : vector<256x1xf32> to vector<256x1024xf32>
    %eq3A_1318 = arith.cmpf oeq, %select_n3A_1313, %eq3A_1317 : vector<256x1024xf32>
    %jit3A_1319 = arith.constant 1073741824 : i32
    %broadcast_in_dim3A_1320 = vector.broadcast %jit3A_1319 : i32 to vector<256x1024xi32>
    %select_n3A_1321 = arith.select %eq3A_1318, %iota3A, %broadcast_in_dim3A_1320 : vector<256x1024xi1>, vector<256x1024xi32>
    %reduce_min3A_1322 = arith.constant dense<2147483647> : vector<256xi32>
    %reduce_min3A_1323 = vector.multi_reduction <minsi>, %select_n3A_1321, %reduce_min3A_1322 [1] : vector<256x1024xi32> to vector<256xi32>
    %broadcast_in_dim3A_1324 = vector.shape_cast %reduce_min3A_1323 : vector<256xi32> to vector<256x1xi32>
    %shift_right_arithmetic3A_1325 = arith.constant 5 : i32
    %shift_right_arithmetic3A_1326 = vector.broadcast %shift_right_arithmetic3A_1325 : i32 to vector<256x1xi32>
    %shift_right_arithmetic3A_1327 = arith.shrsi %broadcast_in_dim3A_1324, %shift_right_arithmetic3A_1326 : vector<256x1xi32>
    %eq3A_1328 = vector.broadcast %shift_right_arithmetic3A_1327 : vector<256x1xi32> to vector<256x32xi32>
    %eq3A_1329 = arith.cmpi eq, %iota3A_27, %eq3A_1328 : vector<256x32xi32>
    %jit3A_1330 = arith.constant -1 : i32
    %broadcast_in_dim3A_1331 = vector.broadcast %jit3A_1330 : i32 to vector<256x32xi32>
    %select_n3A_1332 = arith.select %eq3A_1329, %get3A_5, %broadcast_in_dim3A_1331 : vector<256x32xi1>, vector<256x32xi32>
    %reduce_max3A_1333 = arith.constant dense<-2147483648> : vector<256xi32>
    %reduce_max3A_1334 = vector.multi_reduction <maxsi>, %select_n3A_1332, %reduce_max3A_1333 [1] : vector<256x32xi32> to vector<256xi32>
    %broadcast_in_dim3A_1335 = vector.shape_cast %reduce_max3A_1334 : vector<256xi32> to vector<256x1xi32>
    %eq3A_1336 = arith.constant 28 : i32
    %eq3A_1337 = vector.broadcast %eq3A_1336 : i32 to vector<256x32xi32>
    %eq3A_1338 = arith.cmpi eq, %iota3A_27, %eq3A_1337 : vector<256x32xi32>
    %broadcast_in_dim3A_1339 = vector.shape_cast %broadcast_in_dim3A_1316 : vector<256x1xf32> to vector<256x1xf32>
    %broadcast_in_dim3A_1340 = vector.broadcast %broadcast_in_dim3A_1339 : vector<256x1xf32> to vector<256x32xf32>
    %select_n3A_1341 = arith.select %eq3A_1338, %broadcast_in_dim3A_1340, %select_n3A_1295 : vector<256x32xi1>, vector<256x32xf32>
    %eq3A_1342 = arith.constant 28 : i32
    %eq3A_1343 = vector.broadcast %eq3A_1342 : i32 to vector<256x32xi32>
    %eq3A_1344 = arith.cmpi eq, %iota3A_27, %eq3A_1343 : vector<256x32xi32>
    %mul3A_1345 = arith.constant 32 : i32
    %mul3A_1346 = vector.broadcast %mul3A_1345 : i32 to vector<256x1xi32>
    %mul3A_1347 = arith.muli %broadcast_in_dim3A_1335, %mul3A_1346 : vector<256x1xi32>
    %and3A_1348 = arith.constant 31 : i32
    %and3A_1349 = vector.broadcast %and3A_1348 : i32 to vector<256x1xi32>
    %and3A_1350 = arith.andi %broadcast_in_dim3A_1324, %and3A_1349 : vector<256x1xi32>
    %add3A_1351 = arith.addi %mul3A_1347, %and3A_1350 : vector<256x1xi32>
    %broadcast_in_dim3A_1352 = vector.shape_cast %add3A_1351 : vector<256x1xi32> to vector<256x1xi32>
    %broadcast_in_dim3A_1353 = vector.broadcast %broadcast_in_dim3A_1352 : vector<256x1xi32> to vector<256x32xi32>
    %select_n3A_1354 = arith.select %eq3A_1344, %broadcast_in_dim3A_1353, %select_n3A_1308 : vector<256x32xi1>, vector<256x32xi32>
    %eq3A_1355 = vector.broadcast %broadcast_in_dim3A_1324 : vector<256x1xi32> to vector<256x1024xi32>
    %eq3A_1356 = arith.cmpi eq, %iota3A, %eq3A_1355 : vector<256x1024xi32>
    %jit3A_1357 = arith.constant 0xFF800000 : f32
    %broadcast_in_dim3A_1358 = vector.broadcast %jit3A_1357 : f32 to vector<256x1024xf32>
    %select_n3A_1359 = arith.select %eq3A_1356, %broadcast_in_dim3A_1358, %select_n3A_1313 : vector<256x1024xi1>, vector<256x1024xf32>
    %reduce_max3A_1360 = arith.constant dense<0xFF800000> : vector<256xf32>
    %reduce_max3A_1361 = vector.multi_reduction <maximumf>, %select_n3A_1359, %reduce_max3A_1360 [1] : vector<256x1024xf32> to vector<256xf32>
    %broadcast_in_dim3A_1362 = vector.shape_cast %reduce_max3A_1361 : vector<256xf32> to vector<256x1xf32>
    %eq3A_1363 = vector.broadcast %broadcast_in_dim3A_1362 : vector<256x1xf32> to vector<256x1024xf32>
    %eq3A_1364 = arith.cmpf oeq, %select_n3A_1359, %eq3A_1363 : vector<256x1024xf32>
    %jit3A_1365 = arith.constant 1073741824 : i32
    %broadcast_in_dim3A_1366 = vector.broadcast %jit3A_1365 : i32 to vector<256x1024xi32>
    %select_n3A_1367 = arith.select %eq3A_1364, %iota3A, %broadcast_in_dim3A_1366 : vector<256x1024xi1>, vector<256x1024xi32>
    %reduce_min3A_1368 = arith.constant dense<2147483647> : vector<256xi32>
    %reduce_min3A_1369 = vector.multi_reduction <minsi>, %select_n3A_1367, %reduce_min3A_1368 [1] : vector<256x1024xi32> to vector<256xi32>
    %broadcast_in_dim3A_1370 = vector.shape_cast %reduce_min3A_1369 : vector<256xi32> to vector<256x1xi32>
    %shift_right_arithmetic3A_1371 = arith.constant 5 : i32
    %shift_right_arithmetic3A_1372 = vector.broadcast %shift_right_arithmetic3A_1371 : i32 to vector<256x1xi32>
    %shift_right_arithmetic3A_1373 = arith.shrsi %broadcast_in_dim3A_1370, %shift_right_arithmetic3A_1372 : vector<256x1xi32>
    %eq3A_1374 = vector.broadcast %shift_right_arithmetic3A_1373 : vector<256x1xi32> to vector<256x32xi32>
    %eq3A_1375 = arith.cmpi eq, %iota3A_27, %eq3A_1374 : vector<256x32xi32>
    %jit3A_1376 = arith.constant -1 : i32
    %broadcast_in_dim3A_1377 = vector.broadcast %jit3A_1376 : i32 to vector<256x32xi32>
    %select_n3A_1378 = arith.select %eq3A_1375, %get3A_5, %broadcast_in_dim3A_1377 : vector<256x32xi1>, vector<256x32xi32>
    %reduce_max3A_1379 = arith.constant dense<-2147483648> : vector<256xi32>
    %reduce_max3A_1380 = vector.multi_reduction <maxsi>, %select_n3A_1378, %reduce_max3A_1379 [1] : vector<256x32xi32> to vector<256xi32>
    %broadcast_in_dim3A_1381 = vector.shape_cast %reduce_max3A_1380 : vector<256xi32> to vector<256x1xi32>
    %eq3A_1382 = arith.constant 29 : i32
    %eq3A_1383 = vector.broadcast %eq3A_1382 : i32 to vector<256x32xi32>
    %eq3A_1384 = arith.cmpi eq, %iota3A_27, %eq3A_1383 : vector<256x32xi32>
    %broadcast_in_dim3A_1385 = vector.shape_cast %broadcast_in_dim3A_1362 : vector<256x1xf32> to vector<256x1xf32>
    %broadcast_in_dim3A_1386 = vector.broadcast %broadcast_in_dim3A_1385 : vector<256x1xf32> to vector<256x32xf32>
    %select_n3A_1387 = arith.select %eq3A_1384, %broadcast_in_dim3A_1386, %select_n3A_1341 : vector<256x32xi1>, vector<256x32xf32>
    %eq3A_1388 = arith.constant 29 : i32
    %eq3A_1389 = vector.broadcast %eq3A_1388 : i32 to vector<256x32xi32>
    %eq3A_1390 = arith.cmpi eq, %iota3A_27, %eq3A_1389 : vector<256x32xi32>
    %mul3A_1391 = arith.constant 32 : i32
    %mul3A_1392 = vector.broadcast %mul3A_1391 : i32 to vector<256x1xi32>
    %mul3A_1393 = arith.muli %broadcast_in_dim3A_1381, %mul3A_1392 : vector<256x1xi32>
    %and3A_1394 = arith.constant 31 : i32
    %and3A_1395 = vector.broadcast %and3A_1394 : i32 to vector<256x1xi32>
    %and3A_1396 = arith.andi %broadcast_in_dim3A_1370, %and3A_1395 : vector<256x1xi32>
    %add3A_1397 = arith.addi %mul3A_1393, %and3A_1396 : vector<256x1xi32>
    %broadcast_in_dim3A_1398 = vector.shape_cast %add3A_1397 : vector<256x1xi32> to vector<256x1xi32>
    %broadcast_in_dim3A_1399 = vector.broadcast %broadcast_in_dim3A_1398 : vector<256x1xi32> to vector<256x32xi32>
    %select_n3A_1400 = arith.select %eq3A_1390, %broadcast_in_dim3A_1399, %select_n3A_1354 : vector<256x32xi1>, vector<256x32xi32>
    %eq3A_1401 = vector.broadcast %broadcast_in_dim3A_1370 : vector<256x1xi32> to vector<256x1024xi32>
    %eq3A_1402 = arith.cmpi eq, %iota3A, %eq3A_1401 : vector<256x1024xi32>
    %jit3A_1403 = arith.constant 0xFF800000 : f32
    %broadcast_in_dim3A_1404 = vector.broadcast %jit3A_1403 : f32 to vector<256x1024xf32>
    %select_n3A_1405 = arith.select %eq3A_1402, %broadcast_in_dim3A_1404, %select_n3A_1359 : vector<256x1024xi1>, vector<256x1024xf32>
    %reduce_max3A_1406 = arith.constant dense<0xFF800000> : vector<256xf32>
    %reduce_max3A_1407 = vector.multi_reduction <maximumf>, %select_n3A_1405, %reduce_max3A_1406 [1] : vector<256x1024xf32> to vector<256xf32>
    %broadcast_in_dim3A_1408 = vector.shape_cast %reduce_max3A_1407 : vector<256xf32> to vector<256x1xf32>
    %eq3A_1409 = vector.broadcast %broadcast_in_dim3A_1408 : vector<256x1xf32> to vector<256x1024xf32>
    %eq3A_1410 = arith.cmpf oeq, %select_n3A_1405, %eq3A_1409 : vector<256x1024xf32>
    %jit3A_1411 = arith.constant 1073741824 : i32
    %broadcast_in_dim3A_1412 = vector.broadcast %jit3A_1411 : i32 to vector<256x1024xi32>
    %select_n3A_1413 = arith.select %eq3A_1410, %iota3A, %broadcast_in_dim3A_1412 : vector<256x1024xi1>, vector<256x1024xi32>
    %reduce_min3A_1414 = arith.constant dense<2147483647> : vector<256xi32>
    %reduce_min3A_1415 = vector.multi_reduction <minsi>, %select_n3A_1413, %reduce_min3A_1414 [1] : vector<256x1024xi32> to vector<256xi32>
    %broadcast_in_dim3A_1416 = vector.shape_cast %reduce_min3A_1415 : vector<256xi32> to vector<256x1xi32>
    %shift_right_arithmetic3A_1417 = arith.constant 5 : i32
    %shift_right_arithmetic3A_1418 = vector.broadcast %shift_right_arithmetic3A_1417 : i32 to vector<256x1xi32>
    %shift_right_arithmetic3A_1419 = arith.shrsi %broadcast_in_dim3A_1416, %shift_right_arithmetic3A_1418 : vector<256x1xi32>
    %eq3A_1420 = vector.broadcast %shift_right_arithmetic3A_1419 : vector<256x1xi32> to vector<256x32xi32>
    %eq3A_1421 = arith.cmpi eq, %iota3A_27, %eq3A_1420 : vector<256x32xi32>
    %jit3A_1422 = arith.constant -1 : i32
    %broadcast_in_dim3A_1423 = vector.broadcast %jit3A_1422 : i32 to vector<256x32xi32>
    %select_n3A_1424 = arith.select %eq3A_1421, %get3A_5, %broadcast_in_dim3A_1423 : vector<256x32xi1>, vector<256x32xi32>
    %reduce_max3A_1425 = arith.constant dense<-2147483648> : vector<256xi32>
    %reduce_max3A_1426 = vector.multi_reduction <maxsi>, %select_n3A_1424, %reduce_max3A_1425 [1] : vector<256x32xi32> to vector<256xi32>
    %broadcast_in_dim3A_1427 = vector.shape_cast %reduce_max3A_1426 : vector<256xi32> to vector<256x1xi32>
    %eq3A_1428 = arith.constant 30 : i32
    %eq3A_1429 = vector.broadcast %eq3A_1428 : i32 to vector<256x32xi32>
    %eq3A_1430 = arith.cmpi eq, %iota3A_27, %eq3A_1429 : vector<256x32xi32>
    %broadcast_in_dim3A_1431 = vector.shape_cast %broadcast_in_dim3A_1408 : vector<256x1xf32> to vector<256x1xf32>
    %broadcast_in_dim3A_1432 = vector.broadcast %broadcast_in_dim3A_1431 : vector<256x1xf32> to vector<256x32xf32>
    %select_n3A_1433 = arith.select %eq3A_1430, %broadcast_in_dim3A_1432, %select_n3A_1387 : vector<256x32xi1>, vector<256x32xf32>
    %eq3A_1434 = arith.constant 30 : i32
    %eq3A_1435 = vector.broadcast %eq3A_1434 : i32 to vector<256x32xi32>
    %eq3A_1436 = arith.cmpi eq, %iota3A_27, %eq3A_1435 : vector<256x32xi32>
    %mul3A_1437 = arith.constant 32 : i32
    %mul3A_1438 = vector.broadcast %mul3A_1437 : i32 to vector<256x1xi32>
    %mul3A_1439 = arith.muli %broadcast_in_dim3A_1427, %mul3A_1438 : vector<256x1xi32>
    %and3A_1440 = arith.constant 31 : i32
    %and3A_1441 = vector.broadcast %and3A_1440 : i32 to vector<256x1xi32>
    %and3A_1442 = arith.andi %broadcast_in_dim3A_1416, %and3A_1441 : vector<256x1xi32>
    %add3A_1443 = arith.addi %mul3A_1439, %and3A_1442 : vector<256x1xi32>
    %broadcast_in_dim3A_1444 = vector.shape_cast %add3A_1443 : vector<256x1xi32> to vector<256x1xi32>
    %broadcast_in_dim3A_1445 = vector.broadcast %broadcast_in_dim3A_1444 : vector<256x1xi32> to vector<256x32xi32>
    %select_n3A_1446 = arith.select %eq3A_1436, %broadcast_in_dim3A_1445, %select_n3A_1400 : vector<256x32xi1>, vector<256x32xi32>
    %eq3A_1447 = vector.broadcast %broadcast_in_dim3A_1416 : vector<256x1xi32> to vector<256x1024xi32>
    %eq3A_1448 = arith.cmpi eq, %iota3A, %eq3A_1447 : vector<256x1024xi32>
    %jit3A_1449 = arith.constant 0xFF800000 : f32
    %broadcast_in_dim3A_1450 = vector.broadcast %jit3A_1449 : f32 to vector<256x1024xf32>
    %select_n3A_1451 = arith.select %eq3A_1448, %broadcast_in_dim3A_1450, %select_n3A_1405 : vector<256x1024xi1>, vector<256x1024xf32>
    %reduce_max3A_1452 = arith.constant dense<0xFF800000> : vector<256xf32>
    %reduce_max3A_1453 = vector.multi_reduction <maximumf>, %select_n3A_1451, %reduce_max3A_1452 [1] : vector<256x1024xf32> to vector<256xf32>
    %broadcast_in_dim3A_1454 = vector.shape_cast %reduce_max3A_1453 : vector<256xf32> to vector<256x1xf32>
    %eq3A_1455 = vector.broadcast %broadcast_in_dim3A_1454 : vector<256x1xf32> to vector<256x1024xf32>
    %eq3A_1456 = arith.cmpf oeq, %select_n3A_1451, %eq3A_1455 : vector<256x1024xf32>
    %jit3A_1457 = arith.constant 1073741824 : i32
    %broadcast_in_dim3A_1458 = vector.broadcast %jit3A_1457 : i32 to vector<256x1024xi32>
    %select_n3A_1459 = arith.select %eq3A_1456, %iota3A, %broadcast_in_dim3A_1458 : vector<256x1024xi1>, vector<256x1024xi32>
    %reduce_min3A_1460 = arith.constant dense<2147483647> : vector<256xi32>
    %reduce_min3A_1461 = vector.multi_reduction <minsi>, %select_n3A_1459, %reduce_min3A_1460 [1] : vector<256x1024xi32> to vector<256xi32>
    %broadcast_in_dim3A_1462 = vector.shape_cast %reduce_min3A_1461 : vector<256xi32> to vector<256x1xi32>
    %shift_right_arithmetic3A_1463 = arith.constant 5 : i32
    %shift_right_arithmetic3A_1464 = vector.broadcast %shift_right_arithmetic3A_1463 : i32 to vector<256x1xi32>
    %shift_right_arithmetic3A_1465 = arith.shrsi %broadcast_in_dim3A_1462, %shift_right_arithmetic3A_1464 : vector<256x1xi32>
    %eq3A_1466 = vector.broadcast %shift_right_arithmetic3A_1465 : vector<256x1xi32> to vector<256x32xi32>
    %eq3A_1467 = arith.cmpi eq, %iota3A_27, %eq3A_1466 : vector<256x32xi32>
    %jit3A_1468 = arith.constant -1 : i32
    %broadcast_in_dim3A_1469 = vector.broadcast %jit3A_1468 : i32 to vector<256x32xi32>
    %select_n3A_1470 = arith.select %eq3A_1467, %get3A_5, %broadcast_in_dim3A_1469 : vector<256x32xi1>, vector<256x32xi32>
    %reduce_max3A_1471 = arith.constant dense<-2147483648> : vector<256xi32>
    %reduce_max3A_1472 = vector.multi_reduction <maxsi>, %select_n3A_1470, %reduce_max3A_1471 [1] : vector<256x32xi32> to vector<256xi32>
    %broadcast_in_dim3A_1473 = vector.shape_cast %reduce_max3A_1472 : vector<256xi32> to vector<256x1xi32>
    %eq3A_1474 = arith.constant 31 : i32
    %eq3A_1475 = vector.broadcast %eq3A_1474 : i32 to vector<256x32xi32>
    %eq3A_1476 = arith.cmpi eq, %iota3A_27, %eq3A_1475 : vector<256x32xi32>
    %broadcast_in_dim3A_1477 = vector.shape_cast %broadcast_in_dim3A_1454 : vector<256x1xf32> to vector<256x1xf32>
    %broadcast_in_dim3A_1478 = vector.broadcast %broadcast_in_dim3A_1477 : vector<256x1xf32> to vector<256x32xf32>
    %select_n3A_1479 = arith.select %eq3A_1476, %broadcast_in_dim3A_1478, %select_n3A_1433 : vector<256x32xi1>, vector<256x32xf32>
    %eq3A_1480 = arith.constant 31 : i32
    %eq3A_1481 = vector.broadcast %eq3A_1480 : i32 to vector<256x32xi32>
    %eq3A_1482 = arith.cmpi eq, %iota3A_27, %eq3A_1481 : vector<256x32xi32>
    %mul3A_1483 = arith.constant 32 : i32
    %mul3A_1484 = vector.broadcast %mul3A_1483 : i32 to vector<256x1xi32>
    %mul3A_1485 = arith.muli %broadcast_in_dim3A_1473, %mul3A_1484 : vector<256x1xi32>
    %and3A_1486 = arith.constant 31 : i32
    %and3A_1487 = vector.broadcast %and3A_1486 : i32 to vector<256x1xi32>
    %and3A_1488 = arith.andi %broadcast_in_dim3A_1462, %and3A_1487 : vector<256x1xi32>
    %add3A_1489 = arith.addi %mul3A_1485, %and3A_1488 : vector<256x1xi32>
    %broadcast_in_dim3A_1490 = vector.shape_cast %add3A_1489 : vector<256x1xi32> to vector<256x1xi32>
    %broadcast_in_dim3A_1491 = vector.broadcast %broadcast_in_dim3A_1490 : vector<256x1xi32> to vector<256x32xi32>
    %select_n3A_1492 = arith.select %eq3A_1482, %broadcast_in_dim3A_1491, %select_n3A_1446 : vector<256x32xi1>, vector<256x32xi32>
    %neg3A = arith.constant 0.000000e+00 : f32
    %neg3A_1493 = vector.broadcast %neg3A : f32 to vector<256x32xf32>
    %neg3A_1494 = arith.subf %neg3A_1493, %select_n3A_1479 : vector<256x32xf32>
    %swap3A = arith.constant 0 : index
    %swap3A_1495 = arith.constant 0 : index
    %swap3A_1496 = vector.load %arg3[%swap3A, %swap3A_1495] : memref<256x32xf32, #tpu.memory_space<vmem>>, vector<256x32xf32>
    tpu.vector_store %arg3[%swap3A, %swap3A_1495], %neg3A_1494 {strides = array<i32>} : memref<256x32xf32, #tpu.memory_space<vmem>>, vector<256x32xf32>,
    %swap3A_1497 = arith.constant 0 : index
    %swap3A_1498 = arith.constant 0 : index
    %swap3A_1499 = vector.load %arg4[%swap3A_1497, %swap3A_1498] : memref<256x32xi32, #tpu.memory_space<vmem>>, vector<256x32xi32>
    tpu.vector_store %arg4[%swap3A_1497, %swap3A_1498], %select_n3A_1492 {strides = array<i32>} : memref<256x32xi32, #tpu.memory_space<vmem>>, vector<256x32xi32>,
    return
  }
  func.func @transform_0(%arg0: i32) -> (i32, i32, i32) {
    %c0_i32 = arith.constant 0 : i32
    %c0_i32_0 = arith.constant 0 : i32
    %c0_i32_1 = arith.constant 0 : i32
    return %arg0, %c0_i32, %c0_i32_0 : i32, i32, i32
  }
  func.func @transform_1(%arg0: i32) -> (i32, i32) {
    %c0_i32 = arith.constant 0 : i32
    %c0_i32_0 = arith.constant 0 : i32
    return %arg0, %c0_i32 : i32, i32
  }
  func.func @transform_2(%arg0: i32) -> (i32, i32) {
    %c0_i32 = arith.constant 0 : i32
    %c0_i32_0 = arith.constant 0 : i32
    return %arg0, %c0_i32 : i32, i32
  }
  func.func @transform_3(%arg0: i32) -> (i32, i32) {
    %c0_i32 = arith.constant 0 : i32
    %c0_i32_0 = arith.constant 0 : i32
    return %arg0, %c0_i32 : i32, i32
  }
}

</mosaic_0001>

<sc_bundles>
// kernel: kernel.6.cloned.1.call-start
scs
__scs_entry_jumppad:
0x0: {  	(pc) =	sbr.rel $0x88, $3  }
0x1: {  	(tag) =	ssettag $0x0;
	lr =	simm.s32 $0x1  }
0x2: {  	[smem:$0x3F9F] =	sst lr;
	_ =	strace $0xD0000000  }
0x3: {  	_ = 	snop  }
0x4: {  	_ = 	snop  }
0x5: {  	_ = 	snop  }
0x6: {  	_ = 	snop  }
0x7: {  	_ = 	snop  }
__scs_overlays_trampoline_lowered:
0x8: {  	[smem:$0x3FAE] =	sst s0  }
0x9: {  	[smem:$0x3FAF] =	sst s1  }
0xa: {  	[smem:$0x3FB0] =	sst s2  }
0xb: {  	[smem:$0x3FB1] =	sst s3  }
0xc: {  	[smem:$0x3FB2] =	sst s4  }
0xd: {  	[smem:$0x3FB3] =	sst s5  }
0xe: {  	[smem:$0x3FB4] =	sst s6  }
0xf: {  	[smem:$0x3FB5] =	sst s7  }
0x10: {  	[smem:$0x3FB6] =	sst s8  }
0x11: {  	[smem:$0x3FB7] =	sst s9;
	s0 =	simm.s32 @!p0 $0x0  }
0x12: {  	s1 =	sld [smem:$0x3F9D];
	s0 =	simm.s32 @p0 $0x1  }
0x13: {  	[smem:$0x3FB8] =	sst s0;
	s0 =	simm.s32 @!p1 $0x0  }
0x14: {  	s2 =	sld [smem:$0x3F9C];
	s0 =	simm.s32 @p1 $0x1  }
0x15: {  	[smem:$0x3FB9] =	sst s0;
	s0 =	simm.s32 @!p2 $0x0  }
0x16: {  	s3 =	sld [smem:$0x3FDB];
	s0 =	simm.s32 @p2 $0x1  }
0x17: {  	s4 =	simm.s32 $0x1BF5;
	[smem:$0x3FBB] =	sst s0  }
0x18: {  	s0 =	sld [smem:$0x3F9E];
	_ =	swait.ge [sflag:s4], $0x0  }
0x19: {  	s7 =	sld [smem:$0x3F9F]  }
0x1a: {  	s8 =	sadd.s32 $0xFFFFE003, lr  }
0x1b: {  	s9 =	sadd.s32 $0xFFFFFEF7, lr;
	s5 =	simm.s32 $0xFFFFFFFF;
	p2 =	slt.u32 s8, $0xFFFFF086  }
0x1c: {  	p1 =	slt.u32 s9, $0xF7A;
	s5 =	simm.s32 @!p2 $0x0  }
0x1d: {  	s5 =	simm.s32 @p1 $0x1;
	p0 =	seq.s32 s7, s2  }
0x1e: {  	s7 =	smul.u32 @!p0 $0xF7A, s2;
	p2 =	seq.s32 @!p0 s5, $0x0  }
0x1f: {  	s9 =	smul.u32 $0xF7A, s1;
	s8 =	simm.s32 @!p0 $0x1BF5;
	p2 =	por !p2, p0  }
0x20: {  	[sflag:s8] =	ssyncset.s32 @!p0 $0xFFFFF086;
	s6 =	sadd.s32 @!p0 s3, s7;
	s7 =	simm.s32 @!p0 $0x108  }
0x21: {  	s3 =	sadd.s32 s3, s9;
	s6 =	sadd.s32 @!p0 $0x88, s6;
	s7 =	simm.s32 @p2 $0x1082  }
0x22: {  	[simem:s7], [sflag:s8] =	dma.local @!p0 [hbm:s6], $0xF7A  }
0x23: {  	s9 =	sor.u32 $0xD0000000, s2;
	s6 =	simm.s32 $0x108;
	_ =	swait.ge @!p0 [sflag:s8], $0x0  }
0x24: {  	s3 =	sadd.s32 $0x88, s3;
	s6 =	simm.s32 @!p1 $0x1082;
	[sflag:s4] =	ssyncset.s32 $0xFFFFF086  }
0x25: {  	[simem:s6], [sflag:s4] =	dma.local [hbm:s3], $0xF7A  }
0x26: {  	[smem:$0x3F9F] =	sst s1;
	(tag) =	ssettag s2;
	_ =	strace s9  }
0x27: {  	s1 =	sld [smem:$0x3FAF]  }
0x28: {  	s2 =	sld [smem:$0x3FB0]  }
0x29: {  	s4 =	sld [smem:$0x3FB2]  }
0x2a: {  	p0 =	seq.s32 s5, $0x0;
	s5 =	sld [smem:$0x3FB3]  }
0x2b: {  	s6 =	sld [smem:$0x3FB4]  }
0x2c: {  	s7 =	sld [smem:$0x3FB5]  }
0x2d: {  	s3 =	simm.s32 $0x108;
	s8 =	sld [smem:$0x3FB6]  }
0x2e: {  	s3 =	simm.s32 @!p0 $0x1082;
	s9 =	sld [smem:$0x3FB7]  }
0x2f: {  	lr =	sadd.s32 s0, s3;
	s0 =	sld [smem:$0x3FAE]  }
0x30: {  	s3 =	sld [smem:$0x3FB1]  }
0x31: {  	[smem:$0x3FBA] =	sst s10  }
0x32: {  	s10 =	sld [smem:$0x3FB8];
	_ =	sdelay $0x3  }
0x33: {  	p0 =	seq.s32 s10, $0x1;
	s10 =	sld [smem:$0x3FBA];
	_ =	sdelay $0x3  }
0x34: {  	[smem:$0x3FBA] =	sst s10  }
0x35: {  	s10 =	sld [smem:$0x3FB9];
	_ =	sdelay $0x3  }
0x36: {  	p1 =	seq.s32 s10, $0x1;
	s10 =	sld [smem:$0x3FBA];
	_ =	sdelay $0x3  }
0x37: {  	[smem:$0x3FBA] =	sst s10  }
0x38: {  	s10 =	sld [smem:$0x3FBB]  }
0x39: {  	_ = 	snop;
	(pc) =	sbr.ind lr, $3  }
0x3a: {  	_ = 	snop  }
0x3b: {  	_ = 	snop  }
0x3c: {  	p2 =	seq.s32 s10, $0x1;
	s10 =	sld [smem:$0x3FBA]  }
0x3d: {  	_ =	shalt  }
0x3e: {  	_ =	shalt  }
0x3f: {  	_ =	shalt  }
0x40: {  	_ =	shalt  }
0x41: {  	_ =	shalt  }
0x42: {  	_ =	shalt  }
0x43: {  	_ =	shalt  }
0x44: {  	_ =	shalt  }
0x45: {  	_ =	shalt  }
0x46: {  	_ =	shalt  }
0x47: {  	_ =	shalt  }
0x48: {  	_ =	shalt  }
0x49: {  	_ =	shalt  }
0x4a: {  	_ =	shalt  }
0x4b: {  	_ =	shalt  }
0x4c: {  	_ =	shalt  }
0x4d: {  	_ =	shalt  }
0x4e: {  	_ =	shalt  }
0x4f: {  	_ =	shalt  }
0x50: {  	_ =	shalt  }
0x51: {  	_ =	shalt  }
0x52: {  	_ =	shalt  }
0x53: {  	_ =	shalt  }
0x54: {  	_ =	shalt  }
0x55: {  	_ =	shalt  }
0x56: {  	_ =	shalt  }
0x57: {  	_ =	shalt  }
0x58: {  	_ =	shalt  }
0x59: {  	_ =	shalt  }
0x5a: {  	_ =	shalt  }
0x5b: {  	_ =	shalt  }
0x5c: {  	_ =	shalt  }
0x5d: {  	_ =	shalt  }
0x5e: {  	_ =	shalt  }
0x5f: {  	_ =	shalt  }
0x60: {  	_ =	shalt  }
0x61: {  	_ =	shalt  }
0x62: {  	_ =	shalt  }
0x63: {  	_ =	shalt  }
0x64: {  	_ =	shalt  }
0x65: {  	_ =	shalt  }
0x66: {  	_ =	shalt  }
0x67: {  	_ =	shalt  }
0x68: {  	_ =	shalt  }
0x69: {  	_ =	shalt  }
0x6a: {  	_ =	shalt  }
0x6b: {  	_ =	shalt  }
0x6c: {  	_ =	shalt  }
0x6d: {  	_ =	shalt  }
0x6e: {  	_ =	shalt  }
0x6f: {  	_ =	shalt  }
0x70: {  	_ =	shalt  }
0x71: {  	_ =	shalt  }
0x72: {  	_ =	shalt  }
0x73: {  	_ =	shalt  }
0x74: {  	_ =	shalt  }
0x75: {  	_ =	shalt  }
0x76: {  	_ =	shalt  }
0x77: {  	_ =	shalt  }
0x78: {  	_ =	shalt  }
0x79: {  	_ =	shalt  }
0x7a: {  	_ =	shalt  }
0x7b: {  	_ =	shalt  }
0x7c: {  	_ =	shalt  }
0x7d: {  	_ =	shalt  }
0x7e: {  	_ =	shalt  }
0x7f: {  	_ =	shalt  }
0x80: {  	_ =	shalt  }
0x81: {  	_ =	shalt  }
0x82: {  	_ =	shalt  }
0x83: {  	_ =	shalt  }
0x84: {  	_ =	shalt  }
0x85: {  	_ =	shalt  }
0x86: {  	_ =	shalt  }
0x87: {  	_ =	shalt  }
.Lfunc_end0:
.L_simem_size_0:
called_computation_lowered:
.L_overlay_start_0:
0x88: {  	s2 =	sld [smem:$0x3FD9]  }
0x89: {  	s3 =	sld [smem:$0x3FFE];
	_ =	sdelay $0x1  }
0x8a: {  	s1 =	srdreg.scid  }
0x8b: {  	s0 =	sand.u32 $0x1, s1  }
0x8c: {  	s14 =	sshll.u32 s0, $0xA;
	s2 =	sadd.s32 s3, s2  }
0x8d: {  	s2 =	sadd.s32 s2, s14  }
0x8e: {  	[smem:$0x3FC6] =	sst s2  }
0x8f: {  	_ = 	snop  }
0x90: {  	s2 =	sld [smem:$0x3FD0];
	_ =	sdelay $0x2  }
0x91: {  	s15 =	simm.s32 $0xA;
	s4 =	simm.s32 $0x10  }
0x92: {  	[smem:s4], [sflag:s15] =	dma.local [hbm:s2], $0x1  }
0x93: {  	_ =	swait.eq [sflag:s15], $0x1  }
0x94: {  	[sflag:s15] =	ssyncset.done $0x0  }
0x95: {  	[sflag:s15] =	ssyncadd.s32 $0xFFFFFFFF  }
0x96: {  	s16 =	sld [smem:$0x11];
	(tm) =	ssettm $0x1  }
0x97: {  	s17 =	sld [smem:$0x3FFB];
	_ =	sdelay $0x3  }
0x98: {  	_ =	strace s17  }
0x99: {  	s3 =	sld [smem:$0x3FFC];
	_ =	sdelay $0x3  }
0x9a: {  	_ =	strace s3  }
0x9b: {  	s3 =	sld [smem:$0x3FFD];
	_ =	sdelay $0x3  }
0x9c: {  	_ =	strace s3  }
0x9d: {  	_ =	strace $0x8FFFFFFF  }
0x9e: {  	s18 =	sld [smem:$0x3FDB];
	_ =	sdelay $0x1  }
0x9f: {  	s19 =	simm.s32 $_scs_section_size  }
0xa0: {  	s5 =	simm.s32 $_size__tile_overlayer_lowered;
	s6 =	simm.s32 $_tile_overlayer_lowered  }
0xa1: {  	s22 =	simm.s32 $0x1BFF;
	s21 =	sshll.u32 s6, $0x1;
	s3 =	sadd.s32 s19, s18  }
0xa2: {  	s7 =	simm.s32 $0x0;
	s20 =	sshll.u32 s5, $0x1;
	s5 =	sadd.s32 s21, s3  }
0xa3: {  	[timem:s7], [sflag:s22] =	dma.local [hbm:s5], s20  }
0xa4: {  	_ =	swait.ge [sflag:s22], s20  }
0xa5: {  	s4 =	ssub.s32 $0x0, s20;
	[sflag:s22] =	ssyncset.done $0x0  }
0xa6: {  	[sflag:s22] =	ssyncadd.s32 s4;
	_ =	sdelay $0x1  }
0xa7: {  	s23 =	simm.s32 $0x1B8B  }
0xa8: {  	_ =	swait.ge [sflag:s23], $0x1  }
0xa9: {  	[sflag:s23] =	ssyncset.done $0x0  }
0xaa: {  	s25 =	simm.s32 $0x1B8E;
	s24 =	sld [smem:$0x3FFE];
	[sflag:s23] =	ssyncadd.s32 $0xFFFFFFFF  }
0xab: {  	s26 =	simm.s32 $execute0_lowered;
	[smem:$0x3FD2] =	sst s25  }
0xac: {  	s5 =	sshll.u32 s26, $0x1;
	_ =	strace $0x80000046;
	[dreg:$0x1] =	wrdreg $0xFFFFFFFF  }
0xad: {  	s28 =	simm.s32 $_size_execute0_lowered;
	s3 =	sadd.s32 s3, s5;
	[dreg:$0x0] =	wrdreg $0x0  }
0xae: {  	s5 =	sshll.u32 s28, $0x1;
	[dreg:$0x2] =	wrdreg s3  }
0xaf: {  	[dreg:$0x3] =	wrdreg s5  }
0xb0: {  	[dreg:$0x4] =	wrdreg $0xC0  }
0xb1: {  	_ =	task [dreg:s7], $0x5FFFF  }
0xb2: {  	[dreg:$0x1] =	wrdreg $0xFFFFFFFF  }
0xb3: {  	[dreg:$0x0] =	wrdreg $0x60  }
0xb4: {  	[dreg:$0x2] =	wrdreg s24  }
0xb5: {  	[dreg:$0x3] =	wrdreg s16  }
0xb6: {  	[dreg:$0x4] =	wrdreg $0x9  }
0xb7: {  	_ =	task.clear_ibuf [dreg:s7], $0x5FFFF;
	_ =	strace $0x90000046  }
0xb8: {  	s29 =	simm.s32 $0x9;
	_ =	strace $0x80000048  }
0xb9: {  	_ =	swait.ge [sflag:s29], $0x1  }
0xba: {  	[sflag:s29] =	ssyncadd.s32 $0xFFFFFFFF  }
0xbb: {  	_ =	strace $0x90000048  }
0xbc: {  	_ =	sfence  }
0xbd: {  	s30 =	sld [smem:$0x0];
	_ =	sdelay $0x2  }
0xbe: {  	s31 =	sshll.u32 s1, $0xD;
	s1 =	sshrl.u32 s1, $0x2  }
0xbf: {  	s3 =	sand.u32 $0x4000, s31;
	s1 =	sadd.s32 s1, s30  }
0xc0: {  	s0 =	sor.u32 s3, s0;
	s1 =	sshll.u32 s1, $0x11  }
0xc1: {  	s0 =	sor.u32 s1, s0  }
0xc2: {  	s0 =	sadd.s32 $0x8F2B, s0  }
0xc3: {  	[sflag:s0] =	ssyncadd.remote.s32 $0x1  }
0xc4: {  	_ =	sfence.sel $0xFFFF  }
0xc5: {  	[dreg:$0x0] =	wrdreg $0xFFFFFFFF;
	(pc) =	sbr.abs _section_cstart, $3  }
0xc6: {  	[dreg:$0x1] =	wrdreg $0xFFFFFFFF  }
0xc7: {  	_ =	task.clear_ibuf [dreg:s7], $0x2FFFF;
	_ =	strace $0x9FFFFFFF  }
0xc8: {  	(tm) =	ssettm $0x7FFFFFFF  }
0xc9: {  	_ =	shalt  }
tec
execute0_lowered:
.L_overlay_start_1:
0x0: {  	(tag) =	ssettag $0x1  }
0x1: {  	s4 =	rddreg [dreg:$0x0]  }
0x2: {  	s5 =	rddreg [dreg:$0x1]  }
0x3: {  	s0 =	rddreg [dreg:$0x2];
	s2 =	simm.s32 $0x0  }
0x4: {  	s3 =	srdreg.scid;
	s1 =	stileid.u32;
	s12 =	simm.s32 $0x80  }
0x5: {  	s13 =	simm.s32 $0x1000;
	s14 =	simm.s32 $0x1;
	s15 =	simm.s32 $0x5000  }
0x6: {  	s16 =	simm.s32 $0x2;
	s17 =	simm.s32 $0x3;
	s18 =	simm.s32 $0x100  }
0x7: {  	s19 =	simm.s32 $0x4;
	s20 =	simm.s32 $0xF80;
	s21 =	simm.s32 $0x0  }
0x8: {  	[smem:$0x7FF] =	sst s2;
	s8 =	sand.u32 $0x1, s3;
	s6 =	sshll.u32 s1, $0x1  }
0x9: {  	s3 =	sadd.s32 $0x4B0800, s4;
	s9 =	sadd.s32 $0x10800, s4;
	s31 =	sshll.u32 s1, $0x11  }
0xa: {  	_ =	strace $0x80000047;
	s7 =	ssub.s32 $0x2, s8;
	s6 =	sor.u32 s8, s6  }
0xb: {  	s11 =	sshll.u32 s8, $0x10;
	s29 =	sshrl.u32 s7, $0x1;
	s10 =	sshll.u32 s6, $0x9  }
0xc: {  	s30 =	sshll.u32 s6, $0x10;
	s7 =	ssub.s32 s7, s29;
	s4 =	sadd.s32 s5, s10  }
0xd: {  	s5 =	sadd.s32 s9, s30;
	s10 =	sadd.s32 s31, s9;
	s6 =	smax.u32 s7, $0x1  }
0xe: {  	s7 =	sadd.s32 $0x800, s5;
	s8 =	sadd.s32 $0xF000, s5;
	s10 =	sadd.s32 s11, s10  }
0xf: {  	s9 =	sadd.s32 $0xF800, s5;
	s11 =	simm.s32 $0x5;
	s10 =	sadd.s32 $0x1000, s10  }
.LBB2_1:
0x10: {  	[tilespmem:s2], [sflag:$0x5] =	stream.linear.gather [hbm4b:s4+s2], $0x1000, $0x38;
	[tilespmem:$0x9000] =	vst v63  }
0x11: {  	_ =	swait.ge [sflag:s11], $0x1000  }
0x12: {  	[sflag:s11] =	ssyncset.done $0x0  }
0x13: {  	[sflag:s11] =	ssyncadd.s32 $0xFFFFF000  }
0x14: {  	[tilespmem:s13], [sflag:$0x1] =	stream.indirect.gather [hbm4b:s3+s12], $0x80, s2, s12, $0xb8;
	[tilespmem:$0x9000] =	vst v63  }
0x15: {  	_ =	swait.ge [sflag:s14], $0x4000  }
0x16: {  	[sflag:s14] =	ssyncset.done $0x0  }
0x17: {  	[sflag:s14] =	ssyncadd.s32 $0xFFFFC000  }
0x18: {  	[tilespmem:s15], [sflag:$0x2] =	stream.indirect.gather [hbm4b:s3+s12], $0x80, s12, s12, $0xb8;
	[tilespmem:$0x9000] =	vst v63  }
0x19: {  	_ = 	snop  }
0x1a: {  	[hbm4b:s5+s2] =	stream.linear.scatter [tilespmem:s13], [sflag:$0x3], $0x4000, $0x38;
	[tilespmem:$0x9000] =	vst v63  }
0x1b: {  	_ =	swait.ge [sflag:s16], $0x4000  }
0x1c: {  	[sflag:s16] =	ssyncset.done $0x0  }
0x1d: {  	[sflag:s16] =	ssyncadd.s32 $0xFFFFC000  }
0x1e: {  	_ =	swait.ge [sflag:s17], $0x4000  }
0x1f: {  	[sflag:s17] =	ssyncset.done $0x0  }
0x20: {  	[sflag:s17] =	ssyncadd.s32 $0xFFFFC000  }
0x21: {  	[tilespmem:s13], [sflag:$0x1] =	stream.indirect.gather [hbm4b:s3+s12], $0x80, s18, s12, $0xb8;
	[tilespmem:$0x9000] =	vst v63  }
0x22: {  	_ = 	snop  }
0x23: {  	[hbm4b:s7+s2] =	stream.linear.scatter [tilespmem:s15], [sflag:$0x4], $0x4000, $0x38;
	[tilespmem:$0x9000] =	vst v63  }
0x24: {  	_ =	swait.ge [sflag:s14], $0x4000  }
0x25: {  	[sflag:s14] =	ssyncset.done $0x0  }
0x26: {  	[sflag:s14] =	ssyncadd.s32 $0xFFFFC000  }
0x27: {  	_ =	swait.ge [sflag:s19], $0x4000  }
0x28: {  	[sflag:s19] =	ssyncset.done $0x0  }
0x29: {  	s22 =	simm.s32 $0x180;
	[sflag:s19] =	ssyncadd.s32 $0xFFFFC000  }
0x2a: {  	[tilespmem:s15], [sflag:$0x2] =	stream.indirect.gather [hbm4b:s3+s12], $0x80, s22, s12, $0xb8;
	[tilespmem:$0x9000] =	vst v63  }
0x2b: {  	_ = 	snop  }
0x2c: {  	[hbm4b:s10+s2] =	stream.linear.scatter [tilespmem:s13], [sflag:$0x3], $0x4000, $0x38;
	[tilespmem:$0x9000] =	vst v63  }
0x2d: {  	_ =	swait.ge [sflag:s16], $0x4000  }
0x2e: {  	[sflag:s16] =	ssyncset.done $0x0  }
0x2f: {  	[sflag:s16] =	ssyncadd.s32 $0xFFFFC000  }
0x30: {  	_ =	swait.ge [sflag:s17], $0x4000  }
0x31: {  	s31 =	simm.s32 $0x200;
	s24 =	sadd.s32 $0x800, s10;
	[sflag:s17] =	ssyncset.done $0x0  }
0x32: {  	s23 =	sadd.s32 $0x1000, s10;
	s22 =	simm.s32 $0x400;
	[sflag:s17] =	ssyncadd.s32 $0xFFFFC000  }
0x33: {  	[tilespmem:s13], [sflag:$0x1] =	stream.indirect.gather [hbm4b:s3+s12], $0x80, s31, s12, $0xb8;
	[tilespmem:$0x9000] =	vst v63  }
.LBB2_2:
0x34: {  	[hbm4b:s24+s2] =	stream.linear.scatter [tilespmem:s15], [sflag:$0x4], $0x4000, $0x38;
	[tilespmem:$0x9000] =	vst v63  }
0x35: {  	s24 =	smov.u32 s22  }
0x36: {  	p0 =	sne.s32 s22, $0x3400;
	s22 =	sadd.s32 $0x400, s22;
	_ =	swait.ge [sflag:s14], $0x4000  }
0x37: {  	[sflag:s14] =	ssyncset.done $0x0  }
0x38: {  	[sflag:s14] =	ssyncadd.s32 $0xFFFFC000  }
0x39: {  	_ =	swait.ge [sflag:s19], $0x4000  }
0x3a: {  	s24 =	sshra.s32 s24, $0x2;
	[sflag:s19] =	ssyncset.done $0x0  }
0x3b: {  	s25 =	sadd.s32 $0x180, s24;
	[sflag:s19] =	ssyncadd.s32 $0xFFFFC000  }
0x3c: {  	[tilespmem:s15], [sflag:$0x2] =	stream.indirect.gather [hbm4b:s3+s12], $0x80, s25, s12, $0xb8;
	[tilespmem:$0x9000] =	vst v63  }
0x3d: {  	_ = 	snop  }
0x3e: {  	[hbm4b:s23+s2] =	stream.linear.scatter [tilespmem:s13], [sflag:$0x3], $0x4000, $0x38;
	[tilespmem:$0x9000] =	vst v63  }
0x3f: {  	_ =	swait.ge [sflag:s16], $0x4000  }
0x40: {  	[sflag:s16] =	ssyncset.done $0x0  }
0x41: {  	[sflag:s16] =	ssyncadd.s32 $0xFFFFC000  }
.Ltmp0:
0x42: {  	_ =	swait.ge [sflag:s17], $0x4000;
	(pc) =	sbr.rel @p0 .LBB2_2-.Ltmp0, $4  }
0x43: {  	[sflag:s17] =	ssyncset.done $0x0  }
0x44: {  	s24 =	sadd.s32 $0x200, s24;
	[sflag:s17] =	ssyncadd.s32 $0xFFFFC000  }
0x45: {  	[tilespmem:s13], [sflag:$0x1] =	stream.indirect.gather [hbm4b:s3+s12], $0x80, s24, s12, $0xb8;
	[tilespmem:$0x9000] =	vst v63  }
0x46: {  	s24 =	sadd.s32 $0x800, s23;
	s23 =	sadd.s32 $0x1000, s23  }
0x47: {  	[hbm4b:s24+s2] =	stream.linear.scatter [tilespmem:s15], [sflag:$0x4], $0x4000, $0x38;
	[tilespmem:$0x9000] =	vst v63  }
0x48: {  	_ =	swait.ge [sflag:s14], $0x4000  }
0x49: {  	[sflag:s14] =	ssyncset.done $0x0  }
0x4a: {  	[sflag:s14] =	ssyncadd.s32 $0xFFFFC000  }
0x4b: {  	_ =	swait.ge [sflag:s19], $0x4000  }
0x4c: {  	[sflag:s19] =	ssyncset.done $0x0  }
0x4d: {  	[sflag:s19] =	ssyncadd.s32 $0xFFFFC000  }
0x4e: {  	[tilespmem:s15], [sflag:$0x2] =	stream.indirect.gather [hbm4b:s3+s12], $0x80, s20, s12, $0xb8;
	[tilespmem:$0x9000] =	vst v63  }
0x4f: {  	_ = 	snop  }
0x50: {  	[hbm4b:s8+s2] =	stream.linear.scatter [tilespmem:s13], [sflag:$0x3], $0x4000, $0x38;
	[tilespmem:$0x9000] =	vst v63  }
0x51: {  	_ =	swait.ge [sflag:s16], $0x4000  }
0x52: {  	[sflag:s16] =	ssyncset.done $0x0  }
0x53: {  	[sflag:s16] =	ssyncadd.s32 $0xFFFFC000  }
0x54: {  	s21 =	sadd.s32 $0x1, s21;
	_ =	swait.ge [sflag:s17], $0x4000  }
0x55: {  	p0 =	sne.s32 s21, s6;
	[sflag:s17] =	ssyncset.done $0x0  }
.Ltmp1:
0x56: {  	[sflag:s17] =	ssyncadd.s32 $0xFFFFC000;
	(pc) =	sbr.rel @p0 .LBB2_1-.Ltmp1, $4  }
0x57: {  	[hbm4b:s9+s2] =	stream.linear.scatter [tilespmem:s15], [sflag:$0x4], $0x4000, $0x38;
	[tilespmem:$0x9000] =	vst v63  }
0x58: {  	_ =	swait.ge [sflag:s19], $0x4000  }
0x59: {  	[sflag:s19] =	ssyncset.done $0x0  }
0x5a: {  	[sflag:s19] =	ssyncadd.s32 $0xFFFFC000  }
0x5b: {  	_ =	sfence.sel $0x180000  }
0x5c: {  	[bflag:$0x0] =	sbarrier.arrive $0xFFFF  }
0x5d: {  	p0 =	sne.s32 s1, $0x0;
	_ =	strace $0x90000047  }
0x5e: {  	s0 =	sadd.s32 @!p0 $0x100000, s0;
	[bflag:$0x2] =	sbarrier.arrive $0xFFFF  }
0x5f: {  	[sflag:s0] =	ssyncadd.tile.s32 @!p0 $0x1;
	_ =	shalt  }
.Lfunc_end2:
_tile_overlayer_lowered:
.L_overlay_start_2:
0x60: {  	(tag) =	ssettag $0x2  }
0x61: {  	s0 =	rddreg [dreg:$0x0];
	s2 =	stileid.u32  }
0x62: {  	s1 =	rddreg [dreg:$0x1];
	p0 =	sne.s32 s2, $0x0  }
0x63: {  	s3 =	rddreg [dreg:$0x2];
	[bflag:$0x3] =	sbarrier.arrive $0xFFFF;
	s2 =	simm.s32 @!p0 $0x1C05  }
0x64: {  	[timem:s3], [sflag:s2] =	dma.local @!p0 [hbm:s0], s1  }
0x65: {  	s0 =	simm.s32 @!p0 $0x5  }
0x66: {  	_ =	swait.ge @!p0 [sflag:s0], s1  }
0x67: {  	s1 =	ssub.s32 @!p0 $0x0, s1;
	[sflag:s0] =	ssyncset.done @!p0 $0x0  }
0x68: {  	[sflag:s0] =	ssyncadd.s32 @!p0 s1  }
0x69: {  	[bflag:$0x3] =	sbarrier.arrive $0xFFFF  }
0x6a: {  	_ =	shalt  }

</sc_bundles>
